<compile_context>
chip_gen: v7x
topology: tpu7x:2x2x1
jax: 0.10.2.dev20260603
libtpu: 0.0.44.dev20260713+nightly
codegen_flags: <defaults>
</compile_context>

<pallas_src>
import functools

import jax
import jax.numpy as jnp
from jax import lax
from jax.experimental import pallas as pl
from jax.experimental.pallas import tpu as pltpu
from jax.experimental.pallas import tpu_sc as plsc

N = 10000
D_IN = 128
D_H = 256
E = 320000
NC = 2
NS = 16
EB = 128
HALF = D_H // 2

E2 = E + N
NB_AGG = 168
IDXCH = 24
NSLOT = 2
NCH = NB_AGG // IDXCH
E_PAD = NS * EB * NB_AGG
NB_DEG = E_PAD // (NC * NS * EB)
NPAD = 10112
TRASH = N

_mesh = plsc.VectorSubcoreMesh(core_axis_name="c", subcore_axis_name="s")


@functools.partial(
    pl.kernel,
    mesh=_mesh,
    out_type=jax.ShapeDtypeStruct((NC, NPAD, 16), jnp.float32),
    scratch_types=[
        pltpu.VMEM((NB_DEG, EB), jnp.int32),
        pltpu.VMEM((EB, 16), jnp.float32),
        pltpu.VMEM_SHARED((NPAD, 16), jnp.float32),
    ],
)
def _deg_sc(dst_hbm, zero_hbm, ones_hbm, out_hbm, dst_v, ones_v, acc_sh):
    c = lax.axis_index("c")
    s = lax.axis_index("s")
    w = c * NS + s

    @pl.when(s == 0)
    def _():
        pltpu.sync_copy(zero_hbm, acc_sh)

    pltpu.sync_copy(dst_hbm.at[w], dst_v)
    pltpu.sync_copy(ones_hbm, ones_v)
    plsc.subcore_barrier()

    @pl.loop(0, NB_DEG)
    def _(j):
        pltpu.sync_copy(ones_v, acc_sh.at[dst_v.at[j]], add=True)

    plsc.subcore_barrier()
    stripe = NPAD // NS
    pltpu.sync_copy(
        acc_sh.at[pl.ds(s * stripe, stripe)],
        out_hbm.at[c].at[pl.ds(s * stripe, stripe)],
    )


@functools.partial(
    pl.kernel,
    mesh=_mesh,
    out_type=jax.ShapeDtypeStruct((NC, NPAD, HALF), jnp.float32),
    scratch_types=[
        pltpu.VMEM((IDXCH, EB), jnp.int32),
        pltpu.VMEM((IDXCH, EB), jnp.int32),
        pltpu.VMEM((NSLOT, EB, HALF), jnp.float32),
        pltpu.VMEM_SHARED((NPAD, HALF), jnp.float32),
    ] + [pltpu.SemaphoreType.DMA] * (2 * NSLOT),
)
def _agg_sc(y_hbm, src_hbm, dst_hbm, zero_hbm, out_hbm, src_v, dst_v, rows_v,
            acc_sh, *sems):
    c = lax.axis_index("c")
    s = lax.axis_index("s")
    gsems, ssems = sems[:NSLOT], sems[NSLOT:]

    @pl.when(s == 0)
    def _():
        pltpu.sync_copy(zero_hbm, acc_sh)

    plsc.subcore_barrier()

    def gather_start(j, p):
        pltpu.async_copy(y_hbm.at[c].at[src_v.at[j]], rows_v.at[p], gsems[p])

    def gather_wait(j, p):
        pltpu.make_async_copy(y_hbm.at[c].at[src_v.at[j]], rows_v.at[p],
                              gsems[p]).wait()

    def scat_start(j, p):
        pltpu.async_copy(rows_v.at[p], acc_sh.at[dst_v.at[j]], ssems[p],
                         add=True)

    def scat_wait(j, p):
        pltpu.make_async_copy(rows_v.at[p], acc_sh.at[dst_v.at[j]],
                              ssems[p]).wait()

    ngrp = IDXCH // NSLOT

    @pl.loop(0, NCH)
    def _(k):
        pltpu.sync_copy(src_hbm.at[s].at[k], src_v)
        pltpu.sync_copy(dst_hbm.at[s].at[k], dst_v)
        for p in range(NSLOT):
            gather_start(p, p)

        @pl.loop(0, ngrp)
        def _(g):
            j0 = g * NSLOT
            for p in range(NSLOT):
                gather_wait(j0 + p, p)
                scat_start(j0 + p, p)

            @pl.when(g < ngrp - 1)
            def _():
                for p in range(NSLOT):
                    scat_wait(j0 + p, p)
                    gather_start(j0 + NSLOT + p, p)

        for p in range(NSLOT):
            scat_wait(IDXCH - NSLOT + p, p)

    plsc.subcore_barrier()
    stripe = NPAD // NS
    pltpu.sync_copy(
        acc_sh.at[pl.ds(s * stripe, stripe)],
        out_hbm.at[c].at[pl.ds(s * stripe, stripe)],
    )


BLK = 1000


def _dinv_from(deg_ref):
    deg = deg_ref[0, :, 0] + deg_ref[1, :, 0]
    return lax.rsqrt(deg)[:, None]


def _mm(a, b):
    return jnp.dot(a, b, preferred_element_type=jnp.float32,
                   precision=lax.Precision.HIGHEST)


def _l1_body(x_ref, w_ref, y_ref):
    y_ref[...] = _mm(x_ref[...], w_ref[...])


def _scale_body(xw_ref, deg_ref, y_ref):
    dinv = _dinv_from(deg_ref)
    y = xw_ref[...] * dinv
    y_ref[0] = y[:, :HALF]
    y_ref[1] = y[:, HALF:]


def _mid_body(a_ref, deg_ref, b_ref, w_ref, y_ref):
    dinv = _dinv_from(deg_ref)
    h = jnp.concatenate([a_ref[0], a_ref[1]], axis=1) * dinv + b_ref[...]
    h = jnp.maximum(h, 0.0)
    y = _mm(h, w_ref[...]) * dinv
    y_ref[0] = y[:, :HALF]
    y_ref[1] = y[:, HALF:]


def _fin_body(a_ref, deg_ref, b_ref, o_ref):
    dinv = _dinv_from(deg_ref)
    o_ref[...] = jnp.concatenate([a_ref[0], a_ref[1]], axis=1) * dinv + b_ref[...]


_spec_half = pl.BlockSpec((NC, BLK, HALF), lambda i: (0, i, 0))
_spec_deg = pl.BlockSpec((NC, BLK, 16), lambda i: (0, i, 0))
_spec_full = pl.BlockSpec((BLK, D_H), lambda i: (i, 0))
_spec_b = pl.BlockSpec((D_H,), lambda i: (0,))
_spec_w = pl.BlockSpec((D_H, D_H), lambda i: (0, 0))


def kernel(x, edge_index, W1, b1, W2, b2, W3, b3):
    pad = E_PAD - E2
    loop = jnp.arange(N, dtype=jnp.int32)
    src = jnp.concatenate([edge_index[0], loop,
                           jnp.zeros((pad,), jnp.int32)])
    dst = jnp.concatenate([edge_index[1], loop,
                           jnp.full((pad,), TRASH, jnp.int32)])
    src_agg = src.reshape(NS, NCH, IDXCH, EB)
    dst_agg = dst.reshape(NS, NCH, IDXCH, EB)
    dst_deg = dst.reshape(NC * NS, NB_DEG, EB)
    zeros_acc = jnp.zeros((NPAD, HALF), jnp.float32)
    zeros_deg = jnp.zeros((NPAD, 16), jnp.float32)
    ones_rows = jnp.ones((EB, 16), jnp.float32)

    deg = _deg_sc(dst_deg, zeros_deg, ones_rows)

    nsteps = N // BLK

    xw1 = pl.pallas_call(
        _l1_body,
        grid=(nsteps,),
        in_specs=[pl.BlockSpec((BLK, D_IN), lambda i: (i, 0)),
                  pl.BlockSpec((D_IN, D_H), lambda i: (0, 0))],
        out_specs=_spec_full,
        out_shape=jax.ShapeDtypeStruct((N, D_H), jnp.float32),
    )(x, W1)

    y1 = pl.pallas_call(
        _scale_body,
        grid=(nsteps,),
        in_specs=[_spec_full, _spec_deg],
        out_specs=_spec_half,
        out_shape=jax.ShapeDtypeStruct((NC, N, HALF), jnp.float32),
    )(xw1, deg)

    a1 = _agg_sc(y1, src_agg, dst_agg, zeros_acc)

    mid = pl.pallas_call(
        _mid_body,
        grid=(nsteps,),
        in_specs=[_spec_half, _spec_deg, _spec_b, _spec_w],
        out_specs=_spec_half,
        out_shape=jax.ShapeDtypeStruct((NC, N, HALF), jnp.float32),
    )

    y2 = mid(a1, deg, b1, W2)
    a2 = _agg_sc(y2, src_agg, dst_agg, zeros_acc)
    y3 = mid(a2, deg, b2, W3)
    a3 = _agg_sc(y3, src_agg, dst_agg, zeros_acc)

    out = pl.pallas_call(
        _fin_body,
        grid=(nsteps,),
        in_specs=[_spec_half, _spec_deg, _spec_b],
        out_specs=_spec_full,
        out_shape=jax.ShapeDtypeStruct((N, D_H), jnp.float32),
    )(a3, deg, b3)
    return out

# --- scband reference (transcript-rebuilt; emitter-appended) ---
"""Pipeline reference for scband-gnn-62654982914513 (READ-ONLY COPY).

The authoritative reference and input builder live on the scoring server;
editing this copy changes nothing except your own understanding.
"""

import jax, jax.numpy as jnp
import numpy as np

N = 10000
E = 320000
D_IN = 128
D_H = 256

def _glorot(key, fan_in, fan_out):
    limit = jnp.sqrt(6.0 / (fan_in + fan_out))
    return jax.random.uniform(key, (fan_in, fan_out), minval=-limit, maxval=limit, dtype=jnp.float32)

def setup_inputs(seed: int = 0):
    key = jax.random.key(seed)
    ks = jax.random.split(key, 8)
    x = jax.random.normal(ks[0], (N, D_IN), dtype=jnp.float32)
    edge_index = jax.random.randint(ks[1], (2, E), 0, N, dtype=jnp.int32)
    W1 = _glorot(ks[2], D_IN, D_H)
    b1 = jnp.zeros((D_H,), dtype=jnp.float32)
    W2 = _glorot(ks[3], D_H, D_H)
    b2 = jnp.zeros((D_H,), dtype=jnp.float32)
    W3 = _glorot(ks[4], D_H, D_H)
    b3 = jnp.zeros((D_H,), dtype=jnp.float32)
    return {"x": x, "edge_index": edge_index, "W1": W1, "b1": b1, "W2": W2, "b2": b2, "W3": W3, "b3": b3}

def _gcn_conv(x, src, dst, W, b):
    # PyG-style GCNConv: linear transform, symmetric normalization with self-loops,
    # scatter-add aggregation by destination node, then bias.
    xw = x @ W
    deg = jnp.zeros((N,), dtype=jnp.float32).at[dst].add(1.0)
    dinv = jnp.where(deg > 0, deg ** -0.5, 0.0)
    norm = dinv[src] * dinv[dst]
    out = jnp.zeros((N, W.shape[1]), dtype=jnp.float32).at[dst].add(norm[:, None] * xw[src])
    return out + b

def reference(x, edge_index, W1, b1, W2, b2, W3, b3):
    loop = jnp.arange(N, dtype=edge_index.dtype)
    src = jnp.concatenate([edge_index[0], loop])
    dst = jnp.concatenate([edge_index[1], loop])
    h = _gcn_conv(x, src, dst, W1, b1)
    h = jax.nn.relu(h)
    h = _gcn_conv(h, src, dst, W2, b2)
    h = jax.nn.relu(h)
    h = _gcn_conv(h, src, dst, W3, b3)
    return h

if __name__ == "__main__":
    import jax
    _d = setup_inputs()
    print(jax.jit(kernel)(*tuple(_d.values())))

</pallas_src>

<mosaic_0001>
#map = affine_map<(d0, d1) -> (0, 0, 0)>
#map1 = affine_map<(d0, d1) -> (0, 0, 0, 0)>
#map2 = affine_map<(d0, d1) -> (0, 0)>
module attributes {stable_mosaic.version = 14 : i64} {
  func.func @_agg_sc(%arg0: i32, %arg1: i32, %arg2: memref<2x10000x128xf32, #tpu.memory_space<hbm>>, %arg3: memref<16x7x24x128xi32, #tpu.memory_space<hbm>>, %arg4: memref<16x7x24x128xi32, #tpu.memory_space<hbm>>, %arg5: memref<10112x128xf32, #tpu.memory_space<hbm>>, %arg6: memref<2x10112x128xf32, #tpu.memory_space<hbm>>, %arg7: memref<24x128xi32, #tpu.memory_space<vmem>>, %arg8: memref<24x128xi32, #tpu.memory_space<vmem>>, %arg9: memref<2x128x128xf32, #tpu.memory_space<vmem>>, %arg10: memref<10112x128xf32, #tpu.memory_space<vmem_shared>>, %arg11: memref<!tpu.dma_semaphore, #tpu.memory_space<semaphore_mem>>, %arg12: memref<!tpu.dma_semaphore, #tpu.memory_space<semaphore_mem>>, %arg13: memref<!tpu.dma_semaphore, #tpu.memory_space<semaphore_mem>>, %arg14: memref<!tpu.dma_semaphore, #tpu.memory_space<semaphore_mem>>) attributes {dimension_semantics = [#tpu.dimension_semantics<core_parallel>, #tpu.dimension_semantics<subcore_parallel>], iteration_bounds = array<i64: 2, 16>, scalar_prefetch = 0 : i64, scratch_operands = 8 : i64, tpu.core_type = #tpu.core_type<sc_vector_subcore>, window_params = [{transform_indices = #map}, {transform_indices = #map1}, {transform_indices = #map1}, {transform_indices = #map2}, {transform_indices = #map}]} {
    %eq3A = arith.constant 0 : i32
    %eq3A_0 = arith.cmpi eq, %arg1, %eq3A : i32
    %convert_element_type3A = arith.extui %eq3A_0 : i1 to i32
    %cond3A = arith.constant 0 : i32
    %cond3A_1 = arith.cmpi ne, %convert_element_type3A, %cond3A : i32
    scf.if %cond3A_1 {
      "tpu.region"() ({
        %run_scoped3A = tpu.sem_alloc : memref<!tpu.dma_semaphore, #tpu.memory_space<semaphore_mem>>
        tpu.enqueue_dma source(%arg5 : memref<10112x128xf32, #tpu.memory_space<hbm>>) target(%arg10 : memref<10112x128xf32, #tpu.memory_space<vmem_shared>>) target_semaphore(%run_scoped3A : memref<!tpu.dma_semaphore, #tpu.memory_space<semaphore_mem>>)
        tpu.wait_dma2 semaphore(%run_scoped3A : memref<!tpu.dma_semaphore, #tpu.memory_space<semaphore_mem>>) src(%arg5 : memref<10112x128xf32, #tpu.memory_space<hbm>>) dst(%arg10 : memref<10112x128xf32, #tpu.memory_space<vmem_shared>>)
        tpu.yield
      }) : () -> ()
    } else {
    }
    %barrier3A = arith.constant 0 : index
    tpu.barrier barrier_id(%barrier3A)
    %scan3A = arith.constant 0 : i32
    %scan3A_2 = arith.constant 7 : i32
    %scan3A_3 = arith.addi %scan3A, %scan3A_2 : i32
    %scan3A_4 = arith.constant 1 : i32
    scf.for %scan3A_10 = %scan3A to %scan3A_3 step %scan3A_4  : i32 {
      %mul3A_11 = arith.constant 1 : i32
      %mul3A_12 = arith.muli %scan3A_10, %mul3A_11 : i32
      %add3A = arith.constant 0 : i32
      %add3A_13 = arith.addi %add3A, %mul3A_12 : i32
      "tpu.region"() ({
        %run_scoped3A = tpu.sem_alloc : memref<!tpu.dma_semaphore, #tpu.memory_space<semaphore_mem>>
        %dma_start3A_73 = arith.constant 0 : i32
        %dma_start3A_74 = arith.constant 0 : i32
        %dma_start3A_75 = arith.constant 0 : i32
        %dma_start3A_76 = tpu.memref_slice %arg3[%arg1, %dma_start3A_73, %dma_start3A_74, %dma_start3A_75] : memref<16x7x24x128xi32, #tpu.memory_space<hbm>> -> memref<1x7x24x128xi32, #tpu.memory_space<hbm>>
        %dma_start3A_77 = tpu.memref_squeeze %dma_start3A_76 : memref<1x7x24x128xi32, #tpu.memory_space<hbm>> -> memref<7x24x128xi32, #tpu.memory_space<hbm>>
        %dma_start3A_78 = arith.constant 0 : i32
        %dma_start3A_79 = arith.constant 0 : i32
        %dma_start3A_80 = tpu.memref_slice %dma_start3A_77[%add3A_13, %dma_start3A_78, %dma_start3A_79] : memref<7x24x128xi32, #tpu.memory_space<hbm>> -> memref<1x24x128xi32, #tpu.memory_space<hbm>>
        %dma_start3A_81 = tpu.memref_squeeze %dma_start3A_80 : memref<1x24x128xi32, #tpu.memory_space<hbm>> -> memref<24x128xi32, #tpu.memory_space<hbm>>
        %dma_start3A_82 = arith.constant 0 : i32
        %dma_start3A_83 = arith.constant 0 : i32
        %dma_start3A_84 = arith.constant 0 : i32
        %dma_start3A_85 = tpu.memref_slice %arg3[%arg1, %dma_start3A_82, %dma_start3A_83, %dma_start3A_84] : memref<16x7x24x128xi32, #tpu.memory_space<hbm>> -> memref<1x7x24x128xi32, #tpu.memory_space<hbm>>
        %dma_start3A_86 = tpu.memref_squeeze %dma_start3A_85 : memref<1x7x24x128xi32, #tpu.memory_space<hbm>> -> memref<7x24x128xi32, #tpu.memory_space<hbm>>
        %dma_start3A_87 = arith.constant 0 : i32
        %dma_start3A_88 = arith.constant 0 : i32
        %dma_start3A_89 = tpu.memref_slice %dma_start3A_86[%add3A_13, %dma_start3A_87, %dma_start3A_88] : memref<7x24x128xi32, #tpu.memory_space<hbm>> -> memref<1x24x128xi32, #tpu.memory_space<hbm>>
        %dma_start3A_90 = tpu.memref_squeeze %dma_start3A_89 : memref<1x24x128xi32, #tpu.memory_space<hbm>> -> memref<24x128xi32, #tpu.memory_space<hbm>>
        tpu.enqueue_dma source(%dma_start3A_90 : memref<24x128xi32, #tpu.memory_space<hbm>>) target(%arg7 : memref<24x128xi32, #tpu.memory_space<vmem>>) target_semaphore(%run_scoped3A : memref<!tpu.dma_semaphore, #tpu.memory_space<semaphore_mem>>)
        %dma_wait3A_91 = arith.constant 0 : i32
        %dma_wait3A_92 = arith.constant 0 : i32
        %dma_wait3A_93 = arith.constant 0 : i32
        %dma_wait3A_94 = tpu.memref_slice %arg3[%arg1, %dma_wait3A_91, %dma_wait3A_92, %dma_wait3A_93] : memref<16x7x24x128xi32, #tpu.memory_space<hbm>> -> memref<1x7x24x128xi32, #tpu.memory_space<hbm>>
        %dma_wait3A_95 = tpu.memref_squeeze %dma_wait3A_94 : memref<1x7x24x128xi32, #tpu.memory_space<hbm>> -> memref<7x24x128xi32, #tpu.memory_space<hbm>>
        %dma_wait3A_96 = arith.constant 0 : i32
        %dma_wait3A_97 = arith.constant 0 : i32
        %dma_wait3A_98 = tpu.memref_slice %dma_wait3A_95[%add3A_13, %dma_wait3A_96, %dma_wait3A_97] : memref<7x24x128xi32, #tpu.memory_space<hbm>> -> memref<1x24x128xi32, #tpu.memory_space<hbm>>
        %dma_wait3A_99 = tpu.memref_squeeze %dma_wait3A_98 : memref<1x24x128xi32, #tpu.memory_space<hbm>> -> memref<24x128xi32, #tpu.memory_space<hbm>>
        %dma_wait3A_100 = arith.constant 0 : i32
        %dma_wait3A_101 = arith.constant 0 : i32
        %dma_wait3A_102 = arith.constant 0 : i32
        %dma_wait3A_103 = tpu.memref_slice %arg3[%arg1, %dma_wait3A_100, %dma_wait3A_101, %dma_wait3A_102] : memref<16x7x24x128xi32, #tpu.memory_space<hbm>> -> memref<1x7x24x128xi32, #tpu.memory_space<hbm>>
        %dma_wait3A_104 = tpu.memref_squeeze %dma_wait3A_103 : memref<1x7x24x128xi32, #tpu.memory_space<hbm>> -> memref<7x24x128xi32, #tpu.memory_space<hbm>>
        %dma_wait3A_105 = arith.constant 0 : i32
        %dma_wait3A_106 = arith.constant 0 : i32
        %dma_wait3A_107 = tpu.memref_slice %dma_wait3A_104[%add3A_13, %dma_wait3A_105, %dma_wait3A_106] : memref<7x24x128xi32, #tpu.memory_space<hbm>> -> memref<1x24x128xi32, #tpu.memory_space<hbm>>
        %dma_wait3A_108 = tpu.memref_squeeze %dma_wait3A_107 : memref<1x24x128xi32, #tpu.memory_space<hbm>> -> memref<24x128xi32, #tpu.memory_space<hbm>>
        tpu.wait_dma2 semaphore(%run_scoped3A : memref<!tpu.dma_semaphore, #tpu.memory_space<semaphore_mem>>) src(%dma_wait3A_108 : memref<24x128xi32, #tpu.memory_space<hbm>>) dst(%arg7 : memref<24x128xi32, #tpu.memory_space<vmem>>)
        tpu.yield
      }) : () -> ()
      "tpu.region"() ({
        %run_scoped3A = tpu.sem_alloc : memref<!tpu.dma_semaphore, #tpu.memory_space<semaphore_mem>>
        %dma_start3A_73 = arith.constant 0 : i32
        %dma_start3A_74 = arith.constant 0 : i32
        %dma_start3A_75 = arith.constant 0 : i32
        %dma_start3A_76 = tpu.memref_slice %arg4[%arg1, %dma_start3A_73, %dma_start3A_74, %dma_start3A_75] : memref<16x7x24x128xi32, #tpu.memory_space<hbm>> -> memref<1x7x24x128xi32, #tpu.memory_space<hbm>>
        %dma_start3A_77 = tpu.memref_squeeze %dma_start3A_76 : memref<1x7x24x128xi32, #tpu.memory_space<hbm>> -> memref<7x24x128xi32, #tpu.memory_space<hbm>>
        %dma_start3A_78 = arith.constant 0 : i32
        %dma_start3A_79 = arith.constant 0 : i32
        %dma_start3A_80 = tpu.memref_slice %dma_start3A_77[%add3A_13, %dma_start3A_78, %dma_start3A_79] : memref<7x24x128xi32, #tpu.memory_space<hbm>> -> memref<1x24x128xi32, #tpu.memory_space<hbm>>
        %dma_start3A_81 = tpu.memref_squeeze %dma_start3A_80 : memref<1x24x128xi32, #tpu.memory_space<hbm>> -> memref<24x128xi32, #tpu.memory_space<hbm>>
        %dma_start3A_82 = arith.constant 0 : i32
        %dma_start3A_83 = arith.constant 0 : i32
        %dma_start3A_84 = arith.constant 0 : i32
        %dma_start3A_85 = tpu.memref_slice %arg4[%arg1, %dma_start3A_82, %dma_start3A_83, %dma_start3A_84] : memref<16x7x24x128xi32, #tpu.memory_space<hbm>> -> memref<1x7x24x128xi32, #tpu.memory_space<hbm>>
        %dma_start3A_86 = tpu.memref_squeeze %dma_start3A_85 : memref<1x7x24x128xi32, #tpu.memory_space<hbm>> -> memref<7x24x128xi32, #tpu.memory_space<hbm>>
        %dma_start3A_87 = arith.constant 0 : i32
        %dma_start3A_88 = arith.constant 0 : i32
        %dma_start3A_89 = tpu.memref_slice %dma_start3A_86[%add3A_13, %dma_start3A_87, %dma_start3A_88] : memref<7x24x128xi32, #tpu.memory_space<hbm>> -> memref<1x24x128xi32, #tpu.memory_space<hbm>>
        %dma_start3A_90 = tpu.memref_squeeze %dma_start3A_89 : memref<1x24x128xi32, #tpu.memory_space<hbm>> -> memref<24x128xi32, #tpu.memory_space<hbm>>
        tpu.enqueue_dma source(%dma_start3A_90 : memref<24x128xi32, #tpu.memory_space<hbm>>) target(%arg8 : memref<24x128xi32, #tpu.memory_space<vmem>>) target_semaphore(%run_scoped3A : memref<!tpu.dma_semaphore, #tpu.memory_space<semaphore_mem>>)
        %dma_wait3A_91 = arith.constant 0 : i32
        %dma_wait3A_92 = arith.constant 0 : i32
        %dma_wait3A_93 = arith.constant 0 : i32
        %dma_wait3A_94 = tpu.memref_slice %arg4[%arg1, %dma_wait3A_91, %dma_wait3A_92, %dma_wait3A_93] : memref<16x7x24x128xi32, #tpu.memory_space<hbm>> -> memref<1x7x24x128xi32, #tpu.memory_space<hbm>>
        %dma_wait3A_95 = tpu.memref_squeeze %dma_wait3A_94 : memref<1x7x24x128xi32, #tpu.memory_space<hbm>> -> memref<7x24x128xi32, #tpu.memory_space<hbm>>
        %dma_wait3A_96 = arith.constant 0 : i32
        %dma_wait3A_97 = arith.constant 0 : i32
        %dma_wait3A_98 = tpu.memref_slice %dma_wait3A_95[%add3A_13, %dma_wait3A_96, %dma_wait3A_97] : memref<7x24x128xi32, #tpu.memory_space<hbm>> -> memref<1x24x128xi32, #tpu.memory_space<hbm>>
        %dma_wait3A_99 = tpu.memref_squeeze %dma_wait3A_98 : memref<1x24x128xi32, #tpu.memory_space<hbm>> -> memref<24x128xi32, #tpu.memory_space<hbm>>
        %dma_wait3A_100 = arith.constant 0 : i32
        %dma_wait3A_101 = arith.constant 0 : i32
        %dma_wait3A_102 = arith.constant 0 : i32
        %dma_wait3A_103 = tpu.memref_slice %arg4[%arg1, %dma_wait3A_100, %dma_wait3A_101, %dma_wait3A_102] : memref<16x7x24x128xi32, #tpu.memory_space<hbm>> -> memref<1x7x24x128xi32, #tpu.memory_space<hbm>>
        %dma_wait3A_104 = tpu.memref_squeeze %dma_wait3A_103 : memref<1x7x24x128xi32, #tpu.memory_space<hbm>> -> memref<7x24x128xi32, #tpu.memory_space<hbm>>
        %dma_wait3A_105 = arith.constant 0 : i32
        %dma_wait3A_106 = arith.constant 0 : i32
        %dma_wait3A_107 = tpu.memref_slice %dma_wait3A_104[%add3A_13, %dma_wait3A_105, %dma_wait3A_106] : memref<7x24x128xi32, #tpu.memory_space<hbm>> -> memref<1x24x128xi32, #tpu.memory_space<hbm>>
        %dma_wait3A_108 = tpu.memref_squeeze %dma_wait3A_107 : memref<1x24x128xi32, #tpu.memory_space<hbm>> -> memref<24x128xi32, #tpu.memory_space<hbm>>
        tpu.wait_dma2 semaphore(%run_scoped3A : memref<!tpu.dma_semaphore, #tpu.memory_space<semaphore_mem>>) src(%dma_wait3A_108 : memref<24x128xi32, #tpu.memory_space<hbm>>) dst(%arg8 : memref<24x128xi32, #tpu.memory_space<vmem>>)
        tpu.yield
      }) : () -> ()
      %dma_start3A = arith.constant 0 : i32
      %dma_start3A_14 = arith.constant 0 : i32
      %dma_start3A_15 = arith.constant 0 : i32
      %dma_start3A_16 = arith.constant 0 : i32
      %dma_start3A_17 = tpu.memref_slice %arg9[%dma_start3A_14, %dma_start3A_15, %dma_start3A_16] : memref<2x128x128xf32, #tpu.memory_space<vmem>> -> memref<1x128x128xf32, #tpu.memory_space<vmem>>
      %dma_start3A_18 = tpu.memref_squeeze %dma_start3A_17 : memref<1x128x128xf32, #tpu.memory_space<vmem>> -> memref<128x128xf32, #tpu.memory_space<vmem>>
      %dma_start3A_19 = arith.constant 0 : i32
      %dma_start3A_20 = tpu.memref_slice %arg7[%dma_start3A, %dma_start3A_19] : memref<24x128xi32, #tpu.memory_space<vmem>> -> memref<1x128xi32, #tpu.memory_space<vmem>>
      %dma_start3A_21 = tpu.memref_squeeze %dma_start3A_20 : memref<1x128xi32, #tpu.memory_space<vmem>> -> memref<128xi32, #tpu.memory_space<vmem>>
      %dma_start3A_22 = arith.constant 0 : i32
      %dma_start3A_23 = arith.constant 0 : i32
      %dma_start3A_24 = tpu.memref_slice %arg2[%arg0, %dma_start3A_22, %dma_start3A_23] : memref<2x10000x128xf32, #tpu.memory_space<hbm>> -> memref<1x10000x128xf32, #tpu.memory_space<hbm>>
      %dma_start3A_25 = tpu.memref_squeeze %dma_start3A_24 : memref<1x10000x128xf32, #tpu.memory_space<hbm>> -> memref<10000x128xf32, #tpu.memory_space<hbm>>
      %dma_start3A_26 = arith.constant 0 : i32
      %dma_start3A_27 = arith.constant 0 : i32
      %dma_start3A_28 = tpu.memref_slice %dma_start3A_25[%dma_start3A_26, %dma_start3A_27] : memref<10000x128xf32, #tpu.memory_space<hbm>> -> memref<10000x128xf32, #tpu.memory_space<hbm>>
      tpu.enqueue_indirect_dma source(%dma_start3A_28 : memref<10000x128xf32, #tpu.memory_space<hbm>>) target(%dma_start3A_18 : memref<128x128xf32, #tpu.memory_space<vmem>>) offsets(%dma_start3A_21 : memref<128xi32, #tpu.memory_space<vmem>>) semaphore(%arg11 : memref<!tpu.dma_semaphore, #tpu.memory_space<semaphore_mem>>)
      %dma_start3A_29 = arith.constant 1 : i32
      %dma_start3A_30 = arith.constant 1 : i32
      %dma_start3A_31 = arith.constant 0 : i32
      %dma_start3A_32 = arith.constant 0 : i32
      %dma_start3A_33 = tpu.memref_slice %arg9[%dma_start3A_30, %dma_start3A_31, %dma_start3A_32] : memref<2x128x128xf32, #tpu.memory_space<vmem>> -> memref<1x128x128xf32, #tpu.memory_space<vmem>>
      %dma_start3A_34 = tpu.memref_squeeze %dma_start3A_33 : memref<1x128x128xf32, #tpu.memory_space<vmem>> -> memref<128x128xf32, #tpu.memory_space<vmem>>
      %dma_start3A_35 = arith.constant 0 : i32
      %dma_start3A_36 = tpu.memref_slice %arg7[%dma_start3A_29, %dma_start3A_35] : memref<24x128xi32, #tpu.memory_space<vmem>> -> memref<1x128xi32, #tpu.memory_space<vmem>>
      %dma_start3A_37 = tpu.memref_squeeze %dma_start3A_36 : memref<1x128xi32, #tpu.memory_space<vmem>> -> memref<128xi32, #tpu.memory_space<vmem>>
      %dma_start3A_38 = arith.constant 0 : i32
      %dma_start3A_39 = arith.constant 0 : i32
      %dma_start3A_40 = tpu.memref_slice %arg2[%arg0, %dma_start3A_38, %dma_start3A_39] : memref<2x10000x128xf32, #tpu.memory_space<hbm>> -> memref<1x10000x128xf32, #tpu.memory_space<hbm>>
      %dma_start3A_41 = tpu.memref_squeeze %dma_start3A_40 : memref<1x10000x128xf32, #tpu.memory_space<hbm>> -> memref<10000x128xf32, #tpu.memory_space<hbm>>
      %dma_start3A_42 = arith.constant 0 : i32
      %dma_start3A_43 = arith.constant 0 : i32
      %dma_start3A_44 = tpu.memref_slice %dma_start3A_41[%dma_start3A_42, %dma_start3A_43] : memref<10000x128xf32, #tpu.memory_space<hbm>> -> memref<10000x128xf32, #tpu.memory_space<hbm>>
      tpu.enqueue_indirect_dma source(%dma_start3A_44 : memref<10000x128xf32, #tpu.memory_space<hbm>>) target(%dma_start3A_34 : memref<128x128xf32, #tpu.memory_space<vmem>>) offsets(%dma_start3A_37 : memref<128xi32, #tpu.memory_space<vmem>>) semaphore(%arg12 : memref<!tpu.dma_semaphore, #tpu.memory_space<semaphore_mem>>)
      %scan3A_45 = arith.constant 0 : i32
      %scan3A_46 = arith.constant 12 : i32
      %scan3A_47 = arith.addi %scan3A_45, %scan3A_46 : i32
      %scan3A_48 = arith.constant 1 : i32
      scf.for %scan3A_73 = %scan3A_45 to %scan3A_47 step %scan3A_48  : i32 {
        %mul3A_74 = arith.constant 1 : i32
        %mul3A_75 = arith.muli %scan3A_73, %mul3A_74 : i32
        %add3A_76 = arith.constant 0 : i32
        %add3A_77 = arith.addi %add3A_76, %mul3A_75 : i32
        %mul3A_78 = arith.constant 2 : i32
        %mul3A_79 = arith.muli %add3A_77, %mul3A_78 : i32
        %add3A_80 = arith.constant 0 : i32
        %add3A_81 = arith.addi %mul3A_79, %add3A_80 : i32
        %dma_wait3A_82 = arith.constant 0 : i32
        %dma_wait3A_83 = arith.constant 0 : i32
        %dma_wait3A_84 = arith.constant 0 : i32
        %dma_wait3A_85 = tpu.memref_slice %arg9[%dma_wait3A_82, %dma_wait3A_83, %dma_wait3A_84] : memref<2x128x128xf32, #tpu.memory_space<vmem>> -> memref<1x128x128xf32, #tpu.memory_space<vmem>>
        %dma_wait3A_86 = tpu.memref_squeeze %dma_wait3A_85 : memref<1x128x128xf32, #tpu.memory_space<vmem>> -> memref<128x128xf32, #tpu.memory_space<vmem>>
        %dma_wait3A_87 = arith.constant 0 : i32
        %dma_wait3A_88 = tpu.memref_slice %arg7[%add3A_81, %dma_wait3A_87] : memref<24x128xi32, #tpu.memory_space<vmem>> -> memref<1x128xi32, #tpu.memory_space<vmem>>
        %dma_wait3A_89 = tpu.memref_squeeze %dma_wait3A_88 : memref<1x128xi32, #tpu.memory_space<vmem>> -> memref<128xi32, #tpu.memory_space<vmem>>
        %dma_wait3A_90 = arith.constant 0 : i32
        %dma_wait3A_91 = arith.constant 0 : i32
        %dma_wait3A_92 = tpu.memref_slice %arg2[%arg0, %dma_wait3A_90, %dma_wait3A_91] : memref<2x10000x128xf32, #tpu.memory_space<hbm>> -> memref<1x10000x128xf32, #tpu.memory_space<hbm>>
        %dma_wait3A_93 = tpu.memref_squeeze %dma_wait3A_92 : memref<1x10000x128xf32, #tpu.memory_space<hbm>> -> memref<10000x128xf32, #tpu.memory_space<hbm>>
        %dma_wait3A_94 = arith.constant 0 : i32
        %dma_wait3A_95 = arith.constant 0 : i32
        %dma_wait3A_96 = tpu.memref_slice %dma_wait3A_93[%dma_wait3A_94, %dma_wait3A_95] : memref<10000x128xf32, #tpu.memory_space<hbm>> -> memref<10000x128xf32, #tpu.memory_space<hbm>>
        tpu.wait_indirect_dma semaphore(%arg11 : memref<!tpu.dma_semaphore, #tpu.memory_space<semaphore_mem>>) src(%dma_wait3A_96 : memref<10000x128xf32, #tpu.memory_space<hbm>>) dst(%dma_wait3A_86 : memref<128x128xf32, #tpu.memory_space<vmem>>)
        %add3A_97 = arith.constant 0 : i32
        %add3A_98 = arith.addi %mul3A_79, %add3A_97 : i32
        %dma_start3A_99 = arith.constant 0 : i32
        %dma_start3A_100 = arith.constant 0 : i32
        %dma_start3A_101 = arith.constant 0 : i32
        %dma_start3A_102 = tpu.memref_slice %arg9[%dma_start3A_99, %dma_start3A_100, %dma_start3A_101] : memref<2x128x128xf32, #tpu.memory_space<vmem>> -> memref<1x128x128xf32, #tpu.memory_space<vmem>>
        %dma_start3A_103 = tpu.memref_squeeze %dma_start3A_102 : memref<1x128x128xf32, #tpu.memory_space<vmem>> -> memref<128x128xf32, #tpu.memory_space<vmem>>
        %dma_start3A_104 = arith.constant 0 : i32
        %dma_start3A_105 = tpu.memref_slice %arg8[%add3A_98, %dma_start3A_104] : memref<24x128xi32, #tpu.memory_space<vmem>> -> memref<1x128xi32, #tpu.memory_space<vmem>>
        %dma_start3A_106 = tpu.memref_squeeze %dma_start3A_105 : memref<1x128xi32, #tpu.memory_space<vmem>> -> memref<128xi32, #tpu.memory_space<vmem>>
        %dma_start3A_107 = arith.constant 0 : i32
        %dma_start3A_108 = arith.constant 0 : i32
        %dma_start3A_109 = tpu.memref_slice %arg10[%dma_start3A_107, %dma_start3A_108] : memref<10112x128xf32, #tpu.memory_space<vmem_shared>> -> memref<10112x128xf32, #tpu.memory_space<vmem_shared>>
        tpu.enqueue_indirect_dma source(%dma_start3A_103 : memref<128x128xf32, #tpu.memory_space<vmem>>) target(%dma_start3A_109 : memref<10112x128xf32, #tpu.memory_space<vmem_shared>>) offsets(%dma_start3A_106 : memref<128xi32, #tpu.memory_space<vmem>>) semaphore(%arg13 : memref<!tpu.dma_semaphore, #tpu.memory_space<semaphore_mem>>) {add = true}
        %add3A_110 = arith.constant 1 : i32
        %add3A_111 = arith.addi %mul3A_79, %add3A_110 : i32
        %dma_wait3A_112 = arith.constant 1 : i32
        %dma_wait3A_113 = arith.constant 0 : i32
        %dma_wait3A_114 = arith.constant 0 : i32
        %dma_wait3A_115 = tpu.memref_slice %arg9[%dma_wait3A_112, %dma_wait3A_113, %dma_wait3A_114] : memref<2x128x128xf32, #tpu.memory_space<vmem>> -> memref<1x128x128xf32, #tpu.memory_space<vmem>>
        %dma_wait3A_116 = tpu.memref_squeeze %dma_wait3A_115 : memref<1x128x128xf32, #tpu.memory_space<vmem>> -> memref<128x128xf32, #tpu.memory_space<vmem>>
        %dma_wait3A_117 = arith.constant 0 : i32
        %dma_wait3A_118 = tpu.memref_slice %arg7[%add3A_111, %dma_wait3A_117] : memref<24x128xi32, #tpu.memory_space<vmem>> -> memref<1x128xi32, #tpu.memory_space<vmem>>
        %dma_wait3A_119 = tpu.memref_squeeze %dma_wait3A_118 : memref<1x128xi32, #tpu.memory_space<vmem>> -> memref<128xi32, #tpu.memory_space<vmem>>
        %dma_wait3A_120 = arith.constant 0 : i32
        %dma_wait3A_121 = arith.constant 0 : i32
        %dma_wait3A_122 = tpu.memref_slice %arg2[%arg0, %dma_wait3A_120, %dma_wait3A_121] : memref<2x10000x128xf32, #tpu.memory_space<hbm>> -> memref<1x10000x128xf32, #tpu.memory_space<hbm>>
        %dma_wait3A_123 = tpu.memref_squeeze %dma_wait3A_122 : memref<1x10000x128xf32, #tpu.memory_space<hbm>> -> memref<10000x128xf32, #tpu.memory_space<hbm>>
        %dma_wait3A_124 = arith.constant 0 : i32
        %dma_wait3A_125 = arith.constant 0 : i32
        %dma_wait3A_126 = tpu.memref_slice %dma_wait3A_123[%dma_wait3A_124, %dma_wait3A_125] : memref<10000x128xf32, #tpu.memory_space<hbm>> -> memref<10000x128xf32, #tpu.memory_space<hbm>>
        tpu.wait_indirect_dma semaphore(%arg12 : memref<!tpu.dma_semaphore, #tpu.memory_space<semaphore_mem>>) src(%dma_wait3A_126 : memref<10000x128xf32, #tpu.memory_space<hbm>>) dst(%dma_wait3A_116 : memref<128x128xf32, #tpu.memory_space<vmem>>)
        %add3A_127 = arith.constant 1 : i32
        %add3A_128 = arith.addi %mul3A_79, %add3A_127 : i32
        %dma_start3A_129 = arith.constant 1 : i32
        %dma_start3A_130 = arith.constant 0 : i32
        %dma_start3A_131 = arith.constant 0 : i32
        %dma_start3A_132 = tpu.memref_slice %arg9[%dma_start3A_129, %dma_start3A_130, %dma_start3A_131] : memref<2x128x128xf32, #tpu.memory_space<vmem>> -> memref<1x128x128xf32, #tpu.memory_space<vmem>>
        %dma_start3A_133 = tpu.memref_squeeze %dma_start3A_132 : memref<1x128x128xf32, #tpu.memory_space<vmem>> -> memref<128x128xf32, #tpu.memory_space<vmem>>
        %dma_start3A_134 = arith.constant 0 : i32
        %dma_start3A_135 = tpu.memref_slice %arg8[%add3A_128, %dma_start3A_134] : memref<24x128xi32, #tpu.memory_space<vmem>> -> memref<1x128xi32, #tpu.memory_space<vmem>>
        %dma_start3A_136 = tpu.memref_squeeze %dma_start3A_135 : memref<1x128xi32, #tpu.memory_space<vmem>> -> memref<128xi32, #tpu.memory_space<vmem>>
        %dma_start3A_137 = arith.constant 0 : i32
        %dma_start3A_138 = arith.constant 0 : i32
        %dma_start3A_139 = tpu.memref_slice %arg10[%dma_start3A_137, %dma_start3A_138] : memref<10112x128xf32, #tpu.memory_space<vmem_shared>> -> memref<10112x128xf32, #tpu.memory_space<vmem_shared>>
        tpu.enqueue_indirect_dma source(%dma_start3A_133 : memref<128x128xf32, #tpu.memory_space<vmem>>) target(%dma_start3A_139 : memref<10112x128xf32, #tpu.memory_space<vmem_shared>>) offsets(%dma_start3A_136 : memref<128xi32, #tpu.memory_space<vmem>>) semaphore(%arg14 : memref<!tpu.dma_semaphore, #tpu.memory_space<semaphore_mem>>) {add = true}
        %lt3A = arith.constant 11 : i32
        %lt3A_140 = arith.cmpi slt, %add3A_77, %lt3A : i32
        %convert_element_type3A_141 = arith.extui %lt3A_140 : i1 to i32
        %cond3A_142 = arith.constant 0 : i32
        %cond3A_143 = arith.cmpi ne, %convert_element_type3A_141, %cond3A_142 : i32
        scf.if %cond3A_143 {
          %add3A_144 = arith.constant 0 : i32
          %add3A_145 = arith.addi %mul3A_79, %add3A_144 : i32
          %dma_wait3A_146 = arith.constant 0 : i32
          %dma_wait3A_147 = arith.constant 0 : i32
          %dma_wait3A_148 = arith.constant 0 : i32
          %dma_wait3A_149 = tpu.memref_slice %arg9[%dma_wait3A_146, %dma_wait3A_147, %dma_wait3A_148] : memref<2x128x128xf32, #tpu.memory_space<vmem>> -> memref<1x128x128xf32, #tpu.memory_space<vmem>>
          %dma_wait3A_150 = tpu.memref_squeeze %dma_wait3A_149 : memref<1x128x128xf32, #tpu.memory_space<vmem>> -> memref<128x128xf32, #tpu.memory_space<vmem>>
          %dma_wait3A_151 = arith.constant 0 : i32
          %dma_wait3A_152 = tpu.memref_slice %arg8[%add3A_145, %dma_wait3A_151] : memref<24x128xi32, #tpu.memory_space<vmem>> -> memref<1x128xi32, #tpu.memory_space<vmem>>
          %dma_wait3A_153 = tpu.memref_squeeze %dma_wait3A_152 : memref<1x128xi32, #tpu.memory_space<vmem>> -> memref<128xi32, #tpu.memory_space<vmem>>
          %dma_wait3A_154 = arith.constant 0 : i32
          %dma_wait3A_155 = arith.constant 0 : i32
          %dma_wait3A_156 = tpu.memref_slice %arg10[%dma_wait3A_154, %dma_wait3A_155] : memref<10112x128xf32, #tpu.memory_space<vmem_shared>> -> memref<10112x128xf32, #tpu.memory_space<vmem_shared>>
          tpu.wait_indirect_dma semaphore(%arg13 : memref<!tpu.dma_semaphore, #tpu.memory_space<semaphore_mem>>) src(%dma_wait3A_150 : memref<128x128xf32, #tpu.memory_space<vmem>>) dst(%dma_wait3A_156 : memref<10112x128xf32, #tpu.memory_space<vmem_shared>>)
          %add3A_157 = arith.constant 2 : i32
          %add3A_158 = arith.addi %mul3A_79, %add3A_157 : i32
          %add3A_159 = arith.constant 0 : i32
          %add3A_160 = arith.addi %add3A_158, %add3A_159 : i32
          %dma_start3A_161 = arith.constant 0 : i32
          %dma_start3A_162 = arith.constant 0 : i32
          %dma_start3A_163 = arith.constant 0 : i32
          %dma_start3A_164 = tpu.memref_slice %arg9[%dma_start3A_161, %dma_start3A_162, %dma_start3A_163] : memref<2x128x128xf32, #tpu.memory_space<vmem>> -> memref<1x128x128xf32, #tpu.memory_space<vmem>>
          %dma_start3A_165 = tpu.memref_squeeze %dma_start3A_164 : memref<1x128x128xf32, #tpu.memory_space<vmem>> -> memref<128x128xf32, #tpu.memory_space<vmem>>
          %dma_start3A_166 = arith.constant 0 : i32
          %dma_start3A_167 = tpu.memref_slice %arg7[%add3A_160, %dma_start3A_166] : memref<24x128xi32, #tpu.memory_space<vmem>> -> memref<1x128xi32, #tpu.memory_space<vmem>>
          %dma_start3A_168 = tpu.memref_squeeze %dma_start3A_167 : memref<1x128xi32, #tpu.memory_space<vmem>> -> memref<128xi32, #tpu.memory_space<vmem>>
          %dma_start3A_169 = arith.constant 0 : i32
          %dma_start3A_170 = arith.constant 0 : i32
          %dma_start3A_171 = tpu.memref_slice %arg2[%arg0, %dma_start3A_169, %dma_start3A_170] : memref<2x10000x128xf32, #tpu.memory_space<hbm>> -> memref<1x10000x128xf32, #tpu.memory_space<hbm>>
          %dma_start3A_172 = tpu.memref_squeeze %dma_start3A_171 : memref<1x10000x128xf32, #tpu.memory_space<hbm>> -> memref<10000x128xf32, #tpu.memory_space<hbm>>
          %dma_start3A_173 = arith.constant 0 : i32
          %dma_start3A_174 = arith.constant 0 : i32
          %dma_start3A_175 = tpu.memref_slice %dma_start3A_172[%dma_start3A_173, %dma_start3A_174] : memref<10000x128xf32, #tpu.memory_space<hbm>> -> memref<10000x128xf32, #tpu.memory_space<hbm>>
          tpu.enqueue_indirect_dma source(%dma_start3A_175 : memref<10000x128xf32, #tpu.memory_space<hbm>>) target(%dma_start3A_165 : memref<128x128xf32, #tpu.memory_space<vmem>>) offsets(%dma_start3A_168 : memref<128xi32, #tpu.memory_space<vmem>>) semaphore(%arg11 : memref<!tpu.dma_semaphore, #tpu.memory_space<semaphore_mem>>)
          %add3A_176 = arith.constant 1 : i32
          %add3A_177 = arith.addi %mul3A_79, %add3A_176 : i32
          %dma_wait3A_178 = arith.constant 1 : i32
          %dma_wait3A_179 = arith.constant 0 : i32
          %dma_wait3A_180 = arith.constant 0 : i32
          %dma_wait3A_181 = tpu.memref_slice %arg9[%dma_wait3A_178, %dma_wait3A_179, %dma_wait3A_180] : memref<2x128x128xf32, #tpu.memory_space<vmem>> -> memref<1x128x128xf32, #tpu.memory_space<vmem>>
          %dma_wait3A_182 = tpu.memref_squeeze %dma_wait3A_181 : memref<1x128x128xf32, #tpu.memory_space<vmem>> -> memref<128x128xf32, #tpu.memory_space<vmem>>
          %dma_wait3A_183 = arith.constant 0 : i32
          %dma_wait3A_184 = tpu.memref_slice %arg8[%add3A_177, %dma_wait3A_183] : memref<24x128xi32, #tpu.memory_space<vmem>> -> memref<1x128xi32, #tpu.memory_space<vmem>>
          %dma_wait3A_185 = tpu.memref_squeeze %dma_wait3A_184 : memref<1x128xi32, #tpu.memory_space<vmem>> -> memref<128xi32, #tpu.memory_space<vmem>>
          %dma_wait3A_186 = arith.constant 0 : i32
          %dma_wait3A_187 = arith.constant 0 : i32
          %dma_wait3A_188 = tpu.memref_slice %arg10[%dma_wait3A_186, %dma_wait3A_187] : memref<10112x128xf32, #tpu.memory_space<vmem_shared>> -> memref<10112x128xf32, #tpu.memory_space<vmem_shared>>
          tpu.wait_indirect_dma semaphore(%arg14 : memref<!tpu.dma_semaphore, #tpu.memory_space<semaphore_mem>>) src(%dma_wait3A_182 : memref<128x128xf32, #tpu.memory_space<vmem>>) dst(%dma_wait3A_188 : memref<10112x128xf32, #tpu.memory_space<vmem_shared>>)
          %add3A_189 = arith.constant 2 : i32
          %add3A_190 = arith.addi %mul3A_79, %add3A_189 : i32
          %add3A_191 = arith.constant 1 : i32
          %add3A_192 = arith.addi %add3A_190, %add3A_191 : i32
          %dma_start3A_193 = arith.constant 1 : i32
          %dma_start3A_194 = arith.constant 0 : i32
          %dma_start3A_195 = arith.constant 0 : i32
          %dma_start3A_196 = tpu.memref_slice %arg9[%dma_start3A_193, %dma_start3A_194, %dma_start3A_195] : memref<2x128x128xf32, #tpu.memory_space<vmem>> -> memref<1x128x128xf32, #tpu.memory_space<vmem>>
          %dma_start3A_197 = tpu.memref_squeeze %dma_start3A_196 : memref<1x128x128xf32, #tpu.memory_space<vmem>> -> memref<128x128xf32, #tpu.memory_space<vmem>>
          %dma_start3A_198 = arith.constant 0 : i32
          %dma_start3A_199 = tpu.memref_slice %arg7[%add3A_192, %dma_start3A_198] : memref<24x128xi32, #tpu.memory_space<vmem>> -> memref<1x128xi32, #tpu.memory_space<vmem>>
          %dma_start3A_200 = tpu.memref_squeeze %dma_start3A_199 : memref<1x128xi32, #tpu.memory_space<vmem>> -> memref<128xi32, #tpu.memory_space<vmem>>
          %dma_start3A_201 = arith.constant 0 : i32
          %dma_start3A_202 = arith.constant 0 : i32
          %dma_start3A_203 = tpu.memref_slice %arg2[%arg0, %dma_start3A_201, %dma_start3A_202] : memref<2x10000x128xf32, #tpu.memory_space<hbm>> -> memref<1x10000x128xf32, #tpu.memory_space<hbm>>
          %dma_start3A_204 = tpu.memref_squeeze %dma_start3A_203 : memref<1x10000x128xf32, #tpu.memory_space<hbm>> -> memref<10000x128xf32, #tpu.memory_space<hbm>>
          %dma_start3A_205 = arith.constant 0 : i32
          %dma_start3A_206 = arith.constant 0 : i32
          %dma_start3A_207 = tpu.memref_slice %dma_start3A_204[%dma_start3A_205, %dma_start3A_206] : memref<10000x128xf32, #tpu.memory_space<hbm>> -> memref<10000x128xf32, #tpu.memory_space<hbm>>
          tpu.enqueue_indirect_dma source(%dma_start3A_207 : memref<10000x128xf32, #tpu.memory_space<hbm>>) target(%dma_start3A_197 : memref<128x128xf32, #tpu.memory_space<vmem>>) offsets(%dma_start3A_200 : memref<128xi32, #tpu.memory_space<vmem>>) semaphore(%arg12 : memref<!tpu.dma_semaphore, #tpu.memory_space<semaphore_mem>>)
        } else {
        }
      }
      %scan3A_49 = arith.constant 12 : i32
      %dma_wait3A = arith.constant 0 : i32
      %dma_wait3A_50 = arith.constant 22 : i32
      %dma_wait3A_51 = arith.constant 0 : i32
      %dma_wait3A_52 = arith.constant 0 : i32
      %dma_wait3A_53 = tpu.memref_slice %arg9[%dma_wait3A, %dma_wait3A_51, %dma_wait3A_52] : memref<2x128x128xf32, #tpu.memory_space<vmem>> -> memref<1x128x128xf32, #tpu.memory_space<vmem>>
      %dma_wait3A_54 = tpu.memref_squeeze %dma_wait3A_53 : memref<1x128x128xf32, #tpu.memory_space<vmem>> -> memref<128x128xf32, #tpu.memory_space<vmem>>
      %dma_wait3A_55 = arith.constant 0 : i32
      %dma_wait3A_56 = tpu.memref_slice %arg8[%dma_wait3A_50, %dma_wait3A_55] : memref<24x128xi32, #tpu.memory_space<vmem>> -> memref<1x128xi32, #tpu.memory_space<vmem>>
      %dma_wait3A_57 = tpu.memref_squeeze %dma_wait3A_56 : memref<1x128xi32, #tpu.memory_space<vmem>> -> memref<128xi32, #tpu.memory_space<vmem>>
      %dma_wait3A_58 = arith.constant 0 : i32
      %dma_wait3A_59 = arith.constant 0 : i32
      %dma_wait3A_60 = tpu.memref_slice %arg10[%dma_wait3A_58, %dma_wait3A_59] : memref<10112x128xf32, #tpu.memory_space<vmem_shared>> -> memref<10112x128xf32, #tpu.memory_space<vmem_shared>>
      tpu.wait_indirect_dma semaphore(%arg13 : memref<!tpu.dma_semaphore, #tpu.memory_space<semaphore_mem>>) src(%dma_wait3A_54 : memref<128x128xf32, #tpu.memory_space<vmem>>) dst(%dma_wait3A_60 : memref<10112x128xf32, #tpu.memory_space<vmem_shared>>)
      %dma_wait3A_61 = arith.constant 1 : i32
      %dma_wait3A_62 = arith.constant 23 : i32
      %dma_wait3A_63 = arith.constant 0 : i32
      %dma_wait3A_64 = arith.constant 0 : i32
      %dma_wait3A_65 = tpu.memref_slice %arg9[%dma_wait3A_61, %dma_wait3A_63, %dma_wait3A_64] : memref<2x128x128xf32, #tpu.memory_space<vmem>> -> memref<1x128x128xf32, #tpu.memory_space<vmem>>
      %dma_wait3A_66 = tpu.memref_squeeze %dma_wait3A_65 : memref<1x128x128xf32, #tpu.memory_space<vmem>> -> memref<128x128xf32, #tpu.memory_space<vmem>>
      %dma_wait3A_67 = arith.constant 0 : i32
      %dma_wait3A_68 = tpu.memref_slice %arg8[%dma_wait3A_62, %dma_wait3A_67] : memref<24x128xi32, #tpu.memory_space<vmem>> -> memref<1x128xi32, #tpu.memory_space<vmem>>
      %dma_wait3A_69 = tpu.memref_squeeze %dma_wait3A_68 : memref<1x128xi32, #tpu.memory_space<vmem>> -> memref<128xi32, #tpu.memory_space<vmem>>
      %dma_wait3A_70 = arith.constant 0 : i32
      %dma_wait3A_71 = arith.constant 0 : i32
      %dma_wait3A_72 = tpu.memref_slice %arg10[%dma_wait3A_70, %dma_wait3A_71] : memref<10112x128xf32, #tpu.memory_space<vmem_shared>> -> memref<10112x128xf32, #tpu.memory_space<vmem_shared>>
      tpu.wait_indirect_dma semaphore(%arg14 : memref<!tpu.dma_semaphore, #tpu.memory_space<semaphore_mem>>) src(%dma_wait3A_66 : memref<128x128xf32, #tpu.memory_space<vmem>>) dst(%dma_wait3A_72 : memref<10112x128xf32, #tpu.memory_space<vmem_shared>>)
    }
    %scan3A_5 = arith.constant 7 : i32
    %barrier3A_6 = arith.constant 0 : index
    tpu.barrier barrier_id(%barrier3A_6)
    %mul3A = arith.constant 632 : i32
    %mul3A_7 = arith.muli %arg1, %mul3A : i32
    %mul3A_8 = arith.constant 632 : i32
    %mul3A_9 = arith.muli %arg1, %mul3A_8 : i32
    "tpu.region"() ({
      %run_scoped3A = tpu.sem_alloc : memref<!tpu.dma_semaphore, #tpu.memory_space<semaphore_mem>>
      %dma_start3A = arith.constant 0 : i32
      %dma_start3A_10 = arith.constant 0 : i32
      %dma_start3A_11 = tpu.memref_slice %arg6[%arg0, %dma_start3A, %dma_start3A_10] : memref<2x10112x128xf32, #tpu.memory_space<hbm>> -> memref<1x10112x128xf32, #tpu.memory_space<hbm>>
      %dma_start3A_12 = tpu.memref_squeeze %dma_start3A_11 : memref<1x10112x128xf32, #tpu.memory_space<hbm>> -> memref<10112x128xf32, #tpu.memory_space<hbm>>
      %dma_start3A_13 = arith.constant 0 : i32
      %dma_start3A_14 = tpu.memref_slice %dma_start3A_12[%mul3A_9, %dma_start3A_13] : memref<10112x128xf32, #tpu.memory_space<hbm>> -> memref<632x128xf32, #tpu.memory_space<hbm>>
      %dma_start3A_15 = arith.constant 0 : i32
      %dma_start3A_16 = tpu.memref_slice %arg10[%mul3A_7, %dma_start3A_15] : memref<10112x128xf32, #tpu.memory_space<vmem_shared>> -> memref<632x128xf32, #tpu.memory_space<vmem_shared>>
      tpu.enqueue_dma source(%dma_start3A_16 : memref<632x128xf32, #tpu.memory_space<vmem_shared>>) target(%dma_start3A_14 : memref<632x128xf32, #tpu.memory_space<hbm>>) target_semaphore(%run_scoped3A : memref<!tpu.dma_semaphore, #tpu.memory_space<semaphore_mem>>)
      %dma_wait3A = arith.constant 0 : i32
      %dma_wait3A_17 = arith.constant 0 : i32
      %dma_wait3A_18 = tpu.memref_slice %arg6[%arg0, %dma_wait3A, %dma_wait3A_17] : memref<2x10112x128xf32, #tpu.memory_space<hbm>> -> memref<1x10112x128xf32, #tpu.memory_space<hbm>>
      %dma_wait3A_19 = tpu.memref_squeeze %dma_wait3A_18 : memref<1x10112x128xf32, #tpu.memory_space<hbm>> -> memref<10112x128xf32, #tpu.memory_space<hbm>>
      %dma_wait3A_20 = arith.constant 0 : i32
      %dma_wait3A_21 = tpu.memref_slice %dma_wait3A_19[%mul3A_9, %dma_wait3A_20] : memref<10112x128xf32, #tpu.memory_space<hbm>> -> memref<632x128xf32, #tpu.memory_space<hbm>>
      %dma_wait3A_22 = arith.constant 0 : i32
      %dma_wait3A_23 = tpu.memref_slice %arg10[%mul3A_7, %dma_wait3A_22] : memref<10112x128xf32, #tpu.memory_space<vmem_shared>> -> memref<632x128xf32, #tpu.memory_space<vmem_shared>>
      tpu.wait_dma2 semaphore(%run_scoped3A : memref<!tpu.dma_semaphore, #tpu.memory_space<semaphore_mem>>) src(%dma_wait3A_23 : memref<632x128xf32, #tpu.memory_space<vmem_shared>>) dst(%dma_wait3A_21 : memref<632x128xf32, #tpu.memory_space<hbm>>)
      tpu.yield
    }) : () -> ()
    return
  }
}

#map = affine_map<(d0, d1) -> (0, 0, 0)>
#map1 = affine_map<(d0, d1) -> (0, 0, 0, 0)>
#map2 = affine_map<(d0, d1) -> (0, 0)>
module attributes {stable_mosaic.version = 14 : i64} {
  func.func @_agg_sc(%arg0: i32, %arg1: i32, %arg2: memref<2x10000x128xf32, #tpu.memory_space<hbm>>, %arg3: memref<16x7x24x128xi32, #tpu.memory_space<hbm>>, %arg4: memref<16x7x24x128xi32, #tpu.memory_space<hbm>>, %arg5: memref<10112x128xf32, #tpu.memory_space<hbm>>, %arg6: memref<2x10112x128xf32, #tpu.memory_space<hbm>>, %arg7: memref<24x128xi32, #tpu.memory_space<vmem>>, %arg8: memref<24x128xi32, #tpu.memory_space<vmem>>, %arg9: memref<2x128x128xf32, #tpu.memory_space<vmem>>, %arg10: memref<10112x128xf32, #tpu.memory_space<vmem_shared>>, %arg11: memref<!tpu.dma_semaphore, #tpu.memory_space<semaphore_mem>>, %arg12: memref<!tpu.dma_semaphore, #tpu.memory_space<semaphore_mem>>, %arg13: memref<!tpu.dma_semaphore, #tpu.memory_space<semaphore_mem>>, %arg14: memref<!tpu.dma_semaphore, #tpu.memory_space<semaphore_mem>>) attributes {dimension_semantics = [#tpu.dimension_semantics<core_parallel>, #tpu.dimension_semantics<subcore_parallel>], iteration_bounds = array<i64: 2, 16>, scalar_prefetch = 0 : i64, scratch_operands = 8 : i64, tpu.core_type = #tpu.core_type<sc_vector_subcore>, window_params = [{transform_indices = #map}, {transform_indices = #map1}, {transform_indices = #map1}, {transform_indices = #map2}, {transform_indices = #map}]} {
    %eq3A = arith.constant 0 : i32
    %eq3A_0 = arith.cmpi eq, %arg1, %eq3A : i32
    %convert_element_type3A = arith.extui %eq3A_0 : i1 to i32
    %cond3A = arith.constant 0 : i32
    %cond3A_1 = arith.cmpi ne, %convert_element_type3A, %cond3A : i32
    scf.if %cond3A_1 {
      "tpu.region"() ({
        %run_scoped3A = tpu.sem_alloc : memref<!tpu.dma_semaphore, #tpu.memory_space<semaphore_mem>>
        tpu.enqueue_dma source(%arg5 : memref<10112x128xf32, #tpu.memory_space<hbm>>) target(%arg10 : memref<10112x128xf32, #tpu.memory_space<vmem_shared>>) target_semaphore(%run_scoped3A : memref<!tpu.dma_semaphore, #tpu.memory_space<semaphore_mem>>)
        tpu.wait_dma2 semaphore(%run_scoped3A : memref<!tpu.dma_semaphore, #tpu.memory_space<semaphore_mem>>) src(%arg5 : memref<10112x128xf32, #tpu.memory_space<hbm>>) dst(%arg10 : memref<10112x128xf32, #tpu.memory_space<vmem_shared>>)
        tpu.yield
      }) : () -> ()
    } else {
    }
    %barrier3A = arith.constant 0 : index
    tpu.barrier barrier_id(%barrier3A)
    %scan3A = arith.constant 0 : i32
    %scan3A_2 = arith.constant 7 : i32
    %scan3A_3 = arith.addi %scan3A, %scan3A_2 : i32
    %scan3A_4 = arith.constant 1 : i32
    scf.for %scan3A_10 = %scan3A to %scan3A_3 step %scan3A_4  : i32 {
      %mul3A_11 = arith.constant 1 : i32
      %mul3A_12 = arith.muli %scan3A_10, %mul3A_11 : i32
      %add3A = arith.constant 0 : i32
      %add3A_13 = arith.addi %add3A, %mul3A_12 : i32
      "tpu.region"() ({
        %run_scoped3A = tpu.sem_alloc : memref<!tpu.dma_semaphore, #tpu.memory_space<semaphore_mem>>
        %dma_start3A_73 = arith.constant 0 : i32
        %dma_start3A_74 = arith.constant 0 : i32
        %dma_start3A_75 = arith.constant 0 : i32
        %dma_start3A_76 = tpu.memref_slice %arg3[%arg1, %dma_start3A_73, %dma_start3A_74, %dma_start3A_75] : memref<16x7x24x128xi32, #tpu.memory_space<hbm>> -> memref<1x7x24x128xi32, #tpu.memory_space<hbm>>
        %dma_start3A_77 = tpu.memref_squeeze %dma_start3A_76 : memref<1x7x24x128xi32, #tpu.memory_space<hbm>> -> memref<7x24x128xi32, #tpu.memory_space<hbm>>
        %dma_start3A_78 = arith.constant 0 : i32
        %dma_start3A_79 = arith.constant 0 : i32
        %dma_start3A_80 = tpu.memref_slice %dma_start3A_77[%add3A_13, %dma_start3A_78, %dma_start3A_79] : memref<7x24x128xi32, #tpu.memory_space<hbm>> -> memref<1x24x128xi32, #tpu.memory_space<hbm>>
        %dma_start3A_81 = tpu.memref_squeeze %dma_start3A_80 : memref<1x24x128xi32, #tpu.memory_space<hbm>> -> memref<24x128xi32, #tpu.memory_space<hbm>>
        %dma_start3A_82 = arith.constant 0 : i32
        %dma_start3A_83 = arith.constant 0 : i32
        %dma_start3A_84 = arith.constant 0 : i32
        %dma_start3A_85 = tpu.memref_slice %arg3[%arg1, %dma_start3A_82, %dma_start3A_83, %dma_start3A_84] : memref<16x7x24x128xi32, #tpu.memory_space<hbm>> -> memref<1x7x24x128xi32, #tpu.memory_space<hbm>>
        %dma_start3A_86 = tpu.memref_squeeze %dma_start3A_85 : memref<1x7x24x128xi32, #tpu.memory_space<hbm>> -> memref<7x24x128xi32, #tpu.memory_space<hbm>>
        %dma_start3A_87 = arith.constant 0 : i32
        %dma_start3A_88 = arith.constant 0 : i32
        %dma_start3A_89 = tpu.memref_slice %dma_start3A_86[%add3A_13, %dma_start3A_87, %dma_start3A_88] : memref<7x24x128xi32, #tpu.memory_space<hbm>> -> memref<1x24x128xi32, #tpu.memory_space<hbm>>
        %dma_start3A_90 = tpu.memref_squeeze %dma_start3A_89 : memref<1x24x128xi32, #tpu.memory_space<hbm>> -> memref<24x128xi32, #tpu.memory_space<hbm>>
        tpu.enqueue_dma source(%dma_start3A_90 : memref<24x128xi32, #tpu.memory_space<hbm>>) target(%arg7 : memref<24x128xi32, #tpu.memory_space<vmem>>) target_semaphore(%run_scoped3A : memref<!tpu.dma_semaphore, #tpu.memory_space<semaphore_mem>>)
        %dma_wait3A_91 = arith.constant 0 : i32
        %dma_wait3A_92 = arith.constant 0 : i32
        %dma_wait3A_93 = arith.constant 0 : i32
        %dma_wait3A_94 = tpu.memref_slice %arg3[%arg1, %dma_wait3A_91, %dma_wait3A_92, %dma_wait3A_93] : memref<16x7x24x128xi32, #tpu.memory_space<hbm>> -> memref<1x7x24x128xi32, #tpu.memory_space<hbm>>
        %dma_wait3A_95 = tpu.memref_squeeze %dma_wait3A_94 : memref<1x7x24x128xi32, #tpu.memory_space<hbm>> -> memref<7x24x128xi32, #tpu.memory_space<hbm>>
        %dma_wait3A_96 = arith.constant 0 : i32
        %dma_wait3A_97 = arith.constant 0 : i32
        %dma_wait3A_98 = tpu.memref_slice %dma_wait3A_95[%add3A_13, %dma_wait3A_96, %dma_wait3A_97] : memref<7x24x128xi32, #tpu.memory_space<hbm>> -> memref<1x24x128xi32, #tpu.memory_space<hbm>>
        %dma_wait3A_99 = tpu.memref_squeeze %dma_wait3A_98 : memref<1x24x128xi32, #tpu.memory_space<hbm>> -> memref<24x128xi32, #tpu.memory_space<hbm>>
        %dma_wait3A_100 = arith.constant 0 : i32
        %dma_wait3A_101 = arith.constant 0 : i32
        %dma_wait3A_102 = arith.constant 0 : i32
        %dma_wait3A_103 = tpu.memref_slice %arg3[%arg1, %dma_wait3A_100, %dma_wait3A_101, %dma_wait3A_102] : memref<16x7x24x128xi32, #tpu.memory_space<hbm>> -> memref<1x7x24x128xi32, #tpu.memory_space<hbm>>
        %dma_wait3A_104 = tpu.memref_squeeze %dma_wait3A_103 : memref<1x7x24x128xi32, #tpu.memory_space<hbm>> -> memref<7x24x128xi32, #tpu.memory_space<hbm>>
        %dma_wait3A_105 = arith.constant 0 : i32
        %dma_wait3A_106 = arith.constant 0 : i32
        %dma_wait3A_107 = tpu.memref_slice %dma_wait3A_104[%add3A_13, %dma_wait3A_105, %dma_wait3A_106] : memref<7x24x128xi32, #tpu.memory_space<hbm>> -> memref<1x24x128xi32, #tpu.memory_space<hbm>>
        %dma_wait3A_108 = tpu.memref_squeeze %dma_wait3A_107 : memref<1x24x128xi32, #tpu.memory_space<hbm>> -> memref<24x128xi32, #tpu.memory_space<hbm>>
        tpu.wait_dma2 semaphore(%run_scoped3A : memref<!tpu.dma_semaphore, #tpu.memory_space<semaphore_mem>>) src(%dma_wait3A_108 : memref<24x128xi32, #tpu.memory_space<hbm>>) dst(%arg7 : memref<24x128xi32, #tpu.memory_space<vmem>>)
        tpu.yield
      }) : () -> ()
      "tpu.region"() ({
        %run_scoped3A = tpu.sem_alloc : memref<!tpu.dma_semaphore, #tpu.memory_space<semaphore_mem>>
        %dma_start3A_73 = arith.constant 0 : i32
        %dma_start3A_74 = arith.constant 0 : i32
        %dma_start3A_75 = arith.constant 0 : i32
        %dma_start3A_76 = tpu.memref_slice %arg4[%arg1, %dma_start3A_73, %dma_start3A_74, %dma_start3A_75] : memref<16x7x24x128xi32, #tpu.memory_space<hbm>> -> memref<1x7x24x128xi32, #tpu.memory_space<hbm>>
        %dma_start3A_77 = tpu.memref_squeeze %dma_start3A_76 : memref<1x7x24x128xi32, #tpu.memory_space<hbm>> -> memref<7x24x128xi32, #tpu.memory_space<hbm>>
        %dma_start3A_78 = arith.constant 0 : i32
        %dma_start3A_79 = arith.constant 0 : i32
        %dma_start3A_80 = tpu.memref_slice %dma_start3A_77[%add3A_13, %dma_start3A_78, %dma_start3A_79] : memref<7x24x128xi32, #tpu.memory_space<hbm>> -> memref<1x24x128xi32, #tpu.memory_space<hbm>>
        %dma_start3A_81 = tpu.memref_squeeze %dma_start3A_80 : memref<1x24x128xi32, #tpu.memory_space<hbm>> -> memref<24x128xi32, #tpu.memory_space<hbm>>
        %dma_start3A_82 = arith.constant 0 : i32
        %dma_start3A_83 = arith.constant 0 : i32
        %dma_start3A_84 = arith.constant 0 : i32
        %dma_start3A_85 = tpu.memref_slice %arg4[%arg1, %dma_start3A_82, %dma_start3A_83, %dma_start3A_84] : memref<16x7x24x128xi32, #tpu.memory_space<hbm>> -> memref<1x7x24x128xi32, #tpu.memory_space<hbm>>
        %dma_start3A_86 = tpu.memref_squeeze %dma_start3A_85 : memref<1x7x24x128xi32, #tpu.memory_space<hbm>> -> memref<7x24x128xi32, #tpu.memory_space<hbm>>
        %dma_start3A_87 = arith.constant 0 : i32
        %dma_start3A_88 = arith.constant 0 : i32
        %dma_start3A_89 = tpu.memref_slice %dma_start3A_86[%add3A_13, %dma_start3A_87, %dma_start3A_88] : memref<7x24x128xi32, #tpu.memory_space<hbm>> -> memref<1x24x128xi32, #tpu.memory_space<hbm>>
        %dma_start3A_90 = tpu.memref_squeeze %dma_start3A_89 : memref<1x24x128xi32, #tpu.memory_space<hbm>> -> memref<24x128xi32, #tpu.memory_space<hbm>>
        tpu.enqueue_dma source(%dma_start3A_90 : memref<24x128xi32, #tpu.memory_space<hbm>>) target(%arg8 : memref<24x128xi32, #tpu.memory_space<vmem>>) target_semaphore(%run_scoped3A : memref<!tpu.dma_semaphore, #tpu.memory_space<semaphore_mem>>)
        %dma_wait3A_91 = arith.constant 0 : i32
        %dma_wait3A_92 = arith.constant 0 : i32
        %dma_wait3A_93 = arith.constant 0 : i32
        %dma_wait3A_94 = tpu.memref_slice %arg4[%arg1, %dma_wait3A_91, %dma_wait3A_92, %dma_wait3A_93] : memref<16x7x24x128xi32, #tpu.memory_space<hbm>> -> memref<1x7x24x128xi32, #tpu.memory_space<hbm>>
        %dma_wait3A_95 = tpu.memref_squeeze %dma_wait3A_94 : memref<1x7x24x128xi32, #tpu.memory_space<hbm>> -> memref<7x24x128xi32, #tpu.memory_space<hbm>>
        %dma_wait3A_96 = arith.constant 0 : i32
        %dma_wait3A_97 = arith.constant 0 : i32
        %dma_wait3A_98 = tpu.memref_slice %dma_wait3A_95[%add3A_13, %dma_wait3A_96, %dma_wait3A_97] : memref<7x24x128xi32, #tpu.memory_space<hbm>> -> memref<1x24x128xi32, #tpu.memory_space<hbm>>
        %dma_wait3A_99 = tpu.memref_squeeze %dma_wait3A_98 : memref<1x24x128xi32, #tpu.memory_space<hbm>> -> memref<24x128xi32, #tpu.memory_space<hbm>>
        %dma_wait3A_100 = arith.constant 0 : i32
        %dma_wait3A_101 = arith.constant 0 : i32
        %dma_wait3A_102 = arith.constant 0 : i32
        %dma_wait3A_103 = tpu.memref_slice %arg4[%arg1, %dma_wait3A_100, %dma_wait3A_101, %dma_wait3A_102] : memref<16x7x24x128xi32, #tpu.memory_space<hbm>> -> memref<1x7x24x128xi32, #tpu.memory_space<hbm>>
        %dma_wait3A_104 = tpu.memref_squeeze %dma_wait3A_103 : memref<1x7x24x128xi32, #tpu.memory_space<hbm>> -> memref<7x24x128xi32, #tpu.memory_space<hbm>>
        %dma_wait3A_105 = arith.constant 0 : i32
        %dma_wait3A_106 = arith.constant 0 : i32
        %dma_wait3A_107 = tpu.memref_slice %dma_wait3A_104[%add3A_13, %dma_wait3A_105, %dma_wait3A_106] : memref<7x24x128xi32, #tpu.memory_space<hbm>> -> memref<1x24x128xi32, #tpu.memory_space<hbm>>
        %dma_wait3A_108 = tpu.memref_squeeze %dma_wait3A_107 : memref<1x24x128xi32, #tpu.memory_space<hbm>> -> memref<24x128xi32, #tpu.memory_space<hbm>>
        tpu.wait_dma2 semaphore(%run_scoped3A : memref<!tpu.dma_semaphore, #tpu.memory_space<semaphore_mem>>) src(%dma_wait3A_108 : memref<24x128xi32, #tpu.memory_space<hbm>>) dst(%arg8 : memref<24x128xi32, #tpu.memory_space<vmem>>)
        tpu.yield
      }) : () -> ()
      %dma_start3A = arith.constant 0 : i32
      %dma_start3A_14 = arith.constant 0 : i32
      %dma_start3A_15 = arith.constant 0 : i32
      %dma_start3A_16 = arith.constant 0 : i32
      %dma_start3A_17 = tpu.memref_slice %arg9[%dma_start3A_14, %dma_start3A_15, %dma_start3A_16] : memref<2x128x128xf32, #tpu.memory_space<vmem>> -> memref<1x128x128xf32, #tpu.memory_space<vmem>>
      %dma_start3A_18 = tpu.memref_squeeze %dma_start3A_17 : memref<1x128x128xf32, #tpu.memory_space<vmem>> -> memref<128x128xf32, #tpu.memory_space<vmem>>
      %dma_start3A_19 = arith.constant 0 : i32
      %dma_start3A_20 = tpu.memref_slice %arg7[%dma_start3A, %dma_start3A_19] : memref<24x128xi32, #tpu.memory_space<vmem>> -> memref<1x128xi32, #tpu.memory_space<vmem>>
      %dma_start3A_21 = tpu.memref_squeeze %dma_start3A_20 : memref<1x128xi32, #tpu.memory_space<vmem>> -> memref<128xi32, #tpu.memory_space<vmem>>
      %dma_start3A_22 = arith.constant 0 : i32
      %dma_start3A_23 = arith.constant 0 : i32
      %dma_start3A_24 = tpu.memref_slice %arg2[%arg0, %dma_start3A_22, %dma_start3A_23] : memref<2x10000x128xf32, #tpu.memory_space<hbm>> -> memref<1x10000x128xf32, #tpu.memory_space<hbm>>
      %dma_start3A_25 = tpu.memref_squeeze %dma_start3A_24 : memref<1x10000x128xf32, #tpu.memory_space<hbm>> -> memref<10000x128xf32, #tpu.memory_space<hbm>>
      %dma_start3A_26 = arith.constant 0 : i32
      %dma_start3A_27 = arith.constant 0 : i32
      %dma_start3A_28 = tpu.memref_slice %dma_start3A_25[%dma_start3A_26, %dma_start3A_27] : memref<10000x128xf32, #tpu.memory_space<hbm>> -> memref<10000x128xf32, #tpu.memory_space<hbm>>
      tpu.enqueue_indirect_dma source(%dma_start3A_28 : memref<10000x128xf32, #tpu.memory_space<hbm>>) target(%dma_start3A_18 : memref<128x128xf32, #tpu.memory_space<vmem>>) offsets(%dma_start3A_21 : memref<128xi32, #tpu.memory_space<vmem>>) semaphore(%arg11 : memref<!tpu.dma_semaphore, #tpu.memory_space<semaphore_mem>>)
      %dma_start3A_29 = arith.constant 1 : i32
      %dma_start3A_30 = arith.constant 1 : i32
      %dma_start3A_31 = arith.constant 0 : i32
      %dma_start3A_32 = arith.constant 0 : i32
      %dma_start3A_33 = tpu.memref_slice %arg9[%dma_start3A_30, %dma_start3A_31, %dma_start3A_32] : memref<2x128x128xf32, #tpu.memory_space<vmem>> -> memref<1x128x128xf32, #tpu.memory_space<vmem>>
      %dma_start3A_34 = tpu.memref_squeeze %dma_start3A_33 : memref<1x128x128xf32, #tpu.memory_space<vmem>> -> memref<128x128xf32, #tpu.memory_space<vmem>>
      %dma_start3A_35 = arith.constant 0 : i32
      %dma_start3A_36 = tpu.memref_slice %arg7[%dma_start3A_29, %dma_start3A_35] : memref<24x128xi32, #tpu.memory_space<vmem>> -> memref<1x128xi32, #tpu.memory_space<vmem>>
      %dma_start3A_37 = tpu.memref_squeeze %dma_start3A_36 : memref<1x128xi32, #tpu.memory_space<vmem>> -> memref<128xi32, #tpu.memory_space<vmem>>
      %dma_start3A_38 = arith.constant 0 : i32
      %dma_start3A_39 = arith.constant 0 : i32
      %dma_start3A_40 = tpu.memref_slice %arg2[%arg0, %dma_start3A_38, %dma_start3A_39] : memref<2x10000x128xf32, #tpu.memory_space<hbm>> -> memref<1x10000x128xf32, #tpu.memory_space<hbm>>
      %dma_start3A_41 = tpu.memref_squeeze %dma_start3A_40 : memref<1x10000x128xf32, #tpu.memory_space<hbm>> -> memref<10000x128xf32, #tpu.memory_space<hbm>>
      %dma_start3A_42 = arith.constant 0 : i32
      %dma_start3A_43 = arith.constant 0 : i32
      %dma_start3A_44 = tpu.memref_slice %dma_start3A_41[%dma_start3A_42, %dma_start3A_43] : memref<10000x128xf32, #tpu.memory_space<hbm>> -> memref<10000x128xf32, #tpu.memory_space<hbm>>
      tpu.enqueue_indirect_dma source(%dma_start3A_44 : memref<10000x128xf32, #tpu.memory_space<hbm>>) target(%dma_start3A_34 : memref<128x128xf32, #tpu.memory_space<vmem>>) offsets(%dma_start3A_37 : memref<128xi32, #tpu.memory_space<vmem>>) semaphore(%arg12 : memref<!tpu.dma_semaphore, #tpu.memory_space<semaphore_mem>>)
      %scan3A_45 = arith.constant 0 : i32
      %scan3A_46 = arith.constant 12 : i32
      %scan3A_47 = arith.addi %scan3A_45, %scan3A_46 : i32
      %scan3A_48 = arith.constant 1 : i32
      scf.for %scan3A_73 = %scan3A_45 to %scan3A_47 step %scan3A_48  : i32 {
        %mul3A_74 = arith.constant 1 : i32
        %mul3A_75 = arith.muli %scan3A_73, %mul3A_74 : i32
        %add3A_76 = arith.constant 0 : i32
        %add3A_77 = arith.addi %add3A_76, %mul3A_75 : i32
        %mul3A_78 = arith.constant 2 : i32
        %mul3A_79 = arith.muli %add3A_77, %mul3A_78 : i32
        %add3A_80 = arith.constant 0 : i32
        %add3A_81 = arith.addi %mul3A_79, %add3A_80 : i32
        %dma_wait3A_82 = arith.constant 0 : i32
        %dma_wait3A_83 = arith.constant 0 : i32
        %dma_wait3A_84 = arith.constant 0 : i32
        %dma_wait3A_85 = tpu.memref_slice %arg9[%dma_wait3A_82, %dma_wait3A_83, %dma_wait3A_84] : memref<2x128x128xf32, #tpu.memory_space<vmem>> -> memref<1x128x128xf32, #tpu.memory_space<vmem>>
        %dma_wait3A_86 = tpu.memref_squeeze %dma_wait3A_85 : memref<1x128x128xf32, #tpu.memory_space<vmem>> -> memref<128x128xf32, #tpu.memory_space<vmem>>
        %dma_wait3A_87 = arith.constant 0 : i32
        %dma_wait3A_88 = tpu.memref_slice %arg7[%add3A_81, %dma_wait3A_87] : memref<24x128xi32, #tpu.memory_space<vmem>> -> memref<1x128xi32, #tpu.memory_space<vmem>>
        %dma_wait3A_89 = tpu.memref_squeeze %dma_wait3A_88 : memref<1x128xi32, #tpu.memory_space<vmem>> -> memref<128xi32, #tpu.memory_space<vmem>>
        %dma_wait3A_90 = arith.constant 0 : i32
        %dma_wait3A_91 = arith.constant 0 : i32
        %dma_wait3A_92 = tpu.memref_slice %arg2[%arg0, %dma_wait3A_90, %dma_wait3A_91] : memref<2x10000x128xf32, #tpu.memory_space<hbm>> -> memref<1x10000x128xf32, #tpu.memory_space<hbm>>
        %dma_wait3A_93 = tpu.memref_squeeze %dma_wait3A_92 : memref<1x10000x128xf32, #tpu.memory_space<hbm>> -> memref<10000x128xf32, #tpu.memory_space<hbm>>
        %dma_wait3A_94 = arith.constant 0 : i32
        %dma_wait3A_95 = arith.constant 0 : i32
        %dma_wait3A_96 = tpu.memref_slice %dma_wait3A_93[%dma_wait3A_94, %dma_wait3A_95] : memref<10000x128xf32, #tpu.memory_space<hbm>> -> memref<10000x128xf32, #tpu.memory_space<hbm>>
        tpu.wait_indirect_dma semaphore(%arg11 : memref<!tpu.dma_semaphore, #tpu.memory_space<semaphore_mem>>) src(%dma_wait3A_96 : memref<10000x128xf32, #tpu.memory_space<hbm>>) dst(%dma_wait3A_86 : memref<128x128xf32, #tpu.memory_space<vmem>>)
        %add3A_97 = arith.constant 0 : i32
        %add3A_98 = arith.addi %mul3A_79, %add3A_97 : i32
        %dma_start3A_99 = arith.constant 0 : i32
        %dma_start3A_100 = arith.constant 0 : i32
        %dma_start3A_101 = arith.constant 0 : i32
        %dma_start3A_102 = tpu.memref_slice %arg9[%dma_start3A_99, %dma_start3A_100, %dma_start3A_101] : memref<2x128x128xf32, #tpu.memory_space<vmem>> -> memref<1x128x128xf32, #tpu.memory_space<vmem>>
        %dma_start3A_103 = tpu.memref_squeeze %dma_start3A_102 : memref<1x128x128xf32, #tpu.memory_space<vmem>> -> memref<128x128xf32, #tpu.memory_space<vmem>>
        %dma_start3A_104 = arith.constant 0 : i32
        %dma_start3A_105 = tpu.memref_slice %arg8[%add3A_98, %dma_start3A_104] : memref<24x128xi32, #tpu.memory_space<vmem>> -> memref<1x128xi32, #tpu.memory_space<vmem>>
        %dma_start3A_106 = tpu.memref_squeeze %dma_start3A_105 : memref<1x128xi32, #tpu.memory_space<vmem>> -> memref<128xi32, #tpu.memory_space<vmem>>
        %dma_start3A_107 = arith.constant 0 : i32
        %dma_start3A_108 = arith.constant 0 : i32
        %dma_start3A_109 = tpu.memref_slice %arg10[%dma_start3A_107, %dma_start3A_108] : memref<10112x128xf32, #tpu.memory_space<vmem_shared>> -> memref<10112x128xf32, #tpu.memory_space<vmem_shared>>
        tpu.enqueue_indirect_dma source(%dma_start3A_103 : memref<128x128xf32, #tpu.memory_space<vmem>>) target(%dma_start3A_109 : memref<10112x128xf32, #tpu.memory_space<vmem_shared>>) offsets(%dma_start3A_106 : memref<128xi32, #tpu.memory_space<vmem>>) semaphore(%arg13 : memref<!tpu.dma_semaphore, #tpu.memory_space<semaphore_mem>>) {add = true}
        %add3A_110 = arith.constant 1 : i32
        %add3A_111 = arith.addi %mul3A_79, %add3A_110 : i32
        %dma_wait3A_112 = arith.constant 1 : i32
        %dma_wait3A_113 = arith.constant 0 : i32
        %dma_wait3A_114 = arith.constant 0 : i32
        %dma_wait3A_115 = tpu.memref_slice %arg9[%dma_wait3A_112, %dma_wait3A_113, %dma_wait3A_114] : memref<2x128x128xf32, #tpu.memory_space<vmem>> -> memref<1x128x128xf32, #tpu.memory_space<vmem>>
        %dma_wait3A_116 = tpu.memref_squeeze %dma_wait3A_115 : memref<1x128x128xf32, #tpu.memory_space<vmem>> -> memref<128x128xf32, #tpu.memory_space<vmem>>
        %dma_wait3A_117 = arith.constant 0 : i32
        %dma_wait3A_118 = tpu.memref_slice %arg7[%add3A_111, %dma_wait3A_117] : memref<24x128xi32, #tpu.memory_space<vmem>> -> memref<1x128xi32, #tpu.memory_space<vmem>>
        %dma_wait3A_119 = tpu.memref_squeeze %dma_wait3A_118 : memref<1x128xi32, #tpu.memory_space<vmem>> -> memref<128xi32, #tpu.memory_space<vmem>>
        %dma_wait3A_120 = arith.constant 0 : i32
        %dma_wait3A_121 = arith.constant 0 : i32
        %dma_wait3A_122 = tpu.memref_slice %arg2[%arg0, %dma_wait3A_120, %dma_wait3A_121] : memref<2x10000x128xf32, #tpu.memory_space<hbm>> -> memref<1x10000x128xf32, #tpu.memory_space<hbm>>
        %dma_wait3A_123 = tpu.memref_squeeze %dma_wait3A_122 : memref<1x10000x128xf32, #tpu.memory_space<hbm>> -> memref<10000x128xf32, #tpu.memory_space<hbm>>
        %dma_wait3A_124 = arith.constant 0 : i32
        %dma_wait3A_125 = arith.constant 0 : i32
        %dma_wait3A_126 = tpu.memref_slice %dma_wait3A_123[%dma_wait3A_124, %dma_wait3A_125] : memref<10000x128xf32, #tpu.memory_space<hbm>> -> memref<10000x128xf32, #tpu.memory_space<hbm>>
        tpu.wait_indirect_dma semaphore(%arg12 : memref<!tpu.dma_semaphore, #tpu.memory_space<semaphore_mem>>) src(%dma_wait3A_126 : memref<10000x128xf32, #tpu.memory_space<hbm>>) dst(%dma_wait3A_116 : memref<128x128xf32, #tpu.memory_space<vmem>>)
        %add3A_127 = arith.constant 1 : i32
        %add3A_128 = arith.addi %mul3A_79, %add3A_127 : i32
        %dma_start3A_129 = arith.constant 1 : i32
        %dma_start3A_130 = arith.constant 0 : i32
        %dma_start3A_131 = arith.constant 0 : i32
        %dma_start3A_132 = tpu.memref_slice %arg9[%dma_start3A_129, %dma_start3A_130, %dma_start3A_131] : memref<2x128x128xf32, #tpu.memory_space<vmem>> -> memref<1x128x128xf32, #tpu.memory_space<vmem>>
        %dma_start3A_133 = tpu.memref_squeeze %dma_start3A_132 : memref<1x128x128xf32, #tpu.memory_space<vmem>> -> memref<128x128xf32, #tpu.memory_space<vmem>>
        %dma_start3A_134 = arith.constant 0 : i32
        %dma_start3A_135 = tpu.memref_slice %arg8[%add3A_128, %dma_start3A_134] : memref<24x128xi32, #tpu.memory_space<vmem>> -> memref<1x128xi32, #tpu.memory_space<vmem>>
        %dma_start3A_136 = tpu.memref_squeeze %dma_start3A_135 : memref<1x128xi32, #tpu.memory_space<vmem>> -> memref<128xi32, #tpu.memory_space<vmem>>
        %dma_start3A_137 = arith.constant 0 : i32
        %dma_start3A_138 = arith.constant 0 : i32
        %dma_start3A_139 = tpu.memref_slice %arg10[%dma_start3A_137, %dma_start3A_138] : memref<10112x128xf32, #tpu.memory_space<vmem_shared>> -> memref<10112x128xf32, #tpu.memory_space<vmem_shared>>
        tpu.enqueue_indirect_dma source(%dma_start3A_133 : memref<128x128xf32, #tpu.memory_space<vmem>>) target(%dma_start3A_139 : memref<10112x128xf32, #tpu.memory_space<vmem_shared>>) offsets(%dma_start3A_136 : memref<128xi32, #tpu.memory_space<vmem>>) semaphore(%arg14 : memref<!tpu.dma_semaphore, #tpu.memory_space<semaphore_mem>>) {add = true}
        %lt3A = arith.constant 11 : i32
        %lt3A_140 = arith.cmpi slt, %add3A_77, %lt3A : i32
        %convert_element_type3A_141 = arith.extui %lt3A_140 : i1 to i32
        %cond3A_142 = arith.constant 0 : i32
        %cond3A_143 = arith.cmpi ne, %convert_element_type3A_141, %cond3A_142 : i32
        scf.if %cond3A_143 {
          %add3A_144 = arith.constant 0 : i32
          %add3A_145 = arith.addi %mul3A_79, %add3A_144 : i32
          %dma_wait3A_146 = arith.constant 0 : i32
          %dma_wait3A_147 = arith.constant 0 : i32
          %dma_wait3A_148 = arith.constant 0 : i32
          %dma_wait3A_149 = tpu.memref_slice %arg9[%dma_wait3A_146, %dma_wait3A_147, %dma_wait3A_148] : memref<2x128x128xf32, #tpu.memory_space<vmem>> -> memref<1x128x128xf32, #tpu.memory_space<vmem>>
          %dma_wait3A_150 = tpu.memref_squeeze %dma_wait3A_149 : memref<1x128x128xf32, #tpu.memory_space<vmem>> -> memref<128x128xf32, #tpu.memory_space<vmem>>
          %dma_wait3A_151 = arith.constant 0 : i32
          %dma_wait3A_152 = tpu.memref_slice %arg8[%add3A_145, %dma_wait3A_151] : memref<24x128xi32, #tpu.memory_space<vmem>> -> memref<1x128xi32, #tpu.memory_space<vmem>>
          %dma_wait3A_153 = tpu.memref_squeeze %dma_wait3A_152 : memref<1x128xi32, #tpu.memory_space<vmem>> -> memref<128xi32, #tpu.memory_space<vmem>>
          %dma_wait3A_154 = arith.constant 0 : i32
          %dma_wait3A_155 = arith.constant 0 : i32
          %dma_wait3A_156 = tpu.memref_slice %arg10[%dma_wait3A_154, %dma_wait3A_155] : memref<10112x128xf32, #tpu.memory_space<vmem_shared>> -> memref<10112x128xf32, #tpu.memory_space<vmem_shared>>
          tpu.wait_indirect_dma semaphore(%arg13 : memref<!tpu.dma_semaphore, #tpu.memory_space<semaphore_mem>>) src(%dma_wait3A_150 : memref<128x128xf32, #tpu.memory_space<vmem>>) dst(%dma_wait3A_156 : memref<10112x128xf32, #tpu.memory_space<vmem_shared>>)
          %add3A_157 = arith.constant 2 : i32
          %add3A_158 = arith.addi %mul3A_79, %add3A_157 : i32
          %add3A_159 = arith.constant 0 : i32
          %add3A_160 = arith.addi %add3A_158, %add3A_159 : i32
          %dma_start3A_161 = arith.constant 0 : i32
          %dma_start3A_162 = arith.constant 0 : i32
          %dma_start3A_163 = arith.constant 0 : i32
          %dma_start3A_164 = tpu.memref_slice %arg9[%dma_start3A_161, %dma_start3A_162, %dma_start3A_163] : memref<2x128x128xf32, #tpu.memory_space<vmem>> -> memref<1x128x128xf32, #tpu.memory_space<vmem>>
          %dma_start3A_165 = tpu.memref_squeeze %dma_start3A_164 : memref<1x128x128xf32, #tpu.memory_space<vmem>> -> memref<128x128xf32, #tpu.memory_space<vmem>>
          %dma_start3A_166 = arith.constant 0 : i32
          %dma_start3A_167 = tpu.memref_slice %arg7[%add3A_160, %dma_start3A_166] : memref<24x128xi32, #tpu.memory_space<vmem>> -> memref<1x128xi32, #tpu.memory_space<vmem>>
          %dma_start3A_168 = tpu.memref_squeeze %dma_start3A_167 : memref<1x128xi32, #tpu.memory_space<vmem>> -> memref<128xi32, #tpu.memory_space<vmem>>
          %dma_start3A_169 = arith.constant 0 : i32
          %dma_start3A_170 = arith.constant 0 : i32
          %dma_start3A_171 = tpu.memref_slice %arg2[%arg0, %dma_start3A_169, %dma_start3A_170] : memref<2x10000x128xf32, #tpu.memory_space<hbm>> -> memref<1x10000x128xf32, #tpu.memory_space<hbm>>
          %dma_start3A_172 = tpu.memref_squeeze %dma_start3A_171 : memref<1x10000x128xf32, #tpu.memory_space<hbm>> -> memref<10000x128xf32, #tpu.memory_space<hbm>>
          %dma_start3A_173 = arith.constant 0 : i32
          %dma_start3A_174 = arith.constant 0 : i32
          %dma_start3A_175 = tpu.memref_slice %dma_start3A_172[%dma_start3A_173, %dma_start3A_174] : memref<10000x128xf32, #tpu.memory_space<hbm>> -> memref<10000x128xf32, #tpu.memory_space<hbm>>
          tpu.enqueue_indirect_dma source(%dma_start3A_175 : memref<10000x128xf32, #tpu.memory_space<hbm>>) target(%dma_start3A_165 : memref<128x128xf32, #tpu.memory_space<vmem>>) offsets(%dma_start3A_168 : memref<128xi32, #tpu.memory_space<vmem>>) semaphore(%arg11 : memref<!tpu.dma_semaphore, #tpu.memory_space<semaphore_mem>>)
          %add3A_176 = arith.constant 1 : i32
          %add3A_177 = arith.addi %mul3A_79, %add3A_176 : i32
          %dma_wait3A_178 = arith.constant 1 : i32
          %dma_wait3A_179 = arith.constant 0 : i32
          %dma_wait3A_180 = arith.constant 0 : i32
          %dma_wait3A_181 = tpu.memref_slice %arg9[%dma_wait3A_178, %dma_wait3A_179, %dma_wait3A_180] : memref<2x128x128xf32, #tpu.memory_space<vmem>> -> memref<1x128x128xf32, #tpu.memory_space<vmem>>
          %dma_wait3A_182 = tpu.memref_squeeze %dma_wait3A_181 : memref<1x128x128xf32, #tpu.memory_space<vmem>> -> memref<128x128xf32, #tpu.memory_space<vmem>>
          %dma_wait3A_183 = arith.constant 0 : i32
          %dma_wait3A_184 = tpu.memref_slice %arg8[%add3A_177, %dma_wait3A_183] : memref<24x128xi32, #tpu.memory_space<vmem>> -> memref<1x128xi32, #tpu.memory_space<vmem>>
          %dma_wait3A_185 = tpu.memref_squeeze %dma_wait3A_184 : memref<1x128xi32, #tpu.memory_space<vmem>> -> memref<128xi32, #tpu.memory_space<vmem>>
          %dma_wait3A_186 = arith.constant 0 : i32
          %dma_wait3A_187 = arith.constant 0 : i32
          %dma_wait3A_188 = tpu.memref_slice %arg10[%dma_wait3A_186, %dma_wait3A_187] : memref<10112x128xf32, #tpu.memory_space<vmem_shared>> -> memref<10112x128xf32, #tpu.memory_space<vmem_shared>>
          tpu.wait_indirect_dma semaphore(%arg14 : memref<!tpu.dma_semaphore, #tpu.memory_space<semaphore_mem>>) src(%dma_wait3A_182 : memref<128x128xf32, #tpu.memory_space<vmem>>) dst(%dma_wait3A_188 : memref<10112x128xf32, #tpu.memory_space<vmem_shared>>)
          %add3A_189 = arith.constant 2 : i32
          %add3A_190 = arith.addi %mul3A_79, %add3A_189 : i32
          %add3A_191 = arith.constant 1 : i32
          %add3A_192 = arith.addi %add3A_190, %add3A_191 : i32
          %dma_start3A_193 = arith.constant 1 : i32
          %dma_start3A_194 = arith.constant 0 : i32
          %dma_start3A_195 = arith.constant 0 : i32
          %dma_start3A_196 = tpu.memref_slice %arg9[%dma_start3A_193, %dma_start3A_194, %dma_start3A_195] : memref<2x128x128xf32, #tpu.memory_space<vmem>> -> memref<1x128x128xf32, #tpu.memory_space<vmem>>
          %dma_start3A_197 = tpu.memref_squeeze %dma_start3A_196 : memref<1x128x128xf32, #tpu.memory_space<vmem>> -> memref<128x128xf32, #tpu.memory_space<vmem>>
          %dma_start3A_198 = arith.constant 0 : i32
          %dma_start3A_199 = tpu.memref_slice %arg7[%add3A_192, %dma_start3A_198] : memref<24x128xi32, #tpu.memory_space<vmem>> -> memref<1x128xi32, #tpu.memory_space<vmem>>
          %dma_start3A_200 = tpu.memref_squeeze %dma_start3A_199 : memref<1x128xi32, #tpu.memory_space<vmem>> -> memref<128xi32, #tpu.memory_space<vmem>>
          %dma_start3A_201 = arith.constant 0 : i32
          %dma_start3A_202 = arith.constant 0 : i32
          %dma_start3A_203 = tpu.memref_slice %arg2[%arg0, %dma_start3A_201, %dma_start3A_202] : memref<2x10000x128xf32, #tpu.memory_space<hbm>> -> memref<1x10000x128xf32, #tpu.memory_space<hbm>>
          %dma_start3A_204 = tpu.memref_squeeze %dma_start3A_203 : memref<1x10000x128xf32, #tpu.memory_space<hbm>> -> memref<10000x128xf32, #tpu.memory_space<hbm>>
          %dma_start3A_205 = arith.constant 0 : i32
          %dma_start3A_206 = arith.constant 0 : i32
          %dma_start3A_207 = tpu.memref_slice %dma_start3A_204[%dma_start3A_205, %dma_start3A_206] : memref<10000x128xf32, #tpu.memory_space<hbm>> -> memref<10000x128xf32, #tpu.memory_space<hbm>>
          tpu.enqueue_indirect_dma source(%dma_start3A_207 : memref<10000x128xf32, #tpu.memory_space<hbm>>) target(%dma_start3A_197 : memref<128x128xf32, #tpu.memory_space<vmem>>) offsets(%dma_start3A_200 : memref<128xi32, #tpu.memory_space<vmem>>) semaphore(%arg12 : memref<!tpu.dma_semaphore, #tpu.memory_space<semaphore_mem>>)
        } else {
        }
      }
      %scan3A_49 = arith.constant 12 : i32
      %dma_wait3A = arith.constant 0 : i32
      %dma_wait3A_50 = arith.constant 22 : i32
      %dma_wait3A_51 = arith.constant 0 : i32
      %dma_wait3A_52 = arith.constant 0 : i32
      %dma_wait3A_53 = tpu.memref_slice %arg9[%dma_wait3A, %dma_wait3A_51, %dma_wait3A_52] : memref<2x128x128xf32, #tpu.memory_space<vmem>> -> memref<1x128x128xf32, #tpu.memory_space<vmem>>
      %dma_wait3A_54 = tpu.memref_squeeze %dma_wait3A_53 : memref<1x128x128xf32, #tpu.memory_space<vmem>> -> memref<128x128xf32, #tpu.memory_space<vmem>>
      %dma_wait3A_55 = arith.constant 0 : i32
      %dma_wait3A_56 = tpu.memref_slice %arg8[%dma_wait3A_50, %dma_wait3A_55] : memref<24x128xi32, #tpu.memory_space<vmem>> -> memref<1x128xi32, #tpu.memory_space<vmem>>
      %dma_wait3A_57 = tpu.memref_squeeze %dma_wait3A_56 : memref<1x128xi32, #tpu.memory_space<vmem>> -> memref<128xi32, #tpu.memory_space<vmem>>
      %dma_wait3A_58 = arith.constant 0 : i32
      %dma_wait3A_59 = arith.constant 0 : i32
      %dma_wait3A_60 = tpu.memref_slice %arg10[%dma_wait3A_58, %dma_wait3A_59] : memref<10112x128xf32, #tpu.memory_space<vmem_shared>> -> memref<10112x128xf32, #tpu.memory_space<vmem_shared>>
      tpu.wait_indirect_dma semaphore(%arg13 : memref<!tpu.dma_semaphore, #tpu.memory_space<semaphore_mem>>) src(%dma_wait3A_54 : memref<128x128xf32, #tpu.memory_space<vmem>>) dst(%dma_wait3A_60 : memref<10112x128xf32, #tpu.memory_space<vmem_shared>>)
      %dma_wait3A_61 = arith.constant 1 : i32
      %dma_wait3A_62 = arith.constant 23 : i32
      %dma_wait3A_63 = arith.constant 0 : i32
      %dma_wait3A_64 = arith.constant 0 : i32
      %dma_wait3A_65 = tpu.memref_slice %arg9[%dma_wait3A_61, %dma_wait3A_63, %dma_wait3A_64] : memref<2x128x128xf32, #tpu.memory_space<vmem>> -> memref<1x128x128xf32, #tpu.memory_space<vmem>>
      %dma_wait3A_66 = tpu.memref_squeeze %dma_wait3A_65 : memref<1x128x128xf32, #tpu.memory_space<vmem>> -> memref<128x128xf32, #tpu.memory_space<vmem>>
      %dma_wait3A_67 = arith.constant 0 : i32
      %dma_wait3A_68 = tpu.memref_slice %arg8[%dma_wait3A_62, %dma_wait3A_67] : memref<24x128xi32, #tpu.memory_space<vmem>> -> memref<1x128xi32, #tpu.memory_space<vmem>>
      %dma_wait3A_69 = tpu.memref_squeeze %dma_wait3A_68 : memref<1x128xi32, #tpu.memory_space<vmem>> -> memref<128xi32, #tpu.memory_space<vmem>>
      %dma_wait3A_70 = arith.constant 0 : i32
      %dma_wait3A_71 = arith.constant 0 : i32
      %dma_wait3A_72 = tpu.memref_slice %arg10[%dma_wait3A_70, %dma_wait3A_71] : memref<10112x128xf32, #tpu.memory_space<vmem_shared>> -> memref<10112x128xf32, #tpu.memory_space<vmem_shared>>
      tpu.wait_indirect_dma semaphore(%arg14 : memref<!tpu.dma_semaphore, #tpu.memory_space<semaphore_mem>>) src(%dma_wait3A_66 : memref<128x128xf32, #tpu.memory_space<vmem>>) dst(%dma_wait3A_72 : memref<10112x128xf32, #tpu.memory_space<vmem_shared>>)
    }
    %scan3A_5 = arith.constant 7 : i32
    %barrier3A_6 = arith.constant 0 : index
    tpu.barrier barrier_id(%barrier3A_6)
    %mul3A = arith.constant 632 : i32
    %mul3A_7 = arith.muli %arg1, %mul3A : i32
    %mul3A_8 = arith.constant 632 : i32
    %mul3A_9 = arith.muli %arg1, %mul3A_8 : i32
    "tpu.region"() ({
      %run_scoped3A = tpu.sem_alloc : memref<!tpu.dma_semaphore, #tpu.memory_space<semaphore_mem>>
      %dma_start3A = arith.constant 0 : i32
      %dma_start3A_10 = arith.constant 0 : i32
      %dma_start3A_11 = tpu.memref_slice %arg6[%arg0, %dma_start3A, %dma_start3A_10] : memref<2x10112x128xf32, #tpu.memory_space<hbm>> -> memref<1x10112x128xf32, #tpu.memory_space<hbm>>
      %dma_start3A_12 = tpu.memref_squeeze %dma_start3A_11 : memref<1x10112x128xf32, #tpu.memory_space<hbm>> -> memref<10112x128xf32, #tpu.memory_space<hbm>>
      %dma_start3A_13 = arith.constant 0 : i32
      %dma_start3A_14 = tpu.memref_slice %dma_start3A_12[%mul3A_9, %dma_start3A_13] : memref<10112x128xf32, #tpu.memory_space<hbm>> -> memref<632x128xf32, #tpu.memory_space<hbm>>
      %dma_start3A_15 = arith.constant 0 : i32
      %dma_start3A_16 = tpu.memref_slice %arg10[%mul3A_7, %dma_start3A_15] : memref<10112x128xf32, #tpu.memory_space<vmem_shared>> -> memref<632x128xf32, #tpu.memory_space<vmem_shared>>
      tpu.enqueue_dma source(%dma_start3A_16 : memref<632x128xf32, #tpu.memory_space<vmem_shared>>) target(%dma_start3A_14 : memref<632x128xf32, #tpu.memory_space<hbm>>) target_semaphore(%run_scoped3A : memref<!tpu.dma_semaphore, #tpu.memory_space<semaphore_mem>>)
      %dma_wait3A = arith.constant 0 : i32
      %dma_wait3A_17 = arith.constant 0 : i32
      %dma_wait3A_18 = tpu.memref_slice %arg6[%arg0, %dma_wait3A, %dma_wait3A_17] : memref<2x10112x128xf32, #tpu.memory_space<hbm>> -> memref<1x10112x128xf32, #tpu.memory_space<hbm>>
      %dma_wait3A_19 = tpu.memref_squeeze %dma_wait3A_18 : memref<1x10112x128xf32, #tpu.memory_space<hbm>> -> memref<10112x128xf32, #tpu.memory_space<hbm>>
      %dma_wait3A_20 = arith.constant 0 : i32
      %dma_wait3A_21 = tpu.memref_slice %dma_wait3A_19[%mul3A_9, %dma_wait3A_20] : memref<10112x128xf32, #tpu.memory_space<hbm>> -> memref<632x128xf32, #tpu.memory_space<hbm>>
      %dma_wait3A_22 = arith.constant 0 : i32
      %dma_wait3A_23 = tpu.memref_slice %arg10[%mul3A_7, %dma_wait3A_22] : memref<10112x128xf32, #tpu.memory_space<vmem_shared>> -> memref<632x128xf32, #tpu.memory_space<vmem_shared>>
      tpu.wait_dma2 semaphore(%run_scoped3A : memref<!tpu.dma_semaphore, #tpu.memory_space<semaphore_mem>>) src(%dma_wait3A_23 : memref<632x128xf32, #tpu.memory_space<vmem_shared>>) dst(%dma_wait3A_21 : memref<632x128xf32, #tpu.memory_space<hbm>>)
      tpu.yield
    }) : () -> ()
    return
  }
}

#map = affine_map<(d0, d1) -> (0, 0, 0)>
#map1 = affine_map<(d0, d1) -> (0, 0)>
module attributes {stable_mosaic.version = 14 : i64} {
  func.func @_deg_sc(%arg0: i32, %arg1: i32, %arg2: memref<32x84x128xi32, #tpu.memory_space<hbm>>, %arg3: memref<10112x16xf32, #tpu.memory_space<hbm>>, %arg4: memref<128x16xf32, #tpu.memory_space<hbm>>, %arg5: memref<2x10112x16xf32, #tpu.memory_space<hbm>>, %arg6: memref<84x128xi32, #tpu.memory_space<vmem>>, %arg7: memref<128x16xf32, #tpu.memory_space<vmem>>, %arg8: memref<10112x16xf32, #tpu.memory_space<vmem_shared>>) attributes {dimension_semantics = [#tpu.dimension_semantics<core_parallel>, #tpu.dimension_semantics<subcore_parallel>], iteration_bounds = array<i64: 2, 16>, scalar_prefetch = 0 : i64, scratch_operands = 3 : i64, tpu.core_type = #tpu.core_type<sc_vector_subcore>, window_params = [{transform_indices = #map}, {transform_indices = #map1}, {transform_indices = #map1}, {transform_indices = #map}]} {
    %mul3A = arith.constant 16 : i32
    %mul3A_0 = arith.muli %arg0, %mul3A : i32
    %add3A = arith.addi %mul3A_0, %arg1 : i32
    %eq3A = arith.constant 0 : i32
    %eq3A_1 = arith.cmpi eq, %arg1, %eq3A : i32
    %convert_element_type3A = arith.extui %eq3A_1 : i1 to i32
    %cond3A = arith.constant 0 : i32
    %cond3A_2 = arith.cmpi ne, %convert_element_type3A, %cond3A : i32
    scf.if %cond3A_2 {
      "tpu.region"() ({
        %run_scoped3A = tpu.sem_alloc : memref<!tpu.dma_semaphore, #tpu.memory_space<semaphore_mem>>
        tpu.enqueue_dma source(%arg3 : memref<10112x16xf32, #tpu.memory_space<hbm>>) target(%arg8 : memref<10112x16xf32, #tpu.memory_space<vmem_shared>>) target_semaphore(%run_scoped3A : memref<!tpu.dma_semaphore, #tpu.memory_space<semaphore_mem>>)
        tpu.wait_dma2 semaphore(%run_scoped3A : memref<!tpu.dma_semaphore, #tpu.memory_space<semaphore_mem>>) src(%arg3 : memref<10112x16xf32, #tpu.memory_space<hbm>>) dst(%arg8 : memref<10112x16xf32, #tpu.memory_space<vmem_shared>>)
        tpu.yield
      }) : () -> ()
    } else {
    }
    "tpu.region"() ({
      %run_scoped3A = tpu.sem_alloc : memref<!tpu.dma_semaphore, #tpu.memory_space<semaphore_mem>>
      %dma_start3A = arith.constant 0 : i32
      %dma_start3A_12 = arith.constant 0 : i32
      %dma_start3A_13 = tpu.memref_slice %arg2[%add3A, %dma_start3A, %dma_start3A_12] : memref<32x84x128xi32, #tpu.memory_space<hbm>> -> memref<1x84x128xi32, #tpu.memory_space<hbm>>
      %dma_start3A_14 = tpu.memref_squeeze %dma_start3A_13 : memref<1x84x128xi32, #tpu.memory_space<hbm>> -> memref<84x128xi32, #tpu.memory_space<hbm>>
      %dma_start3A_15 = arith.constant 0 : i32
      %dma_start3A_16 = arith.constant 0 : i32
      %dma_start3A_17 = tpu.memref_slice %arg2[%add3A, %dma_start3A_15, %dma_start3A_16] : memref<32x84x128xi32, #tpu.memory_space<hbm>> -> memref<1x84x128xi32, #tpu.memory_space<hbm>>
      %dma_start3A_18 = tpu.memref_squeeze %dma_start3A_17 : memref<1x84x128xi32, #tpu.memory_space<hbm>> -> memref<84x128xi32, #tpu.memory_space<hbm>>
      tpu.enqueue_dma source(%dma_start3A_18 : memref<84x128xi32, #tpu.memory_space<hbm>>) target(%arg6 : memref<84x128xi32, #tpu.memory_space<vmem>>) target_semaphore(%run_scoped3A : memref<!tpu.dma_semaphore, #tpu.memory_space<semaphore_mem>>)
      %dma_wait3A = arith.constant 0 : i32
      %dma_wait3A_19 = arith.constant 0 : i32
      %dma_wait3A_20 = tpu.memref_slice %arg2[%add3A, %dma_wait3A, %dma_wait3A_19] : memref<32x84x128xi32, #tpu.memory_space<hbm>> -> memref<1x84x128xi32, #tpu.memory_space<hbm>>
      %dma_wait3A_21 = tpu.memref_squeeze %dma_wait3A_20 : memref<1x84x128xi32, #tpu.memory_space<hbm>> -> memref<84x128xi32, #tpu.memory_space<hbm>>
      %dma_wait3A_22 = arith.constant 0 : i32
      %dma_wait3A_23 = arith.constant 0 : i32
      %dma_wait3A_24 = tpu.memref_slice %arg2[%add3A, %dma_wait3A_22, %dma_wait3A_23] : memref<32x84x128xi32, #tpu.memory_space<hbm>> -> memref<1x84x128xi32, #tpu.memory_space<hbm>>
      %dma_wait3A_25 = tpu.memref_squeeze %dma_wait3A_24 : memref<1x84x128xi32, #tpu.memory_space<hbm>> -> memref<84x128xi32, #tpu.memory_space<hbm>>
      tpu.wait_dma2 semaphore(%run_scoped3A : memref<!tpu.dma_semaphore, #tpu.memory_space<semaphore_mem>>) src(%dma_wait3A_25 : memref<84x128xi32, #tpu.memory_space<hbm>>) dst(%arg6 : memref<84x128xi32, #tpu.memory_space<vmem>>)
      tpu.yield
    }) : () -> ()
    "tpu.region"() ({
      %run_scoped3A = tpu.sem_alloc : memref<!tpu.dma_semaphore, #tpu.memory_space<semaphore_mem>>
      tpu.enqueue_dma source(%arg4 : memref<128x16xf32, #tpu.memory_space<hbm>>) target(%arg7 : memref<128x16xf32, #tpu.memory_space<vmem>>) target_semaphore(%run_scoped3A : memref<!tpu.dma_semaphore, #tpu.memory_space<semaphore_mem>>)
      tpu.wait_dma2 semaphore(%run_scoped3A : memref<!tpu.dma_semaphore, #tpu.memory_space<semaphore_mem>>) src(%arg4 : memref<128x16xf32, #tpu.memory_space<hbm>>) dst(%arg7 : memref<128x16xf32, #tpu.memory_space<vmem>>)
      tpu.yield
    }) : () -> ()
    %barrier3A = arith.constant 0 : index
    tpu.barrier barrier_id(%barrier3A)
    %scan3A = arith.constant 0 : i32
    %scan3A_3 = arith.constant 84 : i32
    %scan3A_4 = arith.addi %scan3A, %scan3A_3 : i32
    %scan3A_5 = arith.constant 1 : i32
    scf.for %scan3A_12 = %scan3A to %scan3A_4 step %scan3A_5  : i32 {
      %mul3A_13 = arith.constant 1 : i32
      %mul3A_14 = arith.muli %scan3A_12, %mul3A_13 : i32
      %add3A_15 = arith.constant 0 : i32
      %add3A_16 = arith.addi %add3A_15, %mul3A_14 : i32
      "tpu.region"() ({
        %run_scoped3A = tpu.sem_alloc : memref<!tpu.dma_semaphore, #tpu.memory_space<semaphore_mem>>
        %dma_start3A = arith.constant 0 : i32
        %dma_start3A_17 = tpu.memref_slice %arg6[%add3A_16, %dma_start3A] : memref<84x128xi32, #tpu.memory_space<vmem>> -> memref<1x128xi32, #tpu.memory_space<vmem>>
        %dma_start3A_18 = tpu.memref_squeeze %dma_start3A_17 : memref<1x128xi32, #tpu.memory_space<vmem>> -> memref<128xi32, #tpu.memory_space<vmem>>
        %dma_start3A_19 = arith.constant 0 : i32
        %dma_start3A_20 = arith.constant 0 : i32
        %dma_start3A_21 = tpu.memref_slice %arg8[%dma_start3A_19, %dma_start3A_20] : memref<10112x16xf32, #tpu.memory_space<vmem_shared>> -> memref<10112x16xf32, #tpu.memory_space<vmem_shared>>
        tpu.enqueue_indirect_dma source(%arg7 : memref<128x16xf32, #tpu.memory_space<vmem>>) target(%dma_start3A_21 : memref<10112x16xf32, #tpu.memory_space<vmem_shared>>) offsets(%dma_start3A_18 : memref<128xi32, #tpu.memory_space<vmem>>) semaphore(%run_scoped3A : memref<!tpu.dma_semaphore, #tpu.memory_space<semaphore_mem>>) {add = true}
        %dma_wait3A = arith.constant 0 : i32
        %dma_wait3A_22 = tpu.memref_slice %arg6[%add3A_16, %dma_wait3A] : memref<84x128xi32, #tpu.memory_space<vmem>> -> memref<1x128xi32, #tpu.memory_space<vmem>>
        %dma_wait3A_23 = tpu.memref_squeeze %dma_wait3A_22 : memref<1x128xi32, #tpu.memory_space<vmem>> -> memref<128xi32, #tpu.memory_space<vmem>>
        %dma_wait3A_24 = arith.constant 0 : i32
        %dma_wait3A_25 = arith.constant 0 : i32
        %dma_wait3A_26 = tpu.memref_slice %arg8[%dma_wait3A_24, %dma_wait3A_25] : memref<10112x16xf32, #tpu.memory_space<vmem_shared>> -> memref<10112x16xf32, #tpu.memory_space<vmem_shared>>
        tpu.wait_indirect_dma semaphore(%run_scoped3A : memref<!tpu.dma_semaphore, #tpu.memory_space<semaphore_mem>>) src(%arg7 : memref<128x16xf32, #tpu.memory_space<vmem>>) dst(%dma_wait3A_26 : memref<10112x16xf32, #tpu.memory_space<vmem_shared>>)
        tpu.yield
      }) : () -> ()
    }
    %scan3A_6 = arith.constant 84 : i32
    %barrier3A_7 = arith.constant 0 : index
    tpu.barrier barrier_id(%barrier3A_7)
    %mul3A_8 = arith.constant 632 : i32
    %mul3A_9 = arith.muli %arg1, %mul3A_8 : i32
    %mul3A_10 = arith.constant 632 : i32
    %mul3A_11 = arith.muli %arg1, %mul3A_10 : i32
    "tpu.region"() ({
      %run_scoped3A = tpu.sem_alloc : memref<!tpu.dma_semaphore, #tpu.memory_space<semaphore_mem>>
      %dma_start3A = arith.constant 0 : i32
      %dma_start3A_12 = arith.constant 0 : i32
      %dma_start3A_13 = tpu.memref_slice %arg5[%arg0, %dma_start3A, %dma_start3A_12] : memref<2x10112x16xf32, #tpu.memory_space<hbm>> -> memref<1x10112x16xf32, #tpu.memory_space<hbm>>
      %dma_start3A_14 = tpu.memref_squeeze %dma_start3A_13 : memref<1x10112x16xf32, #tpu.memory_space<hbm>> -> memref<10112x16xf32, #tpu.memory_space<hbm>>
      %dma_start3A_15 = arith.constant 0 : i32
      %dma_start3A_16 = tpu.memref_slice %dma_start3A_14[%mul3A_11, %dma_start3A_15] : memref<10112x16xf32, #tpu.memory_space<hbm>> -> memref<632x16xf32, #tpu.memory_space<hbm>>
      %dma_start3A_17 = arith.constant 0 : i32
      %dma_start3A_18 = tpu.memref_slice %arg8[%mul3A_9, %dma_start3A_17] : memref<10112x16xf32, #tpu.memory_space<vmem_shared>> -> memref<632x16xf32, #tpu.memory_space<vmem_shared>>
      tpu.enqueue_dma source(%dma_start3A_18 : memref<632x16xf32, #tpu.memory_space<vmem_shared>>) target(%dma_start3A_16 : memref<632x16xf32, #tpu.memory_space<hbm>>) target_semaphore(%run_scoped3A : memref<!tpu.dma_semaphore, #tpu.memory_space<semaphore_mem>>)
      %dma_wait3A = arith.constant 0 : i32
      %dma_wait3A_19 = arith.constant 0 : i32
      %dma_wait3A_20 = tpu.memref_slice %arg5[%arg0, %dma_wait3A, %dma_wait3A_19] : memref<2x10112x16xf32, #tpu.memory_space<hbm>> -> memref<1x10112x16xf32, #tpu.memory_space<hbm>>
      %dma_wait3A_21 = tpu.memref_squeeze %dma_wait3A_20 : memref<1x10112x16xf32, #tpu.memory_space<hbm>> -> memref<10112x16xf32, #tpu.memory_space<hbm>>
      %dma_wait3A_22 = arith.constant 0 : i32
      %dma_wait3A_23 = tpu.memref_slice %dma_wait3A_21[%mul3A_11, %dma_wait3A_22] : memref<10112x16xf32, #tpu.memory_space<hbm>> -> memref<632x16xf32, #tpu.memory_space<hbm>>
      %dma_wait3A_24 = arith.constant 0 : i32
      %dma_wait3A_25 = tpu.memref_slice %arg8[%mul3A_9, %dma_wait3A_24] : memref<10112x16xf32, #tpu.memory_space<vmem_shared>> -> memref<632x16xf32, #tpu.memory_space<vmem_shared>>
      tpu.wait_dma2 semaphore(%run_scoped3A : memref<!tpu.dma_semaphore, #tpu.memory_space<semaphore_mem>>) src(%dma_wait3A_25 : memref<632x16xf32, #tpu.memory_space<vmem_shared>>) dst(%dma_wait3A_23 : memref<632x16xf32, #tpu.memory_space<hbm>>)
      tpu.yield
    }) : () -> ()
    return
  }
}

#map = affine_map<(d0, d1) -> (0, 0, 0)>
#map1 = affine_map<(d0, d1) -> (0, 0, 0, 0)>
#map2 = affine_map<(d0, d1) -> (0, 0)>
module attributes {stable_mosaic.version = 14 : i64} {
  func.func @_agg_sc(%arg0: i32, %arg1: i32, %arg2: memref<2x10000x128xf32, #tpu.memory_space<hbm>>, %arg3: memref<16x7x24x128xi32, #tpu.memory_space<hbm>>, %arg4: memref<16x7x24x128xi32, #tpu.memory_space<hbm>>, %arg5: memref<10112x128xf32, #tpu.memory_space<hbm>>, %arg6: memref<2x10112x128xf32, #tpu.memory_space<hbm>>, %arg7: memref<24x128xi32, #tpu.memory_space<vmem>>, %arg8: memref<24x128xi32, #tpu.memory_space<vmem>>, %arg9: memref<2x128x128xf32, #tpu.memory_space<vmem>>, %arg10: memref<10112x128xf32, #tpu.memory_space<vmem_shared>>, %arg11: memref<!tpu.dma_semaphore, #tpu.memory_space<semaphore_mem>>, %arg12: memref<!tpu.dma_semaphore, #tpu.memory_space<semaphore_mem>>, %arg13: memref<!tpu.dma_semaphore, #tpu.memory_space<semaphore_mem>>, %arg14: memref<!tpu.dma_semaphore, #tpu.memory_space<semaphore_mem>>) attributes {dimension_semantics = [#tpu.dimension_semantics<core_parallel>, #tpu.dimension_semantics<subcore_parallel>], iteration_bounds = array<i64: 2, 16>, scalar_prefetch = 0 : i64, scratch_operands = 8 : i64, tpu.core_type = #tpu.core_type<sc_vector_subcore>, window_params = [{transform_indices = #map}, {transform_indices = #map1}, {transform_indices = #map1}, {transform_indices = #map2}, {transform_indices = #map}]} {
    %eq3A = arith.constant 0 : i32
    %eq3A_0 = arith.cmpi eq, %arg1, %eq3A : i32
    %convert_element_type3A = arith.extui %eq3A_0 : i1 to i32
    %cond3A = arith.constant 0 : i32
    %cond3A_1 = arith.cmpi ne, %convert_element_type3A, %cond3A : i32
    scf.if %cond3A_1 {
      "tpu.region"() ({
        %run_scoped3A = tpu.sem_alloc : memref<!tpu.dma_semaphore, #tpu.memory_space<semaphore_mem>>
        tpu.enqueue_dma source(%arg5 : memref<10112x128xf32, #tpu.memory_space<hbm>>) target(%arg10 : memref<10112x128xf32, #tpu.memory_space<vmem_shared>>) target_semaphore(%run_scoped3A : memref<!tpu.dma_semaphore, #tpu.memory_space<semaphore_mem>>)
        tpu.wait_dma2 semaphore(%run_scoped3A : memref<!tpu.dma_semaphore, #tpu.memory_space<semaphore_mem>>) src(%arg5 : memref<10112x128xf32, #tpu.memory_space<hbm>>) dst(%arg10 : memref<10112x128xf32, #tpu.memory_space<vmem_shared>>)
        tpu.yield
      }) : () -> ()
    } else {
    }
    %barrier3A = arith.constant 0 : index
    tpu.barrier barrier_id(%barrier3A)
    %scan3A = arith.constant 0 : i32
    %scan3A_2 = arith.constant 7 : i32
    %scan3A_3 = arith.addi %scan3A, %scan3A_2 : i32
    %scan3A_4 = arith.constant 1 : i32
    scf.for %scan3A_10 = %scan3A to %scan3A_3 step %scan3A_4  : i32 {
      %mul3A_11 = arith.constant 1 : i32
      %mul3A_12 = arith.muli %scan3A_10, %mul3A_11 : i32
      %add3A = arith.constant 0 : i32
      %add3A_13 = arith.addi %add3A, %mul3A_12 : i32
      "tpu.region"() ({
        %run_scoped3A = tpu.sem_alloc : memref<!tpu.dma_semaphore, #tpu.memory_space<semaphore_mem>>
        %dma_start3A_73 = arith.constant 0 : i32
        %dma_start3A_74 = arith.constant 0 : i32
        %dma_start3A_75 = arith.constant 0 : i32
        %dma_start3A_76 = tpu.memref_slice %arg3[%arg1, %dma_start3A_73, %dma_start3A_74, %dma_start3A_75] : memref<16x7x24x128xi32, #tpu.memory_space<hbm>> -> memref<1x7x24x128xi32, #tpu.memory_space<hbm>>
        %dma_start3A_77 = tpu.memref_squeeze %dma_start3A_76 : memref<1x7x24x128xi32, #tpu.memory_space<hbm>> -> memref<7x24x128xi32, #tpu.memory_space<hbm>>
        %dma_start3A_78 = arith.constant 0 : i32
        %dma_start3A_79 = arith.constant 0 : i32
        %dma_start3A_80 = tpu.memref_slice %dma_start3A_77[%add3A_13, %dma_start3A_78, %dma_start3A_79] : memref<7x24x128xi32, #tpu.memory_space<hbm>> -> memref<1x24x128xi32, #tpu.memory_space<hbm>>
        %dma_start3A_81 = tpu.memref_squeeze %dma_start3A_80 : memref<1x24x128xi32, #tpu.memory_space<hbm>> -> memref<24x128xi32, #tpu.memory_space<hbm>>
        %dma_start3A_82 = arith.constant 0 : i32
        %dma_start3A_83 = arith.constant 0 : i32
        %dma_start3A_84 = arith.constant 0 : i32
        %dma_start3A_85 = tpu.memref_slice %arg3[%arg1, %dma_start3A_82, %dma_start3A_83, %dma_start3A_84] : memref<16x7x24x128xi32, #tpu.memory_space<hbm>> -> memref<1x7x24x128xi32, #tpu.memory_space<hbm>>
        %dma_start3A_86 = tpu.memref_squeeze %dma_start3A_85 : memref<1x7x24x128xi32, #tpu.memory_space<hbm>> -> memref<7x24x128xi32, #tpu.memory_space<hbm>>
        %dma_start3A_87 = arith.constant 0 : i32
        %dma_start3A_88 = arith.constant 0 : i32
        %dma_start3A_89 = tpu.memref_slice %dma_start3A_86[%add3A_13, %dma_start3A_87, %dma_start3A_88] : memref<7x24x128xi32, #tpu.memory_space<hbm>> -> memref<1x24x128xi32, #tpu.memory_space<hbm>>
        %dma_start3A_90 = tpu.memref_squeeze %dma_start3A_89 : memref<1x24x128xi32, #tpu.memory_space<hbm>> -> memref<24x128xi32, #tpu.memory_space<hbm>>
        tpu.enqueue_dma source(%dma_start3A_90 : memref<24x128xi32, #tpu.memory_space<hbm>>) target(%arg7 : memref<24x128xi32, #tpu.memory_space<vmem>>) target_semaphore(%run_scoped3A : memref<!tpu.dma_semaphore, #tpu.memory_space<semaphore_mem>>)
        %dma_wait3A_91 = arith.constant 0 : i32
        %dma_wait3A_92 = arith.constant 0 : i32
        %dma_wait3A_93 = arith.constant 0 : i32
        %dma_wait3A_94 = tpu.memref_slice %arg3[%arg1, %dma_wait3A_91, %dma_wait3A_92, %dma_wait3A_93] : memref<16x7x24x128xi32, #tpu.memory_space<hbm>> -> memref<1x7x24x128xi32, #tpu.memory_space<hbm>>
        %dma_wait3A_95 = tpu.memref_squeeze %dma_wait3A_94 : memref<1x7x24x128xi32, #tpu.memory_space<hbm>> -> memref<7x24x128xi32, #tpu.memory_space<hbm>>
        %dma_wait3A_96 = arith.constant 0 : i32
        %dma_wait3A_97 = arith.constant 0 : i32
        %dma_wait3A_98 = tpu.memref_slice %dma_wait3A_95[%add3A_13, %dma_wait3A_96, %dma_wait3A_97] : memref<7x24x128xi32, #tpu.memory_space<hbm>> -> memref<1x24x128xi32, #tpu.memory_space<hbm>>
        %dma_wait3A_99 = tpu.memref_squeeze %dma_wait3A_98 : memref<1x24x128xi32, #tpu.memory_space<hbm>> -> memref<24x128xi32, #tpu.memory_space<hbm>>
        %dma_wait3A_100 = arith.constant 0 : i32
        %dma_wait3A_101 = arith.constant 0 : i32
        %dma_wait3A_102 = arith.constant 0 : i32
        %dma_wait3A_103 = tpu.memref_slice %arg3[%arg1, %dma_wait3A_100, %dma_wait3A_101, %dma_wait3A_102] : memref<16x7x24x128xi32, #tpu.memory_space<hbm>> -> memref<1x7x24x128xi32, #tpu.memory_space<hbm>>
        %dma_wait3A_104 = tpu.memref_squeeze %dma_wait3A_103 : memref<1x7x24x128xi32, #tpu.memory_space<hbm>> -> memref<7x24x128xi32, #tpu.memory_space<hbm>>
        %dma_wait3A_105 = arith.constant 0 : i32
        %dma_wait3A_106 = arith.constant 0 : i32
        %dma_wait3A_107 = tpu.memref_slice %dma_wait3A_104[%add3A_13, %dma_wait3A_105, %dma_wait3A_106] : memref<7x24x128xi32, #tpu.memory_space<hbm>> -> memref<1x24x128xi32, #tpu.memory_space<hbm>>
        %dma_wait3A_108 = tpu.memref_squeeze %dma_wait3A_107 : memref<1x24x128xi32, #tpu.memory_space<hbm>> -> memref<24x128xi32, #tpu.memory_space<hbm>>
        tpu.wait_dma2 semaphore(%run_scoped3A : memref<!tpu.dma_semaphore, #tpu.memory_space<semaphore_mem>>) src(%dma_wait3A_108 : memref<24x128xi32, #tpu.memory_space<hbm>>) dst(%arg7 : memref<24x128xi32, #tpu.memory_space<vmem>>)
        tpu.yield
      }) : () -> ()
      "tpu.region"() ({
        %run_scoped3A = tpu.sem_alloc : memref<!tpu.dma_semaphore, #tpu.memory_space<semaphore_mem>>
        %dma_start3A_73 = arith.constant 0 : i32
        %dma_start3A_74 = arith.constant 0 : i32
        %dma_start3A_75 = arith.constant 0 : i32
        %dma_start3A_76 = tpu.memref_slice %arg4[%arg1, %dma_start3A_73, %dma_start3A_74, %dma_start3A_75] : memref<16x7x24x128xi32, #tpu.memory_space<hbm>> -> memref<1x7x24x128xi32, #tpu.memory_space<hbm>>
        %dma_start3A_77 = tpu.memref_squeeze %dma_start3A_76 : memref<1x7x24x128xi32, #tpu.memory_space<hbm>> -> memref<7x24x128xi32, #tpu.memory_space<hbm>>
        %dma_start3A_78 = arith.constant 0 : i32
        %dma_start3A_79 = arith.constant 0 : i32
        %dma_start3A_80 = tpu.memref_slice %dma_start3A_77[%add3A_13, %dma_start3A_78, %dma_start3A_79] : memref<7x24x128xi32, #tpu.memory_space<hbm>> -> memref<1x24x128xi32, #tpu.memory_space<hbm>>
        %dma_start3A_81 = tpu.memref_squeeze %dma_start3A_80 : memref<1x24x128xi32, #tpu.memory_space<hbm>> -> memref<24x128xi32, #tpu.memory_space<hbm>>
        %dma_start3A_82 = arith.constant 0 : i32
        %dma_start3A_83 = arith.constant 0 : i32
        %dma_start3A_84 = arith.constant 0 : i32
        %dma_start3A_85 = tpu.memref_slice %arg4[%arg1, %dma_start3A_82, %dma_start3A_83, %dma_start3A_84] : memref<16x7x24x128xi32, #tpu.memory_space<hbm>> -> memref<1x7x24x128xi32, #tpu.memory_space<hbm>>
        %dma_start3A_86 = tpu.memref_squeeze %dma_start3A_85 : memref<1x7x24x128xi32, #tpu.memory_space<hbm>> -> memref<7x24x128xi32, #tpu.memory_space<hbm>>
        %dma_start3A_87 = arith.constant 0 : i32
        %dma_start3A_88 = arith.constant 0 : i32
        %dma_start3A_89 = tpu.memref_slice %dma_start3A_86[%add3A_13, %dma_start3A_87, %dma_start3A_88] : memref<7x24x128xi32, #tpu.memory_space<hbm>> -> memref<1x24x128xi32, #tpu.memory_space<hbm>>
        %dma_start3A_90 = tpu.memref_squeeze %dma_start3A_89 : memref<1x24x128xi32, #tpu.memory_space<hbm>> -> memref<24x128xi32, #tpu.memory_space<hbm>>
        tpu.enqueue_dma source(%dma_start3A_90 : memref<24x128xi32, #tpu.memory_space<hbm>>) target(%arg8 : memref<24x128xi32, #tpu.memory_space<vmem>>) target_semaphore(%run_scoped3A : memref<!tpu.dma_semaphore, #tpu.memory_space<semaphore_mem>>)
        %dma_wait3A_91 = arith.constant 0 : i32
        %dma_wait3A_92 = arith.constant 0 : i32
        %dma_wait3A_93 = arith.constant 0 : i32
        %dma_wait3A_94 = tpu.memref_slice %arg4[%arg1, %dma_wait3A_91, %dma_wait3A_92, %dma_wait3A_93] : memref<16x7x24x128xi32, #tpu.memory_space<hbm>> -> memref<1x7x24x128xi32, #tpu.memory_space<hbm>>
        %dma_wait3A_95 = tpu.memref_squeeze %dma_wait3A_94 : memref<1x7x24x128xi32, #tpu.memory_space<hbm>> -> memref<7x24x128xi32, #tpu.memory_space<hbm>>
        %dma_wait3A_96 = arith.constant 0 : i32
        %dma_wait3A_97 = arith.constant 0 : i32
        %dma_wait3A_98 = tpu.memref_slice %dma_wait3A_95[%add3A_13, %dma_wait3A_96, %dma_wait3A_97] : memref<7x24x128xi32, #tpu.memory_space<hbm>> -> memref<1x24x128xi32, #tpu.memory_space<hbm>>
        %dma_wait3A_99 = tpu.memref_squeeze %dma_wait3A_98 : memref<1x24x128xi32, #tpu.memory_space<hbm>> -> memref<24x128xi32, #tpu.memory_space<hbm>>
        %dma_wait3A_100 = arith.constant 0 : i32
        %dma_wait3A_101 = arith.constant 0 : i32
        %dma_wait3A_102 = arith.constant 0 : i32
        %dma_wait3A_103 = tpu.memref_slice %arg4[%arg1, %dma_wait3A_100, %dma_wait3A_101, %dma_wait3A_102] : memref<16x7x24x128xi32, #tpu.memory_space<hbm>> -> memref<1x7x24x128xi32, #tpu.memory_space<hbm>>
        %dma_wait3A_104 = tpu.memref_squeeze %dma_wait3A_103 : memref<1x7x24x128xi32, #tpu.memory_space<hbm>> -> memref<7x24x128xi32, #tpu.memory_space<hbm>>
        %dma_wait3A_105 = arith.constant 0 : i32
        %dma_wait3A_106 = arith.constant 0 : i32
        %dma_wait3A_107 = tpu.memref_slice %dma_wait3A_104[%add3A_13, %dma_wait3A_105, %dma_wait3A_106] : memref<7x24x128xi32, #tpu.memory_space<hbm>> -> memref<1x24x128xi32, #tpu.memory_space<hbm>>
        %dma_wait3A_108 = tpu.memref_squeeze %dma_wait3A_107 : memref<1x24x128xi32, #tpu.memory_space<hbm>> -> memref<24x128xi32, #tpu.memory_space<hbm>>
        tpu.wait_dma2 semaphore(%run_scoped3A : memref<!tpu.dma_semaphore, #tpu.memory_space<semaphore_mem>>) src(%dma_wait3A_108 : memref<24x128xi32, #tpu.memory_space<hbm>>) dst(%arg8 : memref<24x128xi32, #tpu.memory_space<vmem>>)
        tpu.yield
      }) : () -> ()
      %dma_start3A = arith.constant 0 : i32
      %dma_start3A_14 = arith.constant 0 : i32
      %dma_start3A_15 = arith.constant 0 : i32
      %dma_start3A_16 = arith.constant 0 : i32
      %dma_start3A_17 = tpu.memref_slice %arg9[%dma_start3A_14, %dma_start3A_15, %dma_start3A_16] : memref<2x128x128xf32, #tpu.memory_space<vmem>> -> memref<1x128x128xf32, #tpu.memory_space<vmem>>
      %dma_start3A_18 = tpu.memref_squeeze %dma_start3A_17 : memref<1x128x128xf32, #tpu.memory_space<vmem>> -> memref<128x128xf32, #tpu.memory_space<vmem>>
      %dma_start3A_19 = arith.constant 0 : i32
      %dma_start3A_20 = tpu.memref_slice %arg7[%dma_start3A, %dma_start3A_19] : memref<24x128xi32, #tpu.memory_space<vmem>> -> memref<1x128xi32, #tpu.memory_space<vmem>>
      %dma_start3A_21 = tpu.memref_squeeze %dma_start3A_20 : memref<1x128xi32, #tpu.memory_space<vmem>> -> memref<128xi32, #tpu.memory_space<vmem>>
      %dma_start3A_22 = arith.constant 0 : i32
      %dma_start3A_23 = arith.constant 0 : i32
      %dma_start3A_24 = tpu.memref_slice %arg2[%arg0, %dma_start3A_22, %dma_start3A_23] : memref<2x10000x128xf32, #tpu.memory_space<hbm>> -> memref<1x10000x128xf32, #tpu.memory_space<hbm>>
      %dma_start3A_25 = tpu.memref_squeeze %dma_start3A_24 : memref<1x10000x128xf32, #tpu.memory_space<hbm>> -> memref<10000x128xf32, #tpu.memory_space<hbm>>
      %dma_start3A_26 = arith.constant 0 : i32
      %dma_start3A_27 = arith.constant 0 : i32
      %dma_start3A_28 = tpu.memref_slice %dma_start3A_25[%dma_start3A_26, %dma_start3A_27] : memref<10000x128xf32, #tpu.memory_space<hbm>> -> memref<10000x128xf32, #tpu.memory_space<hbm>>
      tpu.enqueue_indirect_dma source(%dma_start3A_28 : memref<10000x128xf32, #tpu.memory_space<hbm>>) target(%dma_start3A_18 : memref<128x128xf32, #tpu.memory_space<vmem>>) offsets(%dma_start3A_21 : memref<128xi32, #tpu.memory_space<vmem>>) semaphore(%arg11 : memref<!tpu.dma_semaphore, #tpu.memory_space<semaphore_mem>>)
      %dma_start3A_29 = arith.constant 1 : i32
      %dma_start3A_30 = arith.constant 1 : i32
      %dma_start3A_31 = arith.constant 0 : i32
      %dma_start3A_32 = arith.constant 0 : i32
      %dma_start3A_33 = tpu.memref_slice %arg9[%dma_start3A_30, %dma_start3A_31, %dma_start3A_32] : memref<2x128x128xf32, #tpu.memory_space<vmem>> -> memref<1x128x128xf32, #tpu.memory_space<vmem>>
      %dma_start3A_34 = tpu.memref_squeeze %dma_start3A_33 : memref<1x128x128xf32, #tpu.memory_space<vmem>> -> memref<128x128xf32, #tpu.memory_space<vmem>>
      %dma_start3A_35 = arith.constant 0 : i32
      %dma_start3A_36 = tpu.memref_slice %arg7[%dma_start3A_29, %dma_start3A_35] : memref<24x128xi32, #tpu.memory_space<vmem>> -> memref<1x128xi32, #tpu.memory_space<vmem>>
      %dma_start3A_37 = tpu.memref_squeeze %dma_start3A_36 : memref<1x128xi32, #tpu.memory_space<vmem>> -> memref<128xi32, #tpu.memory_space<vmem>>
      %dma_start3A_38 = arith.constant 0 : i32
      %dma_start3A_39 = arith.constant 0 : i32
      %dma_start3A_40 = tpu.memref_slice %arg2[%arg0, %dma_start3A_38, %dma_start3A_39] : memref<2x10000x128xf32, #tpu.memory_space<hbm>> -> memref<1x10000x128xf32, #tpu.memory_space<hbm>>
      %dma_start3A_41 = tpu.memref_squeeze %dma_start3A_40 : memref<1x10000x128xf32, #tpu.memory_space<hbm>> -> memref<10000x128xf32, #tpu.memory_space<hbm>>
      %dma_start3A_42 = arith.constant 0 : i32
      %dma_start3A_43 = arith.constant 0 : i32
      %dma_start3A_44 = tpu.memref_slice %dma_start3A_41[%dma_start3A_42, %dma_start3A_43] : memref<10000x128xf32, #tpu.memory_space<hbm>> -> memref<10000x128xf32, #tpu.memory_space<hbm>>
      tpu.enqueue_indirect_dma source(%dma_start3A_44 : memref<10000x128xf32, #tpu.memory_space<hbm>>) target(%dma_start3A_34 : memref<128x128xf32, #tpu.memory_space<vmem>>) offsets(%dma_start3A_37 : memref<128xi32, #tpu.memory_space<vmem>>) semaphore(%arg12 : memref<!tpu.dma_semaphore, #tpu.memory_space<semaphore_mem>>)
      %scan3A_45 = arith.constant 0 : i32
      %scan3A_46 = arith.constant 12 : i32
      %scan3A_47 = arith.addi %scan3A_45, %scan3A_46 : i32
      %scan3A_48 = arith.constant 1 : i32
      scf.for %scan3A_73 = %scan3A_45 to %scan3A_47 step %scan3A_48  : i32 {
        %mul3A_74 = arith.constant 1 : i32
        %mul3A_75 = arith.muli %scan3A_73, %mul3A_74 : i32
        %add3A_76 = arith.constant 0 : i32
        %add3A_77 = arith.addi %add3A_76, %mul3A_75 : i32
        %mul3A_78 = arith.constant 2 : i32
        %mul3A_79 = arith.muli %add3A_77, %mul3A_78 : i32
        %add3A_80 = arith.constant 0 : i32
        %add3A_81 = arith.addi %mul3A_79, %add3A_80 : i32
        %dma_wait3A_82 = arith.constant 0 : i32
        %dma_wait3A_83 = arith.constant 0 : i32
        %dma_wait3A_84 = arith.constant 0 : i32
        %dma_wait3A_85 = tpu.memref_slice %arg9[%dma_wait3A_82, %dma_wait3A_83, %dma_wait3A_84] : memref<2x128x128xf32, #tpu.memory_space<vmem>> -> memref<1x128x128xf32, #tpu.memory_space<vmem>>
        %dma_wait3A_86 = tpu.memref_squeeze %dma_wait3A_85 : memref<1x128x128xf32, #tpu.memory_space<vmem>> -> memref<128x128xf32, #tpu.memory_space<vmem>>
        %dma_wait3A_87 = arith.constant 0 : i32
        %dma_wait3A_88 = tpu.memref_slice %arg7[%add3A_81, %dma_wait3A_87] : memref<24x128xi32, #tpu.memory_space<vmem>> -> memref<1x128xi32, #tpu.memory_space<vmem>>
        %dma_wait3A_89 = tpu.memref_squeeze %dma_wait3A_88 : memref<1x128xi32, #tpu.memory_space<vmem>> -> memref<128xi32, #tpu.memory_space<vmem>>
        %dma_wait3A_90 = arith.constant 0 : i32
        %dma_wait3A_91 = arith.constant 0 : i32
        %dma_wait3A_92 = tpu.memref_slice %arg2[%arg0, %dma_wait3A_90, %dma_wait3A_91] : memref<2x10000x128xf32, #tpu.memory_space<hbm>> -> memref<1x10000x128xf32, #tpu.memory_space<hbm>>
        %dma_wait3A_93 = tpu.memref_squeeze %dma_wait3A_92 : memref<1x10000x128xf32, #tpu.memory_space<hbm>> -> memref<10000x128xf32, #tpu.memory_space<hbm>>
        %dma_wait3A_94 = arith.constant 0 : i32
        %dma_wait3A_95 = arith.constant 0 : i32
        %dma_wait3A_96 = tpu.memref_slice %dma_wait3A_93[%dma_wait3A_94, %dma_wait3A_95] : memref<10000x128xf32, #tpu.memory_space<hbm>> -> memref<10000x128xf32, #tpu.memory_space<hbm>>
        tpu.wait_indirect_dma semaphore(%arg11 : memref<!tpu.dma_semaphore, #tpu.memory_space<semaphore_mem>>) src(%dma_wait3A_96 : memref<10000x128xf32, #tpu.memory_space<hbm>>) dst(%dma_wait3A_86 : memref<128x128xf32, #tpu.memory_space<vmem>>)
        %add3A_97 = arith.constant 0 : i32
        %add3A_98 = arith.addi %mul3A_79, %add3A_97 : i32
        %dma_start3A_99 = arith.constant 0 : i32
        %dma_start3A_100 = arith.constant 0 : i32
        %dma_start3A_101 = arith.constant 0 : i32
        %dma_start3A_102 = tpu.memref_slice %arg9[%dma_start3A_99, %dma_start3A_100, %dma_start3A_101] : memref<2x128x128xf32, #tpu.memory_space<vmem>> -> memref<1x128x128xf32, #tpu.memory_space<vmem>>
        %dma_start3A_103 = tpu.memref_squeeze %dma_start3A_102 : memref<1x128x128xf32, #tpu.memory_space<vmem>> -> memref<128x128xf32, #tpu.memory_space<vmem>>
        %dma_start3A_104 = arith.constant 0 : i32
        %dma_start3A_105 = tpu.memref_slice %arg8[%add3A_98, %dma_start3A_104] : memref<24x128xi32, #tpu.memory_space<vmem>> -> memref<1x128xi32, #tpu.memory_space<vmem>>
        %dma_start3A_106 = tpu.memref_squeeze %dma_start3A_105 : memref<1x128xi32, #tpu.memory_space<vmem>> -> memref<128xi32, #tpu.memory_space<vmem>>
        %dma_start3A_107 = arith.constant 0 : i32
        %dma_start3A_108 = arith.constant 0 : i32
        %dma_start3A_109 = tpu.memref_slice %arg10[%dma_start3A_107, %dma_start3A_108] : memref<10112x128xf32, #tpu.memory_space<vmem_shared>> -> memref<10112x128xf32, #tpu.memory_space<vmem_shared>>
        tpu.enqueue_indirect_dma source(%dma_start3A_103 : memref<128x128xf32, #tpu.memory_space<vmem>>) target(%dma_start3A_109 : memref<10112x128xf32, #tpu.memory_space<vmem_shared>>) offsets(%dma_start3A_106 : memref<128xi32, #tpu.memory_space<vmem>>) semaphore(%arg13 : memref<!tpu.dma_semaphore, #tpu.memory_space<semaphore_mem>>) {add = true}
        %add3A_110 = arith.constant 1 : i32
        %add3A_111 = arith.addi %mul3A_79, %add3A_110 : i32
        %dma_wait3A_112 = arith.constant 1 : i32
        %dma_wait3A_113 = arith.constant 0 : i32
        %dma_wait3A_114 = arith.constant 0 : i32
        %dma_wait3A_115 = tpu.memref_slice %arg9[%dma_wait3A_112, %dma_wait3A_113, %dma_wait3A_114] : memref<2x128x128xf32, #tpu.memory_space<vmem>> -> memref<1x128x128xf32, #tpu.memory_space<vmem>>
        %dma_wait3A_116 = tpu.memref_squeeze %dma_wait3A_115 : memref<1x128x128xf32, #tpu.memory_space<vmem>> -> memref<128x128xf32, #tpu.memory_space<vmem>>
        %dma_wait3A_117 = arith.constant 0 : i32
        %dma_wait3A_118 = tpu.memref_slice %arg7[%add3A_111, %dma_wait3A_117] : memref<24x128xi32, #tpu.memory_space<vmem>> -> memref<1x128xi32, #tpu.memory_space<vmem>>
        %dma_wait3A_119 = tpu.memref_squeeze %dma_wait3A_118 : memref<1x128xi32, #tpu.memory_space<vmem>> -> memref<128xi32, #tpu.memory_space<vmem>>
        %dma_wait3A_120 = arith.constant 0 : i32
        %dma_wait3A_121 = arith.constant 0 : i32
        %dma_wait3A_122 = tpu.memref_slice %arg2[%arg0, %dma_wait3A_120, %dma_wait3A_121] : memref<2x10000x128xf32, #tpu.memory_space<hbm>> -> memref<1x10000x128xf32, #tpu.memory_space<hbm>>
        %dma_wait3A_123 = tpu.memref_squeeze %dma_wait3A_122 : memref<1x10000x128xf32, #tpu.memory_space<hbm>> -> memref<10000x128xf32, #tpu.memory_space<hbm>>
        %dma_wait3A_124 = arith.constant 0 : i32
        %dma_wait3A_125 = arith.constant 0 : i32
        %dma_wait3A_126 = tpu.memref_slice %dma_wait3A_123[%dma_wait3A_124, %dma_wait3A_125] : memref<10000x128xf32, #tpu.memory_space<hbm>> -> memref<10000x128xf32, #tpu.memory_space<hbm>>
        tpu.wait_indirect_dma semaphore(%arg12 : memref<!tpu.dma_semaphore, #tpu.memory_space<semaphore_mem>>) src(%dma_wait3A_126 : memref<10000x128xf32, #tpu.memory_space<hbm>>) dst(%dma_wait3A_116 : memref<128x128xf32, #tpu.memory_space<vmem>>)
        %add3A_127 = arith.constant 1 : i32
        %add3A_128 = arith.addi %mul3A_79, %add3A_127 : i32
        %dma_start3A_129 = arith.constant 1 : i32
        %dma_start3A_130 = arith.constant 0 : i32
        %dma_start3A_131 = arith.constant 0 : i32
        %dma_start3A_132 = tpu.memref_slice %arg9[%dma_start3A_129, %dma_start3A_130, %dma_start3A_131] : memref<2x128x128xf32, #tpu.memory_space<vmem>> -> memref<1x128x128xf32, #tpu.memory_space<vmem>>
        %dma_start3A_133 = tpu.memref_squeeze %dma_start3A_132 : memref<1x128x128xf32, #tpu.memory_space<vmem>> -> memref<128x128xf32, #tpu.memory_space<vmem>>
        %dma_start3A_134 = arith.constant 0 : i32
        %dma_start3A_135 = tpu.memref_slice %arg8[%add3A_128, %dma_start3A_134] : memref<24x128xi32, #tpu.memory_space<vmem>> -> memref<1x128xi32, #tpu.memory_space<vmem>>
        %dma_start3A_136 = tpu.memref_squeeze %dma_start3A_135 : memref<1x128xi32, #tpu.memory_space<vmem>> -> memref<128xi32, #tpu.memory_space<vmem>>
        %dma_start3A_137 = arith.constant 0 : i32
        %dma_start3A_138 = arith.constant 0 : i32
        %dma_start3A_139 = tpu.memref_slice %arg10[%dma_start3A_137, %dma_start3A_138] : memref<10112x128xf32, #tpu.memory_space<vmem_shared>> -> memref<10112x128xf32, #tpu.memory_space<vmem_shared>>
        tpu.enqueue_indirect_dma source(%dma_start3A_133 : memref<128x128xf32, #tpu.memory_space<vmem>>) target(%dma_start3A_139 : memref<10112x128xf32, #tpu.memory_space<vmem_shared>>) offsets(%dma_start3A_136 : memref<128xi32, #tpu.memory_space<vmem>>) semaphore(%arg14 : memref<!tpu.dma_semaphore, #tpu.memory_space<semaphore_mem>>) {add = true}
        %lt3A = arith.constant 11 : i32
        %lt3A_140 = arith.cmpi slt, %add3A_77, %lt3A : i32
        %convert_element_type3A_141 = arith.extui %lt3A_140 : i1 to i32
        %cond3A_142 = arith.constant 0 : i32
        %cond3A_143 = arith.cmpi ne, %convert_element_type3A_141, %cond3A_142 : i32
        scf.if %cond3A_143 {
          %add3A_144 = arith.constant 0 : i32
          %add3A_145 = arith.addi %mul3A_79, %add3A_144 : i32
          %dma_wait3A_146 = arith.constant 0 : i32
          %dma_wait3A_147 = arith.constant 0 : i32
          %dma_wait3A_148 = arith.constant 0 : i32
          %dma_wait3A_149 = tpu.memref_slice %arg9[%dma_wait3A_146, %dma_wait3A_147, %dma_wait3A_148] : memref<2x128x128xf32, #tpu.memory_space<vmem>> -> memref<1x128x128xf32, #tpu.memory_space<vmem>>
          %dma_wait3A_150 = tpu.memref_squeeze %dma_wait3A_149 : memref<1x128x128xf32, #tpu.memory_space<vmem>> -> memref<128x128xf32, #tpu.memory_space<vmem>>
          %dma_wait3A_151 = arith.constant 0 : i32
          %dma_wait3A_152 = tpu.memref_slice %arg8[%add3A_145, %dma_wait3A_151] : memref<24x128xi32, #tpu.memory_space<vmem>> -> memref<1x128xi32, #tpu.memory_space<vmem>>
          %dma_wait3A_153 = tpu.memref_squeeze %dma_wait3A_152 : memref<1x128xi32, #tpu.memory_space<vmem>> -> memref<128xi32, #tpu.memory_space<vmem>>
          %dma_wait3A_154 = arith.constant 0 : i32
          %dma_wait3A_155 = arith.constant 0 : i32
          %dma_wait3A_156 = tpu.memref_slice %arg10[%dma_wait3A_154, %dma_wait3A_155] : memref<10112x128xf32, #tpu.memory_space<vmem_shared>> -> memref<10112x128xf32, #tpu.memory_space<vmem_shared>>
          tpu.wait_indirect_dma semaphore(%arg13 : memref<!tpu.dma_semaphore, #tpu.memory_space<semaphore_mem>>) src(%dma_wait3A_150 : memref<128x128xf32, #tpu.memory_space<vmem>>) dst(%dma_wait3A_156 : memref<10112x128xf32, #tpu.memory_space<vmem_shared>>)
          %add3A_157 = arith.constant 2 : i32
          %add3A_158 = arith.addi %mul3A_79, %add3A_157 : i32
          %add3A_159 = arith.constant 0 : i32
          %add3A_160 = arith.addi %add3A_158, %add3A_159 : i32
          %dma_start3A_161 = arith.constant 0 : i32
          %dma_start3A_162 = arith.constant 0 : i32
          %dma_start3A_163 = arith.constant 0 : i32
          %dma_start3A_164 = tpu.memref_slice %arg9[%dma_start3A_161, %dma_start3A_162, %dma_start3A_163] : memref<2x128x128xf32, #tpu.memory_space<vmem>> -> memref<1x128x128xf32, #tpu.memory_space<vmem>>
          %dma_start3A_165 = tpu.memref_squeeze %dma_start3A_164 : memref<1x128x128xf32, #tpu.memory_space<vmem>> -> memref<128x128xf32, #tpu.memory_space<vmem>>
          %dma_start3A_166 = arith.constant 0 : i32
          %dma_start3A_167 = tpu.memref_slice %arg7[%add3A_160, %dma_start3A_166] : memref<24x128xi32, #tpu.memory_space<vmem>> -> memref<1x128xi32, #tpu.memory_space<vmem>>
          %dma_start3A_168 = tpu.memref_squeeze %dma_start3A_167 : memref<1x128xi32, #tpu.memory_space<vmem>> -> memref<128xi32, #tpu.memory_space<vmem>>
          %dma_start3A_169 = arith.constant 0 : i32
          %dma_start3A_170 = arith.constant 0 : i32
          %dma_start3A_171 = tpu.memref_slice %arg2[%arg0, %dma_start3A_169, %dma_start3A_170] : memref<2x10000x128xf32, #tpu.memory_space<hbm>> -> memref<1x10000x128xf32, #tpu.memory_space<hbm>>
          %dma_start3A_172 = tpu.memref_squeeze %dma_start3A_171 : memref<1x10000x128xf32, #tpu.memory_space<hbm>> -> memref<10000x128xf32, #tpu.memory_space<hbm>>
          %dma_start3A_173 = arith.constant 0 : i32
          %dma_start3A_174 = arith.constant 0 : i32
          %dma_start3A_175 = tpu.memref_slice %dma_start3A_172[%dma_start3A_173, %dma_start3A_174] : memref<10000x128xf32, #tpu.memory_space<hbm>> -> memref<10000x128xf32, #tpu.memory_space<hbm>>
          tpu.enqueue_indirect_dma source(%dma_start3A_175 : memref<10000x128xf32, #tpu.memory_space<hbm>>) target(%dma_start3A_165 : memref<128x128xf32, #tpu.memory_space<vmem>>) offsets(%dma_start3A_168 : memref<128xi32, #tpu.memory_space<vmem>>) semaphore(%arg11 : memref<!tpu.dma_semaphore, #tpu.memory_space<semaphore_mem>>)
          %add3A_176 = arith.constant 1 : i32
          %add3A_177 = arith.addi %mul3A_79, %add3A_176 : i32
          %dma_wait3A_178 = arith.constant 1 : i32
          %dma_wait3A_179 = arith.constant 0 : i32
          %dma_wait3A_180 = arith.constant 0 : i32
          %dma_wait3A_181 = tpu.memref_slice %arg9[%dma_wait3A_178, %dma_wait3A_179, %dma_wait3A_180] : memref<2x128x128xf32, #tpu.memory_space<vmem>> -> memref<1x128x128xf32, #tpu.memory_space<vmem>>
          %dma_wait3A_182 = tpu.memref_squeeze %dma_wait3A_181 : memref<1x128x128xf32, #tpu.memory_space<vmem>> -> memref<128x128xf32, #tpu.memory_space<vmem>>
          %dma_wait3A_183 = arith.constant 0 : i32
          %dma_wait3A_184 = tpu.memref_slice %arg8[%add3A_177, %dma_wait3A_183] : memref<24x128xi32, #tpu.memory_space<vmem>> -> memref<1x128xi32, #tpu.memory_space<vmem>>
          %dma_wait3A_185 = tpu.memref_squeeze %dma_wait3A_184 : memref<1x128xi32, #tpu.memory_space<vmem>> -> memref<128xi32, #tpu.memory_space<vmem>>
          %dma_wait3A_186 = arith.constant 0 : i32
          %dma_wait3A_187 = arith.constant 0 : i32
          %dma_wait3A_188 = tpu.memref_slice %arg10[%dma_wait3A_186, %dma_wait3A_187] : memref<10112x128xf32, #tpu.memory_space<vmem_shared>> -> memref<10112x128xf32, #tpu.memory_space<vmem_shared>>
          tpu.wait_indirect_dma semaphore(%arg14 : memref<!tpu.dma_semaphore, #tpu.memory_space<semaphore_mem>>) src(%dma_wait3A_182 : memref<128x128xf32, #tpu.memory_space<vmem>>) dst(%dma_wait3A_188 : memref<10112x128xf32, #tpu.memory_space<vmem_shared>>)
          %add3A_189 = arith.constant 2 : i32
          %add3A_190 = arith.addi %mul3A_79, %add3A_189 : i32
          %add3A_191 = arith.constant 1 : i32
          %add3A_192 = arith.addi %add3A_190, %add3A_191 : i32
          %dma_start3A_193 = arith.constant 1 : i32
          %dma_start3A_194 = arith.constant 0 : i32
          %dma_start3A_195 = arith.constant 0 : i32
          %dma_start3A_196 = tpu.memref_slice %arg9[%dma_start3A_193, %dma_start3A_194, %dma_start3A_195] : memref<2x128x128xf32, #tpu.memory_space<vmem>> -> memref<1x128x128xf32, #tpu.memory_space<vmem>>
          %dma_start3A_197 = tpu.memref_squeeze %dma_start3A_196 : memref<1x128x128xf32, #tpu.memory_space<vmem>> -> memref<128x128xf32, #tpu.memory_space<vmem>>
          %dma_start3A_198 = arith.constant 0 : i32
          %dma_start3A_199 = tpu.memref_slice %arg7[%add3A_192, %dma_start3A_198] : memref<24x128xi32, #tpu.memory_space<vmem>> -> memref<1x128xi32, #tpu.memory_space<vmem>>
          %dma_start3A_200 = tpu.memref_squeeze %dma_start3A_199 : memref<1x128xi32, #tpu.memory_space<vmem>> -> memref<128xi32, #tpu.memory_space<vmem>>
          %dma_start3A_201 = arith.constant 0 : i32
          %dma_start3A_202 = arith.constant 0 : i32
          %dma_start3A_203 = tpu.memref_slice %arg2[%arg0, %dma_start3A_201, %dma_start3A_202] : memref<2x10000x128xf32, #tpu.memory_space<hbm>> -> memref<1x10000x128xf32, #tpu.memory_space<hbm>>
          %dma_start3A_204 = tpu.memref_squeeze %dma_start3A_203 : memref<1x10000x128xf32, #tpu.memory_space<hbm>> -> memref<10000x128xf32, #tpu.memory_space<hbm>>
          %dma_start3A_205 = arith.constant 0 : i32
          %dma_start3A_206 = arith.constant 0 : i32
          %dma_start3A_207 = tpu.memref_slice %dma_start3A_204[%dma_start3A_205, %dma_start3A_206] : memref<10000x128xf32, #tpu.memory_space<hbm>> -> memref<10000x128xf32, #tpu.memory_space<hbm>>
          tpu.enqueue_indirect_dma source(%dma_start3A_207 : memref<10000x128xf32, #tpu.memory_space<hbm>>) target(%dma_start3A_197 : memref<128x128xf32, #tpu.memory_space<vmem>>) offsets(%dma_start3A_200 : memref<128xi32, #tpu.memory_space<vmem>>) semaphore(%arg12 : memref<!tpu.dma_semaphore, #tpu.memory_space<semaphore_mem>>)
        } else {
        }
      }
      %scan3A_49 = arith.constant 12 : i32
      %dma_wait3A = arith.constant 0 : i32
      %dma_wait3A_50 = arith.constant 22 : i32
      %dma_wait3A_51 = arith.constant 0 : i32
      %dma_wait3A_52 = arith.constant 0 : i32
      %dma_wait3A_53 = tpu.memref_slice %arg9[%dma_wait3A, %dma_wait3A_51, %dma_wait3A_52] : memref<2x128x128xf32, #tpu.memory_space<vmem>> -> memref<1x128x128xf32, #tpu.memory_space<vmem>>
      %dma_wait3A_54 = tpu.memref_squeeze %dma_wait3A_53 : memref<1x128x128xf32, #tpu.memory_space<vmem>> -> memref<128x128xf32, #tpu.memory_space<vmem>>
      %dma_wait3A_55 = arith.constant 0 : i32
      %dma_wait3A_56 = tpu.memref_slice %arg8[%dma_wait3A_50, %dma_wait3A_55] : memref<24x128xi32, #tpu.memory_space<vmem>> -> memref<1x128xi32, #tpu.memory_space<vmem>>
      %dma_wait3A_57 = tpu.memref_squeeze %dma_wait3A_56 : memref<1x128xi32, #tpu.memory_space<vmem>> -> memref<128xi32, #tpu.memory_space<vmem>>
      %dma_wait3A_58 = arith.constant 0 : i32
      %dma_wait3A_59 = arith.constant 0 : i32
      %dma_wait3A_60 = tpu.memref_slice %arg10[%dma_wait3A_58, %dma_wait3A_59] : memref<10112x128xf32, #tpu.memory_space<vmem_shared>> -> memref<10112x128xf32, #tpu.memory_space<vmem_shared>>
      tpu.wait_indirect_dma semaphore(%arg13 : memref<!tpu.dma_semaphore, #tpu.memory_space<semaphore_mem>>) src(%dma_wait3A_54 : memref<128x128xf32, #tpu.memory_space<vmem>>) dst(%dma_wait3A_60 : memref<10112x128xf32, #tpu.memory_space<vmem_shared>>)
      %dma_wait3A_61 = arith.constant 1 : i32
      %dma_wait3A_62 = arith.constant 23 : i32
      %dma_wait3A_63 = arith.constant 0 : i32
      %dma_wait3A_64 = arith.constant 0 : i32
      %dma_wait3A_65 = tpu.memref_slice %arg9[%dma_wait3A_61, %dma_wait3A_63, %dma_wait3A_64] : memref<2x128x128xf32, #tpu.memory_space<vmem>> -> memref<1x128x128xf32, #tpu.memory_space<vmem>>
      %dma_wait3A_66 = tpu.memref_squeeze %dma_wait3A_65 : memref<1x128x128xf32, #tpu.memory_space<vmem>> -> memref<128x128xf32, #tpu.memory_space<vmem>>
      %dma_wait3A_67 = arith.constant 0 : i32
      %dma_wait3A_68 = tpu.memref_slice %arg8[%dma_wait3A_62, %dma_wait3A_67] : memref<24x128xi32, #tpu.memory_space<vmem>> -> memref<1x128xi32, #tpu.memory_space<vmem>>
      %dma_wait3A_69 = tpu.memref_squeeze %dma_wait3A_68 : memref<1x128xi32, #tpu.memory_space<vmem>> -> memref<128xi32, #tpu.memory_space<vmem>>
      %dma_wait3A_70 = arith.constant 0 : i32
      %dma_wait3A_71 = arith.constant 0 : i32
      %dma_wait3A_72 = tpu.memref_slice %arg10[%dma_wait3A_70, %dma_wait3A_71] : memref<10112x128xf32, #tpu.memory_space<vmem_shared>> -> memref<10112x128xf32, #tpu.memory_space<vmem_shared>>
      tpu.wait_indirect_dma semaphore(%arg14 : memref<!tpu.dma_semaphore, #tpu.memory_space<semaphore_mem>>) src(%dma_wait3A_66 : memref<128x128xf32, #tpu.memory_space<vmem>>) dst(%dma_wait3A_72 : memref<10112x128xf32, #tpu.memory_space<vmem_shared>>)
    }
    %scan3A_5 = arith.constant 7 : i32
    %barrier3A_6 = arith.constant 0 : index
    tpu.barrier barrier_id(%barrier3A_6)
    %mul3A = arith.constant 632 : i32
    %mul3A_7 = arith.muli %arg1, %mul3A : i32
    %mul3A_8 = arith.constant 632 : i32
    %mul3A_9 = arith.muli %arg1, %mul3A_8 : i32
    "tpu.region"() ({
      %run_scoped3A = tpu.sem_alloc : memref<!tpu.dma_semaphore, #tpu.memory_space<semaphore_mem>>
      %dma_start3A = arith.constant 0 : i32
      %dma_start3A_10 = arith.constant 0 : i32
      %dma_start3A_11 = tpu.memref_slice %arg6[%arg0, %dma_start3A, %dma_start3A_10] : memref<2x10112x128xf32, #tpu.memory_space<hbm>> -> memref<1x10112x128xf32, #tpu.memory_space<hbm>>
      %dma_start3A_12 = tpu.memref_squeeze %dma_start3A_11 : memref<1x10112x128xf32, #tpu.memory_space<hbm>> -> memref<10112x128xf32, #tpu.memory_space<hbm>>
      %dma_start3A_13 = arith.constant 0 : i32
      %dma_start3A_14 = tpu.memref_slice %dma_start3A_12[%mul3A_9, %dma_start3A_13] : memref<10112x128xf32, #tpu.memory_space<hbm>> -> memref<632x128xf32, #tpu.memory_space<hbm>>
      %dma_start3A_15 = arith.constant 0 : i32
      %dma_start3A_16 = tpu.memref_slice %arg10[%mul3A_7, %dma_start3A_15] : memref<10112x128xf32, #tpu.memory_space<vmem_shared>> -> memref<632x128xf32, #tpu.memory_space<vmem_shared>>
      tpu.enqueue_dma source(%dma_start3A_16 : memref<632x128xf32, #tpu.memory_space<vmem_shared>>) target(%dma_start3A_14 : memref<632x128xf32, #tpu.memory_space<hbm>>) target_semaphore(%run_scoped3A : memref<!tpu.dma_semaphore, #tpu.memory_space<semaphore_mem>>)
      %dma_wait3A = arith.constant 0 : i32
      %dma_wait3A_17 = arith.constant 0 : i32
      %dma_wait3A_18 = tpu.memref_slice %arg6[%arg0, %dma_wait3A, %dma_wait3A_17] : memref<2x10112x128xf32, #tpu.memory_space<hbm>> -> memref<1x10112x128xf32, #tpu.memory_space<hbm>>
      %dma_wait3A_19 = tpu.memref_squeeze %dma_wait3A_18 : memref<1x10112x128xf32, #tpu.memory_space<hbm>> -> memref<10112x128xf32, #tpu.memory_space<hbm>>
      %dma_wait3A_20 = arith.constant 0 : i32
      %dma_wait3A_21 = tpu.memref_slice %dma_wait3A_19[%mul3A_9, %dma_wait3A_20] : memref<10112x128xf32, #tpu.memory_space<hbm>> -> memref<632x128xf32, #tpu.memory_space<hbm>>
      %dma_wait3A_22 = arith.constant 0 : i32
      %dma_wait3A_23 = tpu.memref_slice %arg10[%mul3A_7, %dma_wait3A_22] : memref<10112x128xf32, #tpu.memory_space<vmem_shared>> -> memref<632x128xf32, #tpu.memory_space<vmem_shared>>
      tpu.wait_dma2 semaphore(%run_scoped3A : memref<!tpu.dma_semaphore, #tpu.memory_space<semaphore_mem>>) src(%dma_wait3A_23 : memref<632x128xf32, #tpu.memory_space<vmem_shared>>) dst(%dma_wait3A_21 : memref<632x128xf32, #tpu.memory_space<hbm>>)
      tpu.yield
    }) : () -> ()
    return
  }
}

module attributes {stable_mosaic.version = 14 : i64} {
  func.func @_scale_body(%arg0: i32, %arg1: memref<1000x256xf32, #tpu.memory_space<vmem>>, %arg2: memref<2x1000x16xf32, #tpu.memory_space<vmem>>, %arg3: memref<2x1000x128xf32, #tpu.memory_space<vmem>>) attributes {dimension_semantics = [#tpu.dimension_semantics<arbitrary>], iteration_bounds = array<i64: 10>, scalar_prefetch = 0 : i64, scratch_operands = 0 : i64, tpu.core_type = #tpu.core_type<tc>, window_params = [{transform_indices = @transform_0, window_bounds = array<i64: 1000, 256>}, {transform_indices = @transform_1, window_bounds = array<i64: 2, 1000, 16>}, {transform_indices = @transform_2, window_bounds = array<i64: 2, 1000, 128>}]} {
    %get3A = arith.constant 0 : index
    %get3A_0 = arith.constant 0 : index
    %get3A_1 = arith.constant 0 : index
    %get3A_2 = vector.load %arg2[%get3A, %get3A_0, %get3A_1] : memref<2x1000x16xf32, #tpu.memory_space<vmem>>, vector<1x1000x1xf32>
    %get3A_3 = vector.shape_cast %get3A_2 : vector<1x1000x1xf32> to vector<1000xf32>
    %get3A_4 = arith.constant 1 : index
    %get3A_5 = arith.constant 0 : index
    %get3A_6 = arith.constant 0 : index
    %get3A_7 = vector.load %arg2[%get3A_4, %get3A_5, %get3A_6] : memref<2x1000x16xf32, #tpu.memory_space<vmem>>, vector<1x1000x1xf32>
    %get3A_8 = vector.shape_cast %get3A_7 : vector<1x1000x1xf32> to vector<1000xf32>
    %add3A = arith.addf %get3A_3, %get3A_8 : vector<1000xf32>
    %rsqrt3A = math.rsqrt %add3A : vector<1000xf32>
    %broadcast_in_dim3A = vector.shape_cast %rsqrt3A : vector<1000xf32> to vector<1000x1xf32>
    %get3A_9 = arith.constant 0 : index
    %get3A_10 = arith.constant 0 : index
    %get3A_11 = vector.load %arg1[%get3A_9, %get3A_10] : memref<1000x256xf32, #tpu.memory_space<vmem>>, vector<1000x256xf32>
    %mul3A = vector.broadcast %broadcast_in_dim3A : vector<1000x1xf32> to vector<1000x256xf32>
    %mul3A_12 = arith.mulf %get3A_11, %mul3A : vector<1000x256xf32>
    %slice3A = vector.extract_strided_slice %mul3A_12 {offsets = [0, 0], sizes = [1000, 128], strides = [1, 1]} : vector<1000x256xf32> to vector<1000x128xf32>
    %swap3A = arith.constant 0 : index
    %swap3A_13 = arith.constant 0 : index
    %swap3A_14 = arith.constant 0 : index
    %swap3A_15 = vector.load %arg3[%swap3A, %swap3A_13, %swap3A_14] : memref<2x1000x128xf32, #tpu.memory_space<vmem>>, vector<1x1000x128xf32>
    %swap3A_16 = vector.shape_cast %swap3A_15 : vector<1x1000x128xf32> to vector<1000x128xf32>
    %swap3A_17 = vector.shape_cast %slice3A : vector<1000x128xf32> to vector<1x1000x128xf32>
    tpu.vector_store %arg3[%swap3A, %swap3A_13, %swap3A_14], %swap3A_17 {strides = array<i32>} : memref<2x1000x128xf32, #tpu.memory_space<vmem>>, vector<1x1000x128xf32>,
    %slice3A_18 = vector.extract_strided_slice %mul3A_12 {offsets = [0, 128], sizes = [1000, 128], strides = [1, 1]} : vector<1000x256xf32> to vector<1000x128xf32>
    %swap3A_19 = arith.constant 1 : index
    %swap3A_20 = arith.constant 0 : index
    %swap3A_21 = arith.constant 0 : index
    %swap3A_22 = vector.load %arg3[%swap3A_19, %swap3A_20, %swap3A_21] : memref<2x1000x128xf32, #tpu.memory_space<vmem>>, vector<1x1000x128xf32>
    %swap3A_23 = vector.shape_cast %swap3A_22 : vector<1x1000x128xf32> to vector<1000x128xf32>
    %swap3A_24 = vector.shape_cast %slice3A_18 : vector<1000x128xf32> to vector<1x1000x128xf32>
    tpu.vector_store %arg3[%swap3A_19, %swap3A_20, %swap3A_21], %swap3A_24 {strides = array<i32>} : memref<2x1000x128xf32, #tpu.memory_space<vmem>>, vector<1x1000x128xf32>,
    return
  }
  func.func @transform_0(%arg0: i32) -> (i32, i32) {
    %c0_i32 = arith.constant 0 : i32
    %c0_i32_0 = arith.constant 0 : i32
    return %arg0, %c0_i32 : i32, i32
  }
  func.func @transform_1(%arg0: i32) -> (i32, i32, i32) {
    %c0_i32 = arith.constant 0 : i32
    %c0_i32_0 = arith.constant 0 : i32
    %c0_i32_1 = arith.constant 0 : i32
    return %c0_i32, %arg0, %c0_i32_0 : i32, i32, i32
  }
  func.func @transform_2(%arg0: i32) -> (i32, i32, i32) {
    %c0_i32 = arith.constant 0 : i32
    %c0_i32_0 = arith.constant 0 : i32
    %c0_i32_1 = arith.constant 0 : i32
    return %c0_i32, %arg0, %c0_i32_0 : i32, i32, i32
  }
}

module attributes {stable_mosaic.version = 14 : i64} {
  func.func @_l1_body(%arg0: i32, %arg1: memref<1000x128xf32, #tpu.memory_space<vmem>>, %arg2: memref<128x256xf32, #tpu.memory_space<vmem>>, %arg3: memref<1000x256xf32, #tpu.memory_space<vmem>>) attributes {dimension_semantics = [#tpu.dimension_semantics<arbitrary>], iteration_bounds = array<i64: 10>, scalar_prefetch = 0 : i64, scratch_operands = 0 : i64, tpu.core_type = #tpu.core_type<tc>, window_params = [{transform_indices = @transform_0, window_bounds = array<i64: 1000, 128>}, {pipeline_mode = #tpu.pipeline_mode<synchronous>, transform_indices = @transform_1, window_bounds = array<i64: 128, 256>}, {transform_indices = @transform_2, window_bounds = array<i64: 1000, 256>}]} {
    %get3A = arith.constant 0 : index
    %get3A_0 = arith.constant 0 : index
    %get3A_1 = vector.load %arg1[%get3A, %get3A_0] : memref<1000x128xf32, #tpu.memory_space<vmem>>, vector<1000x128xf32>
    %get3A_2 = arith.constant 0 : index
    %get3A_3 = arith.constant 0 : index
    %get3A_4 = vector.load %arg2[%get3A_2, %get3A_3] : memref<128x256xf32, #tpu.memory_space<vmem>>, vector<128x256xf32>
    %dot_general3A = arith.constant dense<0.000000e+00> : vector<1000x256xf32>
    %dot_general3A_5 = tpu.matmul %get3A_1, %get3A_4, %dot_general3A {dimension_numbers = #tpu.dot_dimension_numbers<[1], [0], [0], [1], [0, 0, 1, 1], [], []>, precision = #tpu.contract_precision<fp32>, transpose_lhs_hint = false} : vector<1000x128xf32>, vector<128x256xf32>, vector<1000x256xf32> -> vector<1000x256xf32>
    %swap3A = arith.constant 0 : index
    %swap3A_6 = arith.constant 0 : index
    %swap3A_7 = vector.load %arg3[%swap3A, %swap3A_6] : memref<1000x256xf32, #tpu.memory_space<vmem>>, vector<1000x256xf32>
    tpu.vector_store %arg3[%swap3A, %swap3A_6], %dot_general3A_5 {strides = array<i32>} : memref<1000x256xf32, #tpu.memory_space<vmem>>, vector<1000x256xf32>,
    return
  }
  func.func @transform_0(%arg0: i32) -> (i32, i32) {
    %c0_i32 = arith.constant 0 : i32
    %c0_i32_0 = arith.constant 0 : i32
    return %arg0, %c0_i32 : i32, i32
  }
  func.func @transform_1(%arg0: i32) -> (i32, i32) {
    %c0_i32 = arith.constant 0 : i32
    %c0_i32_0 = arith.constant 0 : i32
    %c0_i32_1 = arith.constant 0 : i32
    return %c0_i32, %c0_i32_0 : i32, i32
  }
  func.func @transform_2(%arg0: i32) -> (i32, i32) {
    %c0_i32 = arith.constant 0 : i32
    %c0_i32_0 = arith.constant 0 : i32
    return %arg0, %c0_i32 : i32, i32
  }
}

module attributes {stable_mosaic.version = 14 : i64} {
  func.func @_mid_body(%arg0: i32, %arg1: memref<2x1000x128xf32, #tpu.memory_space<vmem>>, %arg2: memref<2x1000x16xf32, #tpu.memory_space<vmem>>, %arg3: memref<256xf32, #tpu.memory_space<vmem>>, %arg4: memref<256x256xf32, #tpu.memory_space<vmem>>, %arg5: memref<2x1000x128xf32, #tpu.memory_space<vmem>>) attributes {dimension_semantics = [#tpu.dimension_semantics<arbitrary>], iteration_bounds = array<i64: 10>, scalar_prefetch = 0 : i64, scratch_operands = 0 : i64, tpu.core_type = #tpu.core_type<tc>, window_params = [{transform_indices = @transform_0, window_bounds = array<i64: 2, 1000, 128>}, {transform_indices = @transform_1, window_bounds = array<i64: 2, 1000, 16>}, {pipeline_mode = #tpu.pipeline_mode<synchronous>, transform_indices = @transform_2, window_bounds = array<i64: 256>}, {pipeline_mode = #tpu.pipeline_mode<synchronous>, transform_indices = @transform_3, window_bounds = array<i64: 256, 256>}, {transform_indices = @transform_4, window_bounds = array<i64: 2, 1000, 128>}]} {
    %get3A = arith.constant 0 : index
    %get3A_0 = arith.constant 0 : index
    %get3A_1 = arith.constant 0 : index
    %get3A_2 = vector.load %arg2[%get3A, %get3A_0, %get3A_1] : memref<2x1000x16xf32, #tpu.memory_space<vmem>>, vector<1x1000x1xf32>
    %get3A_3 = vector.shape_cast %get3A_2 : vector<1x1000x1xf32> to vector<1000xf32>
    %get3A_4 = arith.constant 1 : index
    %get3A_5 = arith.constant 0 : index
    %get3A_6 = arith.constant 0 : index
    %get3A_7 = vector.load %arg2[%get3A_4, %get3A_5, %get3A_6] : memref<2x1000x16xf32, #tpu.memory_space<vmem>>, vector<1x1000x1xf32>
    %get3A_8 = vector.shape_cast %get3A_7 : vector<1x1000x1xf32> to vector<1000xf32>
    %add3A = arith.addf %get3A_3, %get3A_8 : vector<1000xf32>
    %rsqrt3A = math.rsqrt %add3A : vector<1000xf32>
    %broadcast_in_dim3A = vector.shape_cast %rsqrt3A : vector<1000xf32> to vector<1000x1xf32>
    %get3A_9 = arith.constant 0 : index
    %get3A_10 = arith.constant 0 : index
    %get3A_11 = arith.constant 0 : index
    %get3A_12 = vector.load %arg1[%get3A_9, %get3A_10, %get3A_11] : memref<2x1000x128xf32, #tpu.memory_space<vmem>>, vector<1x1000x128xf32>
    %get3A_13 = vector.shape_cast %get3A_12 : vector<1x1000x128xf32> to vector<1000x128xf32>
    %get3A_14 = arith.constant 1 : index
    %get3A_15 = arith.constant 0 : index
    %get3A_16 = arith.constant 0 : index
    %get3A_17 = vector.load %arg1[%get3A_14, %get3A_15, %get3A_16] : memref<2x1000x128xf32, #tpu.memory_space<vmem>>, vector<1x1000x128xf32>
    %get3A_18 = vector.shape_cast %get3A_17 : vector<1x1000x128xf32> to vector<1000x128xf32>
    %concatenate3A = tpu.concatenate %get3A_13, %get3A_18 in 1 : vector<1000x128xf32>, vector<1000x128xf32> -> vector<1000x256xf32>
    %mul3A = vector.broadcast %broadcast_in_dim3A : vector<1000x1xf32> to vector<1000x256xf32>
    %mul3A_19 = arith.mulf %concatenate3A, %mul3A : vector<1000x256xf32>
    %get3A_20 = arith.constant 0 : index
    %get3A_21 = vector.load %arg3[%get3A_20] : memref<256xf32, #tpu.memory_space<vmem>>, vector<256xf32>
    %broadcast_in_dim3A_22 = vector.shape_cast %get3A_21 : vector<256xf32> to vector<1x256xf32>
    %add3A_23 = vector.broadcast %broadcast_in_dim3A_22 : vector<1x256xf32> to vector<1000x256xf32>
    %add3A_24 = arith.addf %mul3A_19, %add3A_23 : vector<1000x256xf32>
    %max3A = arith.constant 0.000000e+00 : f32
    %max3A_25 = vector.broadcast %max3A : f32 to vector<1000x256xf32>
    %max3A_26 = arith.maximumf %add3A_24, %max3A_25 : vector<1000x256xf32>
    %get3A_27 = arith.constant 0 : index
    %get3A_28 = arith.constant 0 : index
    %get3A_29 = vector.load %arg4[%get3A_27, %get3A_28] : memref<256x256xf32, #tpu.memory_space<vmem>>, vector<256x256xf32>
    %dot_general3A = arith.constant dense<0.000000e+00> : vector<1000x256xf32>
    %dot_general3A_30 = tpu.matmul %max3A_26, %get3A_29, %dot_general3A {dimension_numbers = #tpu.dot_dimension_numbers<[1], [0], [0], [1], [0, 0, 1, 1], [], []>, precision = #tpu.contract_precision<fp32>, transpose_lhs_hint = false} : vector<1000x256xf32>, vector<256x256xf32>, vector<1000x256xf32> -> vector<1000x256xf32>
    %mul3A_31 = vector.broadcast %broadcast_in_dim3A : vector<1000x1xf32> to vector<1000x256xf32>
    %mul3A_32 = arith.mulf %dot_general3A_30, %mul3A_31 : vector<1000x256xf32>
    %slice3A = vector.extract_strided_slice %mul3A_32 {offsets = [0, 0], sizes = [1000, 128], strides = [1, 1]} : vector<1000x256xf32> to vector<1000x128xf32>
    %swap3A = arith.constant 0 : index
    %swap3A_33 = arith.constant 0 : index
    %swap3A_34 = arith.constant 0 : index
    %swap3A_35 = vector.load %arg5[%swap3A, %swap3A_33, %swap3A_34] : memref<2x1000x128xf32, #tpu.memory_space<vmem>>, vector<1x1000x128xf32>
    %swap3A_36 = vector.shape_cast %swap3A_35 : vector<1x1000x128xf32> to vector<1000x128xf32>
    %swap3A_37 = vector.shape_cast %slice3A : vector<1000x128xf32> to vector<1x1000x128xf32>
    tpu.vector_store %arg5[%swap3A, %swap3A_33, %swap3A_34], %swap3A_37 {strides = array<i32>} : memref<2x1000x128xf32, #tpu.memory_space<vmem>>, vector<1x1000x128xf32>,
    %slice3A_38 = vector.extract_strided_slice %mul3A_32 {offsets = [0, 128], sizes = [1000, 128], strides = [1, 1]} : vector<1000x256xf32> to vector<1000x128xf32>
    %swap3A_39 = arith.constant 1 : index
    %swap3A_40 = arith.constant 0 : index
    %swap3A_41 = arith.constant 0 : index
    %swap3A_42 = vector.load %arg5[%swap3A_39, %swap3A_40, %swap3A_41] : memref<2x1000x128xf32, #tpu.memory_space<vmem>>, vector<1x1000x128xf32>
    %swap3A_43 = vector.shape_cast %swap3A_42 : vector<1x1000x128xf32> to vector<1000x128xf32>
    %swap3A_44 = vector.shape_cast %slice3A_38 : vector<1000x128xf32> to vector<1x1000x128xf32>
    tpu.vector_store %arg5[%swap3A_39, %swap3A_40, %swap3A_41], %swap3A_44 {strides = array<i32>} : memref<2x1000x128xf32, #tpu.memory_space<vmem>>, vector<1x1000x128xf32>,
    return
  }
  func.func @transform_0(%arg0: i32) -> (i32, i32, i32) {
    %c0_i32 = arith.constant 0 : i32
    %c0_i32_0 = arith.constant 0 : i32
    %c0_i32_1 = arith.constant 0 : i32
    return %c0_i32, %arg0, %c0_i32_0 : i32, i32, i32
  }
  func.func @transform_1(%arg0: i32) -> (i32, i32, i32) {
    %c0_i32 = arith.constant 0 : i32
    %c0_i32_0 = arith.constant 0 : i32
    %c0_i32_1 = arith.constant 0 : i32
    return %c0_i32, %arg0, %c0_i32_0 : i32, i32, i32
  }
  func.func @transform_2(%arg0: i32) -> i32 {
    %c0_i32 = arith.constant 0 : i32
    %c0_i32_0 = arith.constant 0 : i32
    return %c0_i32 : i32
  }
  func.func @transform_3(%arg0: i32) -> (i32, i32) {
    %c0_i32 = arith.constant 0 : i32
    %c0_i32_0 = arith.constant 0 : i32
    %c0_i32_1 = arith.constant 0 : i32
    return %c0_i32, %c0_i32_0 : i32, i32
  }
  func.func @transform_4(%arg0: i32) -> (i32, i32, i32) {
    %c0_i32 = arith.constant 0 : i32
    %c0_i32_0 = arith.constant 0 : i32
    %c0_i32_1 = arith.constant 0 : i32
    return %c0_i32, %arg0, %c0_i32_0 : i32, i32, i32
  }
}

module attributes {stable_mosaic.version = 14 : i64} {
  func.func @_fin_body(%arg0: i32, %arg1: memref<2x1000x128xf32, #tpu.memory_space<vmem>>, %arg2: memref<2x1000x16xf32, #tpu.memory_space<vmem>>, %arg3: memref<256xf32, #tpu.memory_space<vmem>>, %arg4: memref<1000x256xf32, #tpu.memory_space<vmem>>) attributes {dimension_semantics = [#tpu.dimension_semantics<arbitrary>], iteration_bounds = array<i64: 10>, scalar_prefetch = 0 : i64, scratch_operands = 0 : i64, tpu.core_type = #tpu.core_type<tc>, window_params = [{transform_indices = @transform_0, window_bounds = array<i64: 2, 1000, 128>}, {transform_indices = @transform_1, window_bounds = array<i64: 2, 1000, 16>}, {pipeline_mode = #tpu.pipeline_mode<synchronous>, transform_indices = @transform_2, window_bounds = array<i64: 256>}, {transform_indices = @transform_3, window_bounds = array<i64: 1000, 256>}]} {
    %get3A = arith.constant 0 : index
    %get3A_0 = arith.constant 0 : index
    %get3A_1 = arith.constant 0 : index
    %get3A_2 = vector.load %arg2[%get3A, %get3A_0, %get3A_1] : memref<2x1000x16xf32, #tpu.memory_space<vmem>>, vector<1x1000x1xf32>
    %get3A_3 = vector.shape_cast %get3A_2 : vector<1x1000x1xf32> to vector<1000xf32>
    %get3A_4 = arith.constant 1 : index
    %get3A_5 = arith.constant 0 : index
    %get3A_6 = arith.constant 0 : index
    %get3A_7 = vector.load %arg2[%get3A_4, %get3A_5, %get3A_6] : memref<2x1000x16xf32, #tpu.memory_space<vmem>>, vector<1x1000x1xf32>
    %get3A_8 = vector.shape_cast %get3A_7 : vector<1x1000x1xf32> to vector<1000xf32>
    %add3A = arith.addf %get3A_3, %get3A_8 : vector<1000xf32>
    %rsqrt3A = math.rsqrt %add3A : vector<1000xf32>
    %broadcast_in_dim3A = vector.shape_cast %rsqrt3A : vector<1000xf32> to vector<1000x1xf32>
    %get3A_9 = arith.constant 0 : index
    %get3A_10 = arith.constant 0 : index
    %get3A_11 = arith.constant 0 : index
    %get3A_12 = vector.load %arg1[%get3A_9, %get3A_10, %get3A_11] : memref<2x1000x128xf32, #tpu.memory_space<vmem>>, vector<1x1000x128xf32>
    %get3A_13 = vector.shape_cast %get3A_12 : vector<1x1000x128xf32> to vector<1000x128xf32>
    %get3A_14 = arith.constant 1 : index
    %get3A_15 = arith.constant 0 : index
    %get3A_16 = arith.constant 0 : index
    %get3A_17 = vector.load %arg1[%get3A_14, %get3A_15, %get3A_16] : memref<2x1000x128xf32, #tpu.memory_space<vmem>>, vector<1x1000x128xf32>
    %get3A_18 = vector.shape_cast %get3A_17 : vector<1x1000x128xf32> to vector<1000x128xf32>
    %concatenate3A = tpu.concatenate %get3A_13, %get3A_18 in 1 : vector<1000x128xf32>, vector<1000x128xf32> -> vector<1000x256xf32>
    %mul3A = vector.broadcast %broadcast_in_dim3A : vector<1000x1xf32> to vector<1000x256xf32>
    %mul3A_19 = arith.mulf %concatenate3A, %mul3A : vector<1000x256xf32>
    %get3A_20 = arith.constant 0 : index
    %get3A_21 = vector.load %arg3[%get3A_20] : memref<256xf32, #tpu.memory_space<vmem>>, vector<256xf32>
    %broadcast_in_dim3A_22 = vector.shape_cast %get3A_21 : vector<256xf32> to vector<1x256xf32>
    %add3A_23 = vector.broadcast %broadcast_in_dim3A_22 : vector<1x256xf32> to vector<1000x256xf32>
    %add3A_24 = arith.addf %mul3A_19, %add3A_23 : vector<1000x256xf32>
    %swap3A = arith.constant 0 : index
    %swap3A_25 = arith.constant 0 : index
    %swap3A_26 = vector.load %arg4[%swap3A, %swap3A_25] : memref<1000x256xf32, #tpu.memory_space<vmem>>, vector<1000x256xf32>
    tpu.vector_store %arg4[%swap3A, %swap3A_25], %add3A_24 {strides = array<i32>} : memref<1000x256xf32, #tpu.memory_space<vmem>>, vector<1000x256xf32>,
    return
  }
  func.func @transform_0(%arg0: i32) -> (i32, i32, i32) {
    %c0_i32 = arith.constant 0 : i32
    %c0_i32_0 = arith.constant 0 : i32
    %c0_i32_1 = arith.constant 0 : i32
    return %c0_i32, %arg0, %c0_i32_0 : i32, i32, i32
  }
  func.func @transform_1(%arg0: i32) -> (i32, i32, i32) {
    %c0_i32 = arith.constant 0 : i32
    %c0_i32_0 = arith.constant 0 : i32
    %c0_i32_1 = arith.constant 0 : i32
    return %c0_i32, %arg0, %c0_i32_0 : i32, i32, i32
  }
  func.func @transform_2(%arg0: i32) -> i32 {
    %c0_i32 = arith.constant 0 : i32
    %c0_i32_0 = arith.constant 0 : i32
    return %c0_i32 : i32
  }
  func.func @transform_3(%arg0: i32) -> (i32, i32) {
    %c0_i32 = arith.constant 0 : i32
    %c0_i32_0 = arith.constant 0 : i32
    return %arg0, %c0_i32 : i32, i32
  }
}

</mosaic_0001>

<sc_bundles>
// kernel: kernel.11.cloned.1.call-start
scs
__scs_entry_jumppad:
0x0: {  	(pc) =	sbr.rel $0x88, $3  }
0x1: {  	(tag) =	ssettag $0x0;
	lr =	simm.s32 $0x1  }
0x2: {  	[smem:$0x3F99] =	sst lr;
	_ =	strace $0xD0000000  }
0x3: {  	_ = 	snop  }
0x4: {  	_ = 	snop  }
0x5: {  	_ = 	snop  }
0x6: {  	_ = 	snop  }
0x7: {  	_ = 	snop  }
__scs_overlays_trampoline_lowered:
0x8: {  	[smem:$0x3FA8] =	sst s0  }
0x9: {  	[smem:$0x3FA9] =	sst s1  }
0xa: {  	[smem:$0x3FAA] =	sst s2  }
0xb: {  	[smem:$0x3FAB] =	sst s3  }
0xc: {  	[smem:$0x3FAC] =	sst s4  }
0xd: {  	[smem:$0x3FAD] =	sst s5  }
0xe: {  	[smem:$0x3FAE] =	sst s6  }
0xf: {  	[smem:$0x3FAF] =	sst s7  }
0x10: {  	[smem:$0x3FB0] =	sst s8  }
0x11: {  	[smem:$0x3FB1] =	sst s9;
	s0 =	simm.s32 @!p0 $0x0  }
0x12: {  	s1 =	sld [smem:$0x3F97];
	s0 =	simm.s32 @p0 $0x1  }
0x13: {  	[smem:$0x3FB2] =	sst s0;
	s0 =	simm.s32 @!p1 $0x0  }
0x14: {  	s2 =	sld [smem:$0x3F96];
	s0 =	simm.s32 @p1 $0x1  }
0x15: {  	[smem:$0x3FB3] =	sst s0;
	s0 =	simm.s32 @!p2 $0x0  }
0x16: {  	s3 =	sld [smem:$0x3FDB];
	s0 =	simm.s32 @p2 $0x1  }
0x17: {  	s4 =	simm.s32 $0x1BF5;
	[smem:$0x3FB5] =	sst s0  }
0x18: {  	s0 =	sld [smem:$0x3F98];
	_ =	swait.ge [sflag:s4], $0x0  }
0x19: {  	s7 =	sld [smem:$0x3F99]  }
0x1a: {  	s8 =	sadd.s32 $0xFFFFE003, lr  }
0x1b: {  	s9 =	sadd.s32 $0xFFFFFEF7, lr;
	s5 =	simm.s32 $0xFFFFFFFF;
	p2 =	slt.u32 s8, $0xFFFFF086  }
0x1c: {  	p1 =	slt.u32 s9, $0xF7A;
	s5 =	simm.s32 @!p2 $0x0  }
0x1d: {  	s5 =	simm.s32 @p1 $0x1;
	p0 =	seq.s32 s7, s2  }
0x1e: {  	s7 =	smul.u32 @!p0 $0xF7A, s2;
	p2 =	seq.s32 @!p0 s5, $0x0  }
0x1f: {  	s9 =	smul.u32 $0xF7A, s1;
	s8 =	simm.s32 @!p0 $0x1BF5;
	p2 =	por !p2, p0  }
0x20: {  	[sflag:s8] =	ssyncset.s32 @!p0 $0xFFFFF086;
	s6 =	sadd.s32 @!p0 s3, s7;
	s7 =	simm.s32 @!p0 $0x108  }
0x21: {  	s3 =	sadd.s32 s3, s9;
	s6 =	sadd.s32 @!p0 $0x88, s6;
	s7 =	simm.s32 @p2 $0x1082  }
0x22: {  	[simem:s7], [sflag:s8] =	dma.local @!p0 [hbm:s6], $0xF7A  }
0x23: {  	s9 =	sor.u32 $0xD0000000, s2;
	s6 =	simm.s32 $0x108;
	_ =	swait.ge @!p0 [sflag:s8], $0x0  }
0x24: {  	s3 =	sadd.s32 $0x88, s3;
	s6 =	simm.s32 @!p1 $0x1082;
	[sflag:s4] =	ssyncset.s32 $0xFFFFF086  }
0x25: {  	[simem:s6], [sflag:s4] =	dma.local [hbm:s3], $0xF7A  }
0x26: {  	[smem:$0x3F99] =	sst s1;
	(tag) =	ssettag s2;
	_ =	strace s9  }
0x27: {  	s1 =	sld [smem:$0x3FA9]  }
0x28: {  	s2 =	sld [smem:$0x3FAA]  }
0x29: {  	s4 =	sld [smem:$0x3FAC]  }
0x2a: {  	p0 =	seq.s32 s5, $0x0;
	s5 =	sld [smem:$0x3FAD]  }
0x2b: {  	s6 =	sld [smem:$0x3FAE]  }
0x2c: {  	s7 =	sld [smem:$0x3FAF]  }
0x2d: {  	s3 =	simm.s32 $0x108;
	s8 =	sld [smem:$0x3FB0]  }
0x2e: {  	s3 =	simm.s32 @!p0 $0x1082;
	s9 =	sld [smem:$0x3FB1]  }
0x2f: {  	lr =	sadd.s32 s0, s3;
	s0 =	sld [smem:$0x3FA8]  }
0x30: {  	s3 =	sld [smem:$0x3FAB]  }
0x31: {  	[smem:$0x3FB4] =	sst s10  }
0x32: {  	s10 =	sld [smem:$0x3FB2];
	_ =	sdelay $0x3  }
0x33: {  	p0 =	seq.s32 s10, $0x1;
	s10 =	sld [smem:$0x3FB4];
	_ =	sdelay $0x3  }
0x34: {  	[smem:$0x3FB4] =	sst s10  }
0x35: {  	s10 =	sld [smem:$0x3FB3];
	_ =	sdelay $0x3  }
0x36: {  	p1 =	seq.s32 s10, $0x1;
	s10 =	sld [smem:$0x3FB4];
	_ =	sdelay $0x3  }
0x37: {  	[smem:$0x3FB4] =	sst s10  }
0x38: {  	s10 =	sld [smem:$0x3FB5]  }
0x39: {  	_ = 	snop;
	(pc) =	sbr.ind lr, $3  }
0x3a: {  	_ = 	snop  }
0x3b: {  	_ = 	snop  }
0x3c: {  	p2 =	seq.s32 s10, $0x1;
	s10 =	sld [smem:$0x3FB4]  }
0x3d: {  	_ =	shalt  }
0x3e: {  	_ =	shalt  }
0x3f: {  	_ =	shalt  }
0x40: {  	_ =	shalt  }
0x41: {  	_ =	shalt  }
0x42: {  	_ =	shalt  }
0x43: {  	_ =	shalt  }
0x44: {  	_ =	shalt  }
0x45: {  	_ =	shalt  }
0x46: {  	_ =	shalt  }
0x47: {  	_ =	shalt  }
0x48: {  	_ =	shalt  }
0x49: {  	_ =	shalt  }
0x4a: {  	_ =	shalt  }
0x4b: {  	_ =	shalt  }
0x4c: {  	_ =	shalt  }
0x4d: {  	_ =	shalt  }
0x4e: {  	_ =	shalt  }
0x4f: {  	_ =	shalt  }
0x50: {  	_ =	shalt  }
0x51: {  	_ =	shalt  }
0x52: {  	_ =	shalt  }
0x53: {  	_ =	shalt  }
0x54: {  	_ =	shalt  }
0x55: {  	_ =	shalt  }
0x56: {  	_ =	shalt  }
0x57: {  	_ =	shalt  }
0x58: {  	_ =	shalt  }
0x59: {  	_ =	shalt  }
0x5a: {  	_ =	shalt  }
0x5b: {  	_ =	shalt  }
0x5c: {  	_ =	shalt  }
0x5d: {  	_ =	shalt  }
0x5e: {  	_ =	shalt  }
0x5f: {  	_ =	shalt  }
0x60: {  	_ =	shalt  }
0x61: {  	_ =	shalt  }
0x62: {  	_ =	shalt  }
0x63: {  	_ =	shalt  }
0x64: {  	_ =	shalt  }
0x65: {  	_ =	shalt  }
0x66: {  	_ =	shalt  }
0x67: {  	_ =	shalt  }
0x68: {  	_ =	shalt  }
0x69: {  	_ =	shalt  }
0x6a: {  	_ =	shalt  }
0x6b: {  	_ =	shalt  }
0x6c: {  	_ =	shalt  }
0x6d: {  	_ =	shalt  }
0x6e: {  	_ =	shalt  }
0x6f: {  	_ =	shalt  }
0x70: {  	_ =	shalt  }
0x71: {  	_ =	shalt  }
0x72: {  	_ =	shalt  }
0x73: {  	_ =	shalt  }
0x74: {  	_ =	shalt  }
0x75: {  	_ =	shalt  }
0x76: {  	_ =	shalt  }
0x77: {  	_ =	shalt  }
0x78: {  	_ =	shalt  }
0x79: {  	_ =	shalt  }
0x7a: {  	_ =	shalt  }
0x7b: {  	_ =	shalt  }
0x7c: {  	_ =	shalt  }
0x7d: {  	_ =	shalt  }
0x7e: {  	_ =	shalt  }
0x7f: {  	_ =	shalt  }
0x80: {  	_ =	shalt  }
0x81: {  	_ =	shalt  }
0x82: {  	_ =	shalt  }
0x83: {  	_ =	shalt  }
0x84: {  	_ =	shalt  }
0x85: {  	_ =	shalt  }
0x86: {  	_ =	shalt  }
0x87: {  	_ =	shalt  }
.Lfunc_end0:
.L_simem_size_0:
called_computation_lowered:
.L_overlay_start_0:
0x88: {  	s2 =	sld [smem:$0x3FD9]  }
0x89: {  	s3 =	sld [smem:$0x3FFE];
	_ =	sdelay $0x1  }
0x8a: {  	s1 =	srdreg.scid  }
0x8b: {  	s0 =	sand.u32 $0x1, s1  }
0x8c: {  	s17 =	sshll.u32 s0, $0xA;
	s2 =	sadd.s32 s3, s2  }
0x8d: {  	s2 =	sadd.s32 s2, s17  }
0x8e: {  	[smem:$0x3FC0] =	sst s2  }
0x8f: {  	_ = 	snop  }
0x90: {  	s2 =	sld [smem:$0x3FD0];
	(tm) =	ssettm $0x1  }
0x91: {  	s18 =	sld [smem:$0x3FFB];
	_ =	sdelay $0x3  }
0x92: {  	_ =	strace s18  }
0x93: {  	s3 =	sld [smem:$0x3FFC];
	_ =	sdelay $0x3  }
0x94: {  	_ =	strace s3  }
0x95: {  	s3 =	sld [smem:$0x3FFD];
	_ =	sdelay $0x3  }
0x96: {  	_ =	strace s3  }
0x97: {  	_ =	strace $0x8FFFFFFF  }
0x98: {  	s19 =	sld [smem:$0x3FDB];
	_ =	sdelay $0x1  }
0x99: {  	s4 =	simm.s32 $_scs_section_size  }
0x9a: {  	s5 =	simm.s32 $_size__tile_overlayer_lowered;
	s6 =	simm.s32 $_tile_overlayer_lowered  }
0x9b: {  	s22 =	simm.s32 $0x1BFF;
	s21 =	sshll.u32 s6, $0x1;
	s3 =	sadd.s32 s4, s19  }
0x9c: {  	s7 =	simm.s32 $0x0;
	s20 =	sshll.u32 s5, $0x1;
	s5 =	sadd.s32 s21, s3  }
0x9d: {  	[timem:s7], [sflag:s22] =	dma.local [hbm:s5], s20  }
0x9e: {  	_ =	swait.ge [sflag:s22], s20  }
0x9f: {  	s4 =	ssub.s32 $0x0, s20;
	[sflag:s22] =	ssyncset.done $0x0  }
0xa0: {  	[sflag:s22] =	ssyncadd.s32 s4;
	_ =	sdelay $0x1  }
0xa1: {  	s23 =	simm.s32 $0x1B8B  }
0xa2: {  	_ =	swait.ge [sflag:s23], $0x1  }
0xa3: {  	[sflag:s23] =	ssyncset.done $0x0  }
0xa4: {  	s25 =	simm.s32 $0x1B8E;
	s24 =	sld [smem:$0x3FFE];
	[sflag:s23] =	ssyncadd.s32 $0xFFFFFFFF  }
0xa5: {  	s26 =	simm.s32 $execute0_lowered;
	[smem:$0x3FD2] =	sst s25  }
0xa6: {  	s5 =	sshll.u32 s26, $0x1;
	_ =	strace $0x80000046;
	[dreg:$0x1] =	wrdreg $0xFFFFFFFF  }
0xa7: {  	s28 =	simm.s32 $_size_execute0_lowered;
	s3 =	sadd.s32 s3, s5;
	[dreg:$0x0] =	wrdreg $0x0  }
0xa8: {  	s5 =	sshll.u32 s28, $0x1;
	[dreg:$0x2] =	wrdreg s3  }
0xa9: {  	[dreg:$0x3] =	wrdreg s5  }
0xaa: {  	[dreg:$0x4] =	wrdreg $0xC0  }
0xab: {  	_ =	task [dreg:s7], $0x5FFFF  }
0xac: {  	[dreg:$0x1] =	wrdreg $0xFFFFFFFF  }
0xad: {  	[dreg:$0x0] =	wrdreg $0x60  }
0xae: {  	[dreg:$0x2] =	wrdreg s24  }
0xaf: {  	[dreg:$0x3] =	wrdreg s2  }
0xb0: {  	[dreg:$0x4] =	wrdreg $0x6C000  }
0xb1: {  	[dreg:$0x5] =	wrdreg $0x9  }
0xb2: {  	_ =	task.clear_ibuf [dreg:s7], $0x6FFFF;
	_ =	strace $0x90000046  }
0xb3: {  	s29 =	simm.s32 $0x9;
	_ =	strace $0x80000048  }
0xb4: {  	_ =	swait.ge [sflag:s29], $0x1  }
0xb5: {  	[sflag:s29] =	ssyncadd.s32 $0xFFFFFFFF  }
0xb6: {  	_ =	strace $0x90000048  }
0xb7: {  	_ =	sfence  }
0xb8: {  	s30 =	sld [smem:$0x0];
	_ =	sdelay $0x2  }
0xb9: {  	s31 =	sshll.u32 s1, $0xD;
	s1 =	sshrl.u32 s1, $0x2  }
0xba: {  	s3 =	sand.u32 $0x4000, s31;
	s1 =	sadd.s32 s1, s30  }
0xbb: {  	s0 =	sor.u32 s3, s0;
	s1 =	sshll.u32 s1, $0x11  }
0xbc: {  	s0 =	sor.u32 s1, s0  }
0xbd: {  	s0 =	sadd.s32 $0x8F2B, s0  }
0xbe: {  	[sflag:s0] =	ssyncadd.remote.s32 $0x1  }
0xbf: {  	_ =	sfence.sel $0xFFFF  }
0xc0: {  	[dreg:$0x0] =	wrdreg $0xFFFFFFFF;
	(pc) =	sbr.abs _section_cstart, $3  }
0xc1: {  	[dreg:$0x1] =	wrdreg $0xFFFFFFFF  }
0xc2: {  	_ =	task.clear_ibuf [dreg:s7], $0x2FFFF;
	_ =	strace $0x9FFFFFFF  }
0xc3: {  	(tm) =	ssettm $0x7FFFFFFF  }
tec
execute0_lowered:
.L_overlay_start_1:
0x0: {  	(tag) =	ssettag $0x1  }
0x1: {  	s0 =	srdreg.scid;
	s5 =	rddreg [dreg:$0x0]  }
0x2: {  	s1 =	rddreg [dreg:$0x1];
	s12 =	stileid.u32  }
0x3: {  	s2 =	rddreg [dreg:$0x2];
	s3 =	simm.s32 $0x0;
	s9 =	smul.u32 $0x4F000, s12  }
0x4: {  	s4 =	sand.u32 $0x1, s0;
	[smem:$0x7FF] =	sst s3;
	s14 =	smul.u32 $0x2780, s12  }
0x5: {  	p0 =	sne.s32 s12, $0x0;
	s0 =	sshll.u32 s4, $0x4;
	s7 =	smul.u32 $0x27800, s4  }
0x6: {  	s8 =	ssub.s32 $0x2, s4;
	s4 =	sadd.s32 $0x18E00, s5;
	s6 =	sor.u32 s12, s0  }
0x7: {  	s0 =	rddreg [dreg:$0x3];
	_ =	strace $0x80000047;
	s10 =	sshrl.u32 s8, $0x1  }
0x8: {  	s9 =	sshrl.u32 s9, $0x2;
	s12 =	sshll.u32 s12, $0x6;
	s6 =	smul.u32 $0x580, s6  }
0x9: {  	s7 =	sadd.s32 s7, s5;
	s8 =	ssub.s32 s8, s10;
	s13 =	sadd.s32 s9, s2  }
0xa: {  	s9 =	simm.s32 $0x2C00;
	s10 =	simm.s32 $0x80;
	s12 =	sor.u32 $0x1C01, s12  }
0xb: {  	s11 =	sadd.s32 $0x19600, s7;
	s7 =	sshrl.u32 @!p0 s2, $0x3;
	s13 =	sshrl.u32 s13, $0x3  }
0xc: {  	s6 =	sadd.s32 s6, s5;
	s11 =	sadd.s32 s14, s11;
	s14 =	simm.s32 $0x0  }
0xd: {  	s5 =	sadd.s32 $0xDE00, s6;
	s6 =	smax.u32 s8, $0x1;
	s8 =	simm.s32 $0x1  }
.LBB2_1:
0xe: {  	s15 =	simm.s32 @!p0 $0x1C01  }
0xf: {  	[spmem:s7], [sflag:s15] =	dma.local @!p0 [hbm:s1], $0x27800  }
0x10: {  	s15 =	simm.s32 @!p0 $0x1  }
0x11: {  	_ =	swait.ge @!p0 [sflag:s15], $0x27800  }
0x12: {  	[sflag:s15] =	ssyncset.done @!p0 $0x0  }
0x13: {  	[sflag:s15] =	ssyncadd.s32 @!p0 $0xFFFD8800  }
0x14: {  	[tilespmem:s3], [sflag:$0x1] =	stream.linear.gather [hbm4b:s5+s3], $0x2A00, $0x38;
	[tilespmem:$0x9380] =	vst v63  }
0x15: {  	_ =	swait.ge [sflag:s8], $0x2A00  }
0x16: {  	[sflag:s8] =	ssyncset.done $0x0  }
0x17: {  	[sflag:s8] =	ssyncadd.s32 $0xFFFFD600  }
0x18: {  	[tilespmem:s9], [sflag:$0x1] =	stream.linear.gather [hbm4b:s4+s3], $0x4000, $0x38;
	[tilespmem:$0x9380] =	vst v63  }
0x19: {  	_ =	swait.ge [sflag:s8], $0x4000  }
0x1a: {  	[sflag:s8] =	ssyncset.done $0x0  }
0x1b: {  	[sflag:s8] =	ssyncadd.s32 $0xFFFFC000  }
0x1c: {  	s31 =	simm.s32 $0x0;
	[bflag:$0x0] =	sbarrier.arrive $0xFFFF  }
0x1d: {  	[spmem:s2] =	stream.indirect.scatter.add.f32 [tilespmem:s9], [sflag:$0x1], $0x10, s31, s10, $0xb8;
	[tilespmem:$0x9380] =	vst v63  }
0x1e: {  	_ =	swait.ge [sflag:s8], $0x800  }
0x1f: {  	s15 =	simm.s32 $0x200;
	[sflag:s8] =	ssyncset.done $0x0  }
.LBB2_2:
0x20: {  	s16 =	sshra.s32 s15, $0x2;
	[sflag:s8] =	ssyncadd.s32 $0xFFFFF800;
	p1 =	sne.s32 s15, $0xA600  }
0x21: {  	[spmem:s2] =	stream.indirect.scatter.add.f32 [tilespmem:s9], [sflag:$0x1], $0x10, s16, s10, $0xb8;
	[tilespmem:$0x9380] =	vst v63  }
.Ltmp0:
0x22: {  	_ = 	snop;
	(pc) =	sbr.rel @p1 .LBB2_2-.Ltmp0, $4  }
0x23: {  	_ = 	snop  }
0x24: {  	s15 =	sadd.s32 $0x200, s15  }
0x25: {  	_ =	swait.ge [sflag:s8], $0x800  }
0x26: {  	[sflag:s8] =	ssyncset.done $0x0  }
0x27: {  	s14 =	sadd.s32 $0x1, s14  }
0x28: {  	[sflag:s8] =	ssyncadd.s32 $0xFFFFF800;
	p1 =	sne.s32 s14, s6  }
.Ltmp1:
0x29: {  	[bflag:$0x0] =	sbarrier.arrive $0xFFFF;
	(pc) =	sbr.rel @p1 .LBB2_1-.Ltmp1, $4  }
0x2a: {  	[hbm:s11], [sflag:s12] =	dma.local [spmem:s13], $0x2780  }
0x2b: {  	_ =	swait.ge [sflag:s8], $0x2780  }
0x2c: {  	[sflag:s8] =	ssyncset.done $0x0  }
0x2d: {  	[sflag:s8] =	ssyncadd.s32 $0xFFFFD880  }
0x2e: {  	_ =	sfence.sel $0x180000  }
0x2f: {  	[bflag:$0x0] =	sbarrier.arrive $0xFFFF  }
0x30: {  	_ =	strace $0x90000047  }
0x31: {  	s0 =	sadd.s32 @!p0 $0x100000, s0;
	[bflag:$0x2] =	sbarrier.arrive $0xFFFF  }
0x32: {  	[sflag:s0] =	ssyncadd.tile.s32 @!p0 $0x1;
	_ =	shalt  }
.Lfunc_end2:
_tile_overlayer_lowered:
.L_overlay_start_2:
0x33: {  	(tag) =	ssettag $0x2  }
0x34: {  	s0 =	rddreg [dreg:$0x0];
	s2 =	stileid.u32  }
0x35: {  	s1 =	rddreg [dreg:$0x1];
	p0 =	sne.s32 s2, $0x0  }
0x36: {  	s3 =	rddreg [dreg:$0x2];
	[bflag:$0x3] =	sbarrier.arrive $0xFFFF;
	s2 =	simm.s32 @!p0 $0x1C01  }
0x37: {  	[timem:s3], [sflag:s2] =	dma.local @!p0 [hbm:s0], s1  }
0x38: {  	s0 =	simm.s32 @!p0 $0x1  }
0x39: {  	_ =	swait.ge @!p0 [sflag:s0], s1  }
0x3a: {  	s1 =	ssub.s32 @!p0 $0x0, s1;
	[sflag:s0] =	ssyncset.done @!p0 $0x0  }
0x3b: {  	[sflag:s0] =	ssyncadd.s32 @!p0 s1  }
0x3c: {  	[bflag:$0x3] =	sbarrier.arrive $0xFFFF  }
0x3d: {  	_ =	shalt  }

// kernel: kernel.14.cloned.1.call-start
scs
__scs_entry_jumppad:
0x0: {  	(pc) =	sbr.rel $0x88, $3  }
0x1: {  	(tag) =	ssettag $0x0;
	lr =	simm.s32 $0x1  }
0x2: {  	[smem:$0x3F99] =	sst lr;
	_ =	strace $0xD0000000  }
0x3: {  	_ = 	snop  }
0x4: {  	_ = 	snop  }
0x5: {  	_ = 	snop  }
0x6: {  	_ = 	snop  }
0x7: {  	_ = 	snop  }
__scs_overlays_trampoline_lowered:
0x8: {  	[smem:$0x3FA8] =	sst s0  }
0x9: {  	[smem:$0x3FA9] =	sst s1  }
0xa: {  	[smem:$0x3FAA] =	sst s2  }
0xb: {  	[smem:$0x3FAB] =	sst s3  }
0xc: {  	[smem:$0x3FAC] =	sst s4  }
0xd: {  	[smem:$0x3FAD] =	sst s5  }
0xe: {  	[smem:$0x3FAE] =	sst s6  }
0xf: {  	[smem:$0x3FAF] =	sst s7  }
0x10: {  	[smem:$0x3FB0] =	sst s8  }
0x11: {  	[smem:$0x3FB1] =	sst s9;
	s0 =	simm.s32 @!p0 $0x0  }
0x12: {  	s1 =	sld [smem:$0x3F97];
	s0 =	simm.s32 @p0 $0x1  }
0x13: {  	[smem:$0x3FB2] =	sst s0;
	s0 =	simm.s32 @!p1 $0x0  }
0x14: {  	s2 =	sld [smem:$0x3F96];
	s0 =	simm.s32 @p1 $0x1  }
0x15: {  	[smem:$0x3FB3] =	sst s0;
	s0 =	simm.s32 @!p2 $0x0  }
0x16: {  	s3 =	sld [smem:$0x3FDB];
	s0 =	simm.s32 @p2 $0x1  }
0x17: {  	s4 =	simm.s32 $0x1BF5;
	[smem:$0x3FB5] =	sst s0  }
0x18: {  	s0 =	sld [smem:$0x3F98];
	_ =	swait.ge [sflag:s4], $0x0  }
0x19: {  	s7 =	sld [smem:$0x3F99]  }
0x1a: {  	s8 =	sadd.s32 $0xFFFFE003, lr  }
0x1b: {  	s9 =	sadd.s32 $0xFFFFFEF7, lr;
	s5 =	simm.s32 $0xFFFFFFFF;
	p2 =	slt.u32 s8, $0xFFFFF086  }
0x1c: {  	p1 =	slt.u32 s9, $0xF7A;
	s5 =	simm.s32 @!p2 $0x0  }
0x1d: {  	s5 =	simm.s32 @p1 $0x1;
	p0 =	seq.s32 s7, s2  }
0x1e: {  	s7 =	smul.u32 @!p0 $0xF7A, s2;
	p2 =	seq.s32 @!p0 s5, $0x0  }
0x1f: {  	s9 =	smul.u32 $0xF7A, s1;
	s8 =	simm.s32 @!p0 $0x1BF5;
	p2 =	por !p2, p0  }
0x20: {  	[sflag:s8] =	ssyncset.s32 @!p0 $0xFFFFF086;
	s6 =	sadd.s32 @!p0 s3, s7;
	s7 =	simm.s32 @!p0 $0x108  }
0x21: {  	s3 =	sadd.s32 s3, s9;
	s6 =	sadd.s32 @!p0 $0x88, s6;
	s7 =	simm.s32 @p2 $0x1082  }
0x22: {  	[simem:s7], [sflag:s8] =	dma.local @!p0 [hbm:s6], $0xF7A  }
0x23: {  	s9 =	sor.u32 $0xD0000000, s2;
	s6 =	simm.s32 $0x108;
	_ =	swait.ge @!p0 [sflag:s8], $0x0  }
0x24: {  	s3 =	sadd.s32 $0x88, s3;
	s6 =	simm.s32 @!p1 $0x1082;
	[sflag:s4] =	ssyncset.s32 $0xFFFFF086  }
0x25: {  	[simem:s6], [sflag:s4] =	dma.local [hbm:s3], $0xF7A  }
0x26: {  	[smem:$0x3F99] =	sst s1;
	(tag) =	ssettag s2;
	_ =	strace s9  }
0x27: {  	s1 =	sld [smem:$0x3FA9]  }
0x28: {  	s2 =	sld [smem:$0x3FAA]  }
0x29: {  	s4 =	sld [smem:$0x3FAC]  }
0x2a: {  	p0 =	seq.s32 s5, $0x0;
	s5 =	sld [smem:$0x3FAD]  }
0x2b: {  	s6 =	sld [smem:$0x3FAE]  }
0x2c: {  	s7 =	sld [smem:$0x3FAF]  }
0x2d: {  	s3 =	simm.s32 $0x108;
	s8 =	sld [smem:$0x3FB0]  }
0x2e: {  	s3 =	simm.s32 @!p0 $0x1082;
	s9 =	sld [smem:$0x3FB1]  }
0x2f: {  	lr =	sadd.s32 s0, s3;
	s0 =	sld [smem:$0x3FA8]  }
0x30: {  	s3 =	sld [smem:$0x3FAB]  }
0x31: {  	[smem:$0x3FB4] =	sst s10  }
0x32: {  	s10 =	sld [smem:$0x3FB2];
	_ =	sdelay $0x3  }
0x33: {  	p0 =	seq.s32 s10, $0x1;
	s10 =	sld [smem:$0x3FB4];
	_ =	sdelay $0x3  }
0x34: {  	[smem:$0x3FB4] =	sst s10  }
0x35: {  	s10 =	sld [smem:$0x3FB3];
	_ =	sdelay $0x3  }
0x36: {  	p1 =	seq.s32 s10, $0x1;
	s10 =	sld [smem:$0x3FB4];
	_ =	sdelay $0x3  }
0x37: {  	[smem:$0x3FB4] =	sst s10  }
0x38: {  	s10 =	sld [smem:$0x3FB5]  }
0x39: {  	_ = 	snop;
	(pc) =	sbr.ind lr, $3  }
0x3a: {  	_ = 	snop  }
0x3b: {  	_ = 	snop  }
0x3c: {  	p2 =	seq.s32 s10, $0x1;
	s10 =	sld [smem:$0x3FB4]  }
0x3d: {  	_ =	shalt  }
0x3e: {  	_ =	shalt  }
0x3f: {  	_ =	shalt  }
0x40: {  	_ =	shalt  }
0x41: {  	_ =	shalt  }
0x42: {  	_ =	shalt  }
0x43: {  	_ =	shalt  }
0x44: {  	_ =	shalt  }
0x45: {  	_ =	shalt  }
0x46: {  	_ =	shalt  }
0x47: {  	_ =	shalt  }
0x48: {  	_ =	shalt  }
0x49: {  	_ =	shalt  }
0x4a: {  	_ =	shalt  }
0x4b: {  	_ =	shalt  }
0x4c: {  	_ =	shalt  }
0x4d: {  	_ =	shalt  }
0x4e: {  	_ =	shalt  }
0x4f: {  	_ =	shalt  }
0x50: {  	_ =	shalt  }
0x51: {  	_ =	shalt  }
0x52: {  	_ =	shalt  }
0x53: {  	_ =	shalt  }
0x54: {  	_ =	shalt  }
0x55: {  	_ =	shalt  }
0x56: {  	_ =	shalt  }
0x57: {  	_ =	shalt  }
0x58: {  	_ =	shalt  }
0x59: {  	_ =	shalt  }
0x5a: {  	_ =	shalt  }
0x5b: {  	_ =	shalt  }
0x5c: {  	_ =	shalt  }
0x5d: {  	_ =	shalt  }
0x5e: {  	_ =	shalt  }
0x5f: {  	_ =	shalt  }
0x60: {  	_ =	shalt  }
0x61: {  	_ =	shalt  }
0x62: {  	_ =	shalt  }
0x63: {  	_ =	shalt  }
0x64: {  	_ =	shalt  }
0x65: {  	_ =	shalt  }
0x66: {  	_ =	shalt  }
0x67: {  	_ =	shalt  }
0x68: {  	_ =	shalt  }
0x69: {  	_ =	shalt  }
0x6a: {  	_ =	shalt  }
0x6b: {  	_ =	shalt  }
0x6c: {  	_ =	shalt  }
0x6d: {  	_ =	shalt  }
0x6e: {  	_ =	shalt  }
0x6f: {  	_ =	shalt  }
0x70: {  	_ =	shalt  }
0x71: {  	_ =	shalt  }
0x72: {  	_ =	shalt  }
0x73: {  	_ =	shalt  }
0x74: {  	_ =	shalt  }
0x75: {  	_ =	shalt  }
0x76: {  	_ =	shalt  }
0x77: {  	_ =	shalt  }
0x78: {  	_ =	shalt  }
0x79: {  	_ =	shalt  }
0x7a: {  	_ =	shalt  }
0x7b: {  	_ =	shalt  }
0x7c: {  	_ =	shalt  }
0x7d: {  	_ =	shalt  }
0x7e: {  	_ =	shalt  }
0x7f: {  	_ =	shalt  }
0x80: {  	_ =	shalt  }
0x81: {  	_ =	shalt  }
0x82: {  	_ =	shalt  }
0x83: {  	_ =	shalt  }
0x84: {  	_ =	shalt  }
0x85: {  	_ =	shalt  }
0x86: {  	_ =	shalt  }
0x87: {  	_ =	shalt  }
.Lfunc_end0:
.L_simem_size_0:
called_computation.1_lowered:
.L_overlay_start_0:
0x88: {  	s2 =	sld [smem:$0x3FD9]  }
0x89: {  	s3 =	sld [smem:$0x3FFE];
	_ =	sdelay $0x1  }
0x8a: {  	s1 =	srdreg.scid  }
0x8b: {  	s0 =	sand.u32 $0x1, s1  }
0x8c: {  	s17 =	sshll.u32 s0, $0xA;
	s2 =	sadd.s32 s3, s2  }
0x8d: {  	s2 =	sadd.s32 s2, s17  }
0x8e: {  	[smem:$0x3FC0] =	sst s2  }
0x8f: {  	_ = 	snop  }
0x90: {  	s2 =	sld [smem:$0x3FD0];
	(tm) =	ssettm $0x1  }
0x91: {  	s18 =	sld [smem:$0x3FFB];
	_ =	sdelay $0x3  }
0x92: {  	_ =	strace s18  }
0x93: {  	s3 =	sld [smem:$0x3FFC];
	_ =	sdelay $0x3  }
0x94: {  	_ =	strace s3  }
0x95: {  	s3 =	sld [smem:$0x3FFD];
	_ =	sdelay $0x3  }
0x96: {  	_ =	strace s3  }
0x97: {  	_ =	strace $0x8FFFFFFF  }
0x98: {  	s19 =	sld [smem:$0x3FDB];
	_ =	sdelay $0x1  }
0x99: {  	s4 =	simm.s32 $_scs_section_size  }
0x9a: {  	s5 =	simm.s32 $_size__tile_overlayer_lowered;
	s6 =	simm.s32 $_tile_overlayer_lowered  }
0x9b: {  	s22 =	simm.s32 $0x1BFF;
	s21 =	sshll.u32 s6, $0x1;
	s3 =	sadd.s32 s4, s19  }
0x9c: {  	s7 =	simm.s32 $0x0;
	s20 =	sshll.u32 s5, $0x1;
	s5 =	sadd.s32 s21, s3  }
0x9d: {  	[timem:s7], [sflag:s22] =	dma.local [hbm:s5], s20  }
0x9e: {  	_ =	swait.ge [sflag:s22], s20  }
0x9f: {  	s4 =	ssub.s32 $0x0, s20;
	[sflag:s22] =	ssyncset.done $0x0  }
0xa0: {  	[sflag:s22] =	ssyncadd.s32 s4;
	_ =	sdelay $0x1  }
0xa1: {  	s23 =	simm.s32 $0x1B8B  }
0xa2: {  	_ =	swait.ge [sflag:s23], $0x1  }
0xa3: {  	[sflag:s23] =	ssyncset.done $0x0  }
0xa4: {  	s25 =	simm.s32 $0x1B8E;
	s24 =	sld [smem:$0x3FFE];
	[sflag:s23] =	ssyncadd.s32 $0xFFFFFFFF  }
0xa5: {  	s26 =	simm.s32 $execute0_lowered;
	[smem:$0x3FD2] =	sst s25  }
0xa6: {  	s5 =	sshll.u32 s26, $0x1;
	_ =	strace $0x80000049;
	[dreg:$0x1] =	wrdreg $0xFFFFFFFF  }
0xa7: {  	s28 =	simm.s32 $_size_execute0_lowered;
	s3 =	sadd.s32 s3, s5;
	[dreg:$0x0] =	wrdreg $0x0  }
0xa8: {  	s5 =	sshll.u32 s28, $0x1;
	[dreg:$0x2] =	wrdreg s3  }
0xa9: {  	[dreg:$0x3] =	wrdreg s5  }
0xaa: {  	[dreg:$0x4] =	wrdreg $0xC0  }
0xab: {  	_ =	task [dreg:s7], $0x5FFFF  }
0xac: {  	[dreg:$0x1] =	wrdreg $0xFFFFFFFF  }
0xad: {  	[dreg:$0x0] =	wrdreg $0x60  }
0xae: {  	[dreg:$0x2] =	wrdreg s2  }
0xaf: {  	[dreg:$0x3] =	wrdreg s24  }
0xb0: {  	[dreg:$0x4] =	wrdreg $0x98000  }
0xb1: {  	[dreg:$0x5] =	wrdreg $0x9  }
0xb2: {  	_ =	task.clear_ibuf [dreg:s7], $0x6FFFF;
	_ =	strace $0x90000049  }
0xb3: {  	s29 =	simm.s32 $0x9;
	_ =	strace $0x8000004B  }
0xb4: {  	_ =	swait.ge [sflag:s29], $0x1  }
0xb5: {  	[sflag:s29] =	ssyncadd.s32 $0xFFFFFFFF  }
0xb6: {  	_ =	strace $0x9000004B  }
0xb7: {  	_ =	sfence  }
0xb8: {  	s30 =	sld [smem:$0x0];
	_ =	sdelay $0x2  }
0xb9: {  	s31 =	sshll.u32 s1, $0xD;
	s1 =	sshrl.u32 s1, $0x2  }
0xba: {  	s3 =	sand.u32 $0x4000, s31;
	s1 =	sadd.s32 s1, s30  }
0xbb: {  	s0 =	sor.u32 s3, s0;
	s1 =	sshll.u32 s1, $0x11  }
0xbc: {  	s0 =	sor.u32 s1, s0  }
0xbd: {  	s0 =	sadd.s32 $0x8F2B, s0  }
0xbe: {  	[sflag:s0] =	ssyncadd.remote.s32 $0x1  }
0xbf: {  	_ =	sfence.sel $0xFFFF  }
0xc0: {  	[dreg:$0x0] =	wrdreg $0xFFFFFFFF;
	(pc) =	sbr.abs _section_cstart, $3  }
0xc1: {  	[dreg:$0x1] =	wrdreg $0xFFFFFFFF  }
0xc2: {  	_ =	task.clear_ibuf [dreg:s7], $0x2FFFF;
	_ =	strace $0x9FFFFFFF  }
0xc3: {  	(tm) =	ssettm $0x7FFFFFFF  }
tec
execute0_lowered:
.L_overlay_start_1:
0x0: {  	(tag) =	ssettag $0x1  }
0x1: {  	s6 =	rddreg [dreg:$0x0]  }
0x2: {  	s4 =	rddreg [dreg:$0x1]  }
0x3: {  	s1 =	rddreg [dreg:$0x2]  }
0x4: {  	s0 =	rddreg [dreg:$0x3];
	s2 =	simm.s32 $0x0;
	s20 =	stileid.u32  }
0x5: {  	s3 =	srdreg.scid;
	s12 =	simm.s32 $0x1800;
	s13 =	simm.s32 $0x5800  }
0x6: {  	s14 =	simm.s32 $0x1;
	s15 =	simm.s32 $0x2;
	s16 =	simm.s32 $0x3  }
0x7: {  	s17 =	simm.s32 $0x4;
	s18 =	simm.s32 $0x1700;
	s5 =	smul.u32 $0xA80, s20  }
0x8: {  	s19 =	simm.s32 $0x1780;
	[smem:$0x7FF] =	sst s2;
	s11 =	smul.u32 $0x4F000, s20  }
0x9: {  	s3 =	sand.u32 $0x1, s3;
	p0 =	sne.s32 s20, $0x0;
	s23 =	smul.u32 $0x2780, s20  }
0xa: {  	s24 =	sshll.u32 s20, $0x6;
	_ =	strace $0x8000004A;
	s7 =	smul.u32 $0x27800, s3  }
0xb: {  	s8 =	ssub.s32 $0x2, s3;
	s9 =	smul.u32 $0x27100, s3;
	s3 =	sadd.s32 $0x72E00, s4  }
0xc: {  	s5 =	sadd.s32 s5, s4;
	s10 =	sshrl.u32 s8, $0x1;
	s31 =	sshrl.u32 s11, $0x2  }
0xd: {  	s11 =	simm.s32 $0x80;
	s7 =	sadd.s32 s7, s4;
	s8 =	ssub.s32 s8, s10  }
0xe: {  	s4 =	sadd.s32 $0x68600, s5;
	s5 =	sadd.s32 $0x3600, s5;
	s6 =	sadd.s32 s6, s9  }
0xf: {  	s22 =	sadd.s32 s31, s1;
	s9 =	simm.s32 $0x5;
	s10 =	simm.s32 $0xC00  }
0x10: {  	s21 =	sadd.s32 $0x9A600, s7;
	s7 =	smax.u32 s8, $0x1;
	s8 =	sshrl.u32 @!p0 s1, $0x3  }
0x11: {  	s22 =	sshrl.u32 s22, $0x3;
	s20 =	sadd.s32 s23, s21;
	s21 =	sor.u32 $0x1C05, s24  }
.LBB2_1:
0x12: {  	s23 =	simm.s32 @!p0 $0x1C05  }
0x13: {  	[spmem:s8], [sflag:s23] =	dma.local @!p0 [hbm:s3], $0x27800  }
0x14: {  	s23 =	simm.s32 @!p0 $0x5  }
0x15: {  	_ =	swait.ge @!p0 [sflag:s23], $0x27800  }
0x16: {  	[sflag:s23] =	ssyncset.done @!p0 $0x0  }
0x17: {  	[sflag:s23] =	ssyncadd.s32 @!p0 $0xFFFD8800  }
0x18: {  	s23 =	simm.s32 $0x0;
	[bflag:$0x0] =	sbarrier.arrive $0xFFFF  }
.LBB2_2:
0x19: {  	s24 =	smul.u32 $0x180, s23;
	_ =	sdelay $0x1  }
0x1a: {  	s26 =	simm.s32 $0x0;
	s25 =	sadd.s32 s24, s4  }
0x1b: {  	[tilespmem:s26], [sflag:$0x5] =	stream.linear.gather [hbm4b:s25+s26], $0xC00, $0x38;
	[tilespmem:$0x1D400] =	vst v63  }
0x1c: {  	_ =	swait.ge [sflag:s9], $0xC00  }
0x1d: {  	[sflag:s9] =	ssyncset.done $0x0  }
0x1e: {  	s24 =	sadd.s32 s24, s5;
	[sflag:s9] =	ssyncadd.s32 $0xFFFFF400  }
0x1f: {  	[tilespmem:s10], [sflag:$0x5] =	stream.linear.gather [hbm4b:s24+s26], $0xC00, $0x38;
	[tilespmem:$0x1D400] =	vst v63  }
0x20: {  	_ =	swait.ge [sflag:s9], $0xC00  }
0x21: {  	[sflag:s9] =	ssyncset.done $0x0  }
0x22: {  	[sflag:s9] =	ssyncadd.s32 $0xFFFFF400  }
0x23: {  	[tilespmem:s12], [sflag:$0x1] =	stream.indirect.gather [hbm4b:s6+s11], $0x80, s26, s11, $0xb8;
	[tilespmem:$0x1D400] =	vst v63  }
0x24: {  	_ = 	snop  }
0x25: {  	[tilespmem:s13], [sflag:$0x2] =	stream.indirect.gather [hbm4b:s6+s11], $0x80, s11, s11, $0xb8;
	[tilespmem:$0x1D400] =	vst v63  }
0x26: {  	_ =	swait.ge [sflag:s14], $0x4000  }
0x27: {  	[sflag:s14] =	ssyncset.done $0x0  }
0x28: {  	s29 =	simm.s32 $0xC00;
	[sflag:s14] =	ssyncadd.s32 $0xFFFFC000  }
0x29: {  	[spmem:s1] =	stream.indirect.scatter.add.f32 [tilespmem:s12], [sflag:$0x3], $0x80, s29, s11, $0xb8;
	[tilespmem:$0x1D400] =	vst v63  }
0x2a: {  	_ =	swait.ge [sflag:s15], $0x4000  }
0x2b: {  	[sflag:s15] =	ssyncset.done $0x0  }
0x2c: {  	s30 =	simm.s32 $0xC80;
	[sflag:s15] =	ssyncadd.s32 $0xFFFFC000  }
0x2d: {  	[spmem:s1] =	stream.indirect.scatter.add.f32 [tilespmem:s13], [sflag:$0x4], $0x80, s30, s11, $0xb8;
	[tilespmem:$0x1D400] =	vst v63  }
0x2e: {  	_ =	swait.ge [sflag:s16], $0x4000  }
0x2f: {  	[sflag:s16] =	ssyncset.done $0x0  }
0x30: {  	s31 =	simm.s32 $0x100;
	[sflag:s16] =	ssyncadd.s32 $0xFFFFC000  }
0x31: {  	[tilespmem:s12], [sflag:$0x1] =	stream.indirect.gather [hbm4b:s6+s11], $0x80, s31, s11, $0xb8;
	[tilespmem:$0x1D400] =	vst v63  }
0x32: {  	_ =	swait.ge [sflag:s17], $0x4000  }
0x33: {  	[sflag:s17] =	ssyncset.done $0x0  }
0x34: {  	s25 =	simm.s32 $0x180;
	s24 =	simm.s32 $0x400;
	[sflag:s17] =	ssyncadd.s32 $0xFFFFC000  }
.LBB2_3:
0x35: {  	[tilespmem:s13], [sflag:$0x2] =	stream.indirect.gather [hbm4b:s6+s11], $0x80, s25, s11, $0xb8;
	[tilespmem:$0x1D400] =	vst v63  }
0x36: {  	s25 =	smov.u32 s24  }
0x37: {  	p1 =	sne.s32 s24, $0x2800;
	s24 =	sadd.s32 $0x400, s24;
	_ =	swait.ge [sflag:s14], $0x4000  }
0x38: {  	s25 =	sshra.s32 s25, $0x2;
	[sflag:s14] =	ssyncset.done $0x0  }
0x39: {  	s26 =	sadd.s32 $0xC00, s25;
	[sflag:s14] =	ssyncadd.s32 $0xFFFFC000  }
0x3a: {  	[spmem:s1] =	stream.indirect.scatter.add.f32 [tilespmem:s12], [sflag:$0x3], $0x80, s26, s11, $0xb8;
	[tilespmem:$0x1D400] =	vst v63  }
0x3b: {  	_ =	swait.ge [sflag:s15], $0x4000  }
0x3c: {  	[sflag:s15] =	ssyncset.done $0x0  }
0x3d: {  	s26 =	sadd.s32 $0xC80, s25;
	[sflag:s15] =	ssyncadd.s32 $0xFFFFC000  }
0x3e: {  	[spmem:s1] =	stream.indirect.scatter.add.f32 [tilespmem:s13], [sflag:$0x4], $0x80, s26, s11, $0xb8;
	[tilespmem:$0x1D400] =	vst v63  }
0x3f: {  	_ =	swait.ge [sflag:s16], $0x4000  }
0x40: {  	[sflag:s16] =	ssyncset.done $0x0  }
.Ltmp0:
0x41: {  	s26 =	sadd.s32 $0x100, s25;
	[sflag:s16] =	ssyncadd.s32 $0xFFFFC000;
	(pc) =	sbr.rel @p1 .LBB2_3-.Ltmp0, $4  }
0x42: {  	[tilespmem:s12], [sflag:$0x1] =	stream.indirect.gather [hbm4b:s6+s11], $0x80, s26, s11, $0xb8;
	[tilespmem:$0x1D400] =	vst v63  }
0x43: {  	_ =	swait.ge [sflag:s17], $0x4000  }
0x44: {  	[sflag:s17] =	ssyncset.done $0x0  }
0x45: {  	s25 =	sadd.s32 $0x180, s25;
	[sflag:s17] =	ssyncadd.s32 $0xFFFFC000  }
0x46: {  	[tilespmem:s13], [sflag:$0x2] =	stream.indirect.gather [hbm4b:s6+s11], $0x80, s25, s11, $0xb8;
	[tilespmem:$0x1D400] =	vst v63  }
0x47: {  	_ =	swait.ge [sflag:s14], $0x4000  }
0x48: {  	[sflag:s14] =	ssyncset.done $0x0  }
0x49: {  	[sflag:s14] =	ssyncadd.s32 $0xFFFFC000  }
0x4a: {  	[spmem:s1] =	stream.indirect.scatter.add.f32 [tilespmem:s12], [sflag:$0x3], $0x80, s18, s11, $0xb8;
	[tilespmem:$0x1D400] =	vst v63  }
0x4b: {  	_ =	swait.ge [sflag:s15], $0x4000  }
0x4c: {  	[sflag:s15] =	ssyncset.done $0x0  }
0x4d: {  	s23 =	sadd.s32 $0x1, s23;
	[sflag:s15] =	ssyncadd.s32 $0xFFFFC000  }
0x4e: {  	[spmem:s1] =	stream.indirect.scatter.add.f32 [tilespmem:s13], [sflag:$0x4], $0x80, s19, s11, $0xb8;
	[tilespmem:$0x1D400] =	vst v63  }
0x4f: {  	p1 =	sne.s32 s23, $0x7;
	_ =	swait.ge [sflag:s16], $0x4000  }
.Ltmp1:
0x50: {  	[sflag:s16] =	ssyncset.done $0x0;
	(pc) =	sbr.rel @p1 .LBB2_2-.Ltmp1, $4  }
0x51: {  	[sflag:s16] =	ssyncadd.s32 $0xFFFFC000  }
0x52: {  	_ =	swait.ge [sflag:s17], $0x4000  }
0x53: {  	[sflag:s17] =	ssyncset.done $0x0  }
0x54: {  	[sflag:s17] =	ssyncadd.s32 $0xFFFFC000  }
0x55: {  	s2 =	sadd.s32 $0x1, s2  }
0x56: {  	p1 =	sne.s32 s2, s7  }
.Ltmp2:
0x57: {  	[bflag:$0x0] =	sbarrier.arrive $0xFFFF;
	(pc) =	sbr.rel @p1 .LBB2_1-.Ltmp2, $4  }
0x58: {  	[hbm:s20], [sflag:s21] =	dma.local [spmem:s22], $0x2780  }
0x59: {  	_ =	swait.ge [sflag:s9], $0x2780  }
0x5a: {  	[sflag:s9] =	ssyncset.done $0x0  }
0x5b: {  	[sflag:s9] =	ssyncadd.s32 $0xFFFFD880  }
0x5c: {  	_ =	sfence.sel $0x180000  }
0x5d: {  	[bflag:$0x0] =	sbarrier.arrive $0xFFFF  }
0x5e: {  	_ =	strace $0x9000004A  }
0x5f: {  	s0 =	sadd.s32 @!p0 $0x100000, s0;
	[bflag:$0x2] =	sbarrier.arrive $0xFFFF  }
0x60: {  	[sflag:s0] =	ssyncadd.tile.s32 @!p0 $0x1;
	_ =	shalt  }
.Lfunc_end2:
_tile_overlayer_lowered:
.L_overlay_start_2:
0x61: {  	(tag) =	ssettag $0x2  }
0x62: {  	s0 =	rddreg [dreg:$0x0];
	s2 =	stileid.u32  }
0x63: {  	s1 =	rddreg [dreg:$0x1];
	p0 =	sne.s32 s2, $0x0  }
0x64: {  	s3 =	rddreg [dreg:$0x2];
	[bflag:$0x3] =	sbarrier.arrive $0xFFFF;
	s2 =	simm.s32 @!p0 $0x1C05  }
0x65: {  	[timem:s3], [sflag:s2] =	dma.local @!p0 [hbm:s0], s1  }
0x66: {  	s0 =	simm.s32 @!p0 $0x5  }
0x67: {  	_ =	swait.ge @!p0 [sflag:s0], s1  }
0x68: {  	s1 =	ssub.s32 @!p0 $0x0, s1;
	[sflag:s0] =	ssyncset.done @!p0 $0x0  }
0x69: {  	[sflag:s0] =	ssyncadd.s32 @!p0 s1  }
0x6a: {  	[bflag:$0x3] =	sbarrier.arrive $0xFFFF  }
0x6b: {  	_ =	shalt  }

// kernel: kernel.17.cloned.1.call-start
scs
__scs_entry_jumppad:
0x0: {  	(pc) =	sbr.rel $0x88, $3  }
0x1: {  	(tag) =	ssettag $0x0;
	lr =	simm.s32 $0x1  }
0x2: {  	[smem:$0x3F99] =	sst lr;
	_ =	strace $0xD0000000  }
0x3: {  	_ = 	snop  }
0x4: {  	_ = 	snop  }
0x5: {  	_ = 	snop  }
0x6: {  	_ = 	snop  }
0x7: {  	_ = 	snop  }
__scs_overlays_trampoline_lowered:
0x8: {  	[smem:$0x3FA8] =	sst s0  }
0x9: {  	[smem:$0x3FA9] =	sst s1  }
0xa: {  	[smem:$0x3FAA] =	sst s2  }
0xb: {  	[smem:$0x3FAB] =	sst s3  }
0xc: {  	[smem:$0x3FAC] =	sst s4  }
0xd: {  	[smem:$0x3FAD] =	sst s5  }
0xe: {  	[smem:$0x3FAE] =	sst s6  }
0xf: {  	[smem:$0x3FAF] =	sst s7  }
0x10: {  	[smem:$0x3FB0] =	sst s8  }
0x11: {  	[smem:$0x3FB1] =	sst s9;
	s0 =	simm.s32 @!p0 $0x0  }
0x12: {  	s1 =	sld [smem:$0x3F97];
	s0 =	simm.s32 @p0 $0x1  }
0x13: {  	[smem:$0x3FB2] =	sst s0;
	s0 =	simm.s32 @!p1 $0x0  }
0x14: {  	s2 =	sld [smem:$0x3F96];
	s0 =	simm.s32 @p1 $0x1  }
0x15: {  	[smem:$0x3FB3] =	sst s0;
	s0 =	simm.s32 @!p2 $0x0  }
0x16: {  	s3 =	sld [smem:$0x3FDB];
	s0 =	simm.s32 @p2 $0x1  }
0x17: {  	s4 =	simm.s32 $0x1BF5;
	[smem:$0x3FB5] =	sst s0  }
0x18: {  	s0 =	sld [smem:$0x3F98];
	_ =	swait.ge [sflag:s4], $0x0  }
0x19: {  	s7 =	sld [smem:$0x3F99]  }
0x1a: {  	s8 =	sadd.s32 $0xFFFFE003, lr  }
0x1b: {  	s9 =	sadd.s32 $0xFFFFFEF7, lr;
	s5 =	simm.s32 $0xFFFFFFFF;
	p2 =	slt.u32 s8, $0xFFFFF086  }
0x1c: {  	p1 =	slt.u32 s9, $0xF7A;
	s5 =	simm.s32 @!p2 $0x0  }
0x1d: {  	s5 =	simm.s32 @p1 $0x1;
	p0 =	seq.s32 s7, s2  }
0x1e: {  	s7 =	smul.u32 @!p0 $0xF7A, s2;
	p2 =	seq.s32 @!p0 s5, $0x0  }
0x1f: {  	s9 =	smul.u32 $0xF7A, s1;
	s8 =	simm.s32 @!p0 $0x1BF5;
	p2 =	por !p2, p0  }
0x20: {  	[sflag:s8] =	ssyncset.s32 @!p0 $0xFFFFF086;
	s6 =	sadd.s32 @!p0 s3, s7;
	s7 =	simm.s32 @!p0 $0x108  }
0x21: {  	s3 =	sadd.s32 s3, s9;
	s6 =	sadd.s32 @!p0 $0x88, s6;
	s7 =	simm.s32 @p2 $0x1082  }
0x22: {  	[simem:s7], [sflag:s8] =	dma.local @!p0 [hbm:s6], $0xF7A  }
0x23: {  	s9 =	sor.u32 $0xD0000000, s2;
	s6 =	simm.s32 $0x108;
	_ =	swait.ge @!p0 [sflag:s8], $0x0  }
0x24: {  	s3 =	sadd.s32 $0x88, s3;
	s6 =	simm.s32 @!p1 $0x1082;
	[sflag:s4] =	ssyncset.s32 $0xFFFFF086  }
0x25: {  	[simem:s6], [sflag:s4] =	dma.local [hbm:s3], $0xF7A  }
0x26: {  	[smem:$0x3F99] =	sst s1;
	(tag) =	ssettag s2;
	_ =	strace s9  }
0x27: {  	s1 =	sld [smem:$0x3FA9]  }
0x28: {  	s2 =	sld [smem:$0x3FAA]  }
0x29: {  	s4 =	sld [smem:$0x3FAC]  }
0x2a: {  	p0 =	seq.s32 s5, $0x0;
	s5 =	sld [smem:$0x3FAD]  }
0x2b: {  	s6 =	sld [smem:$0x3FAE]  }
0x2c: {  	s7 =	sld [smem:$0x3FAF]  }
0x2d: {  	s3 =	simm.s32 $0x108;
	s8 =	sld [smem:$0x3FB0]  }
0x2e: {  	s3 =	simm.s32 @!p0 $0x1082;
	s9 =	sld [smem:$0x3FB1]  }
0x2f: {  	lr =	sadd.s32 s0, s3;
	s0 =	sld [smem:$0x3FA8]  }
0x30: {  	s3 =	sld [smem:$0x3FAB]  }
0x31: {  	[smem:$0x3FB4] =	sst s10  }
0x32: {  	s10 =	sld [smem:$0x3FB2];
	_ =	sdelay $0x3  }
0x33: {  	p0 =	seq.s32 s10, $0x1;
	s10 =	sld [smem:$0x3FB4];
	_ =	sdelay $0x3  }
0x34: {  	[smem:$0x3FB4] =	sst s10  }
0x35: {  	s10 =	sld [smem:$0x3FB3];
	_ =	sdelay $0x3  }
0x36: {  	p1 =	seq.s32 s10, $0x1;
	s10 =	sld [smem:$0x3FB4];
	_ =	sdelay $0x3  }
0x37: {  	[smem:$0x3FB4] =	sst s10  }
0x38: {  	s10 =	sld [smem:$0x3FB5]  }
0x39: {  	_ = 	snop;
	(pc) =	sbr.ind lr, $3  }
0x3a: {  	_ = 	snop  }
0x3b: {  	_ = 	snop  }
0x3c: {  	p2 =	seq.s32 s10, $0x1;
	s10 =	sld [smem:$0x3FB4]  }
0x3d: {  	_ =	shalt  }
0x3e: {  	_ =	shalt  }
0x3f: {  	_ =	shalt  }
0x40: {  	_ =	shalt  }
0x41: {  	_ =	shalt  }
0x42: {  	_ =	shalt  }
0x43: {  	_ =	shalt  }
0x44: {  	_ =	shalt  }
0x45: {  	_ =	shalt  }
0x46: {  	_ =	shalt  }
0x47: {  	_ =	shalt  }
0x48: {  	_ =	shalt  }
0x49: {  	_ =	shalt  }
0x4a: {  	_ =	shalt  }
0x4b: {  	_ =	shalt  }
0x4c: {  	_ =	shalt  }
0x4d: {  	_ =	shalt  }
0x4e: {  	_ =	shalt  }
0x4f: {  	_ =	shalt  }
0x50: {  	_ =	shalt  }
0x51: {  	_ =	shalt  }
0x52: {  	_ =	shalt  }
0x53: {  	_ =	shalt  }
0x54: {  	_ =	shalt  }
0x55: {  	_ =	shalt  }
0x56: {  	_ =	shalt  }
0x57: {  	_ =	shalt  }
0x58: {  	_ =	shalt  }
0x59: {  	_ =	shalt  }
0x5a: {  	_ =	shalt  }
0x5b: {  	_ =	shalt  }
0x5c: {  	_ =	shalt  }
0x5d: {  	_ =	shalt  }
0x5e: {  	_ =	shalt  }
0x5f: {  	_ =	shalt  }
0x60: {  	_ =	shalt  }
0x61: {  	_ =	shalt  }
0x62: {  	_ =	shalt  }
0x63: {  	_ =	shalt  }
0x64: {  	_ =	shalt  }
0x65: {  	_ =	shalt  }
0x66: {  	_ =	shalt  }
0x67: {  	_ =	shalt  }
0x68: {  	_ =	shalt  }
0x69: {  	_ =	shalt  }
0x6a: {  	_ =	shalt  }
0x6b: {  	_ =	shalt  }
0x6c: {  	_ =	shalt  }
0x6d: {  	_ =	shalt  }
0x6e: {  	_ =	shalt  }
0x6f: {  	_ =	shalt  }
0x70: {  	_ =	shalt  }
0x71: {  	_ =	shalt  }
0x72: {  	_ =	shalt  }
0x73: {  	_ =	shalt  }
0x74: {  	_ =	shalt  }
0x75: {  	_ =	shalt  }
0x76: {  	_ =	shalt  }
0x77: {  	_ =	shalt  }
0x78: {  	_ =	shalt  }
0x79: {  	_ =	shalt  }
0x7a: {  	_ =	shalt  }
0x7b: {  	_ =	shalt  }
0x7c: {  	_ =	shalt  }
0x7d: {  	_ =	shalt  }
0x7e: {  	_ =	shalt  }
0x7f: {  	_ =	shalt  }
0x80: {  	_ =	shalt  }
0x81: {  	_ =	shalt  }
0x82: {  	_ =	shalt  }
0x83: {  	_ =	shalt  }
0x84: {  	_ =	shalt  }
0x85: {  	_ =	shalt  }
0x86: {  	_ =	shalt  }
0x87: {  	_ =	shalt  }
.Lfunc_end0:
.L_simem_size_0:
called_computation.2_lowered:
.L_overlay_start_0:
0x88: {  	s2 =	sld [smem:$0x3FD9]  }
0x89: {  	s3 =	sld [smem:$0x3FFE];
	_ =	sdelay $0x1  }
0x8a: {  	s1 =	srdreg.scid  }
0x8b: {  	s0 =	sand.u32 $0x1, s1  }
0x8c: {  	s17 =	sshll.u32 s0, $0xA;
	s2 =	sadd.s32 s3, s2  }
0x8d: {  	s2 =	sadd.s32 s2, s17  }
0x8e: {  	[smem:$0x3FC0] =	sst s2  }
0x8f: {  	_ = 	snop  }
0x90: {  	s2 =	sld [smem:$0x3FD0];
	(tm) =	ssettm $0x1  }
0x91: {  	s18 =	sld [smem:$0x3FFB];
	_ =	sdelay $0x3  }
0x92: {  	_ =	strace s18  }
0x93: {  	s3 =	sld [smem:$0x3FFC];
	_ =	sdelay $0x3  }
0x94: {  	_ =	strace s3  }
0x95: {  	s3 =	sld [smem:$0x3FFD];
	_ =	sdelay $0x3  }
0x96: {  	_ =	strace s3  }
0x97: {  	_ =	strace $0x8FFFFFFF  }
0x98: {  	s19 =	sld [smem:$0x3FDB];
	_ =	sdelay $0x1  }
0x99: {  	s4 =	simm.s32 $_scs_section_size  }
0x9a: {  	s5 =	simm.s32 $_size__tile_overlayer_lowered;
	s6 =	simm.s32 $_tile_overlayer_lowered  }
0x9b: {  	s22 =	simm.s32 $0x1BFF;
	s21 =	sshll.u32 s6, $0x1;
	s3 =	sadd.s32 s4, s19  }
0x9c: {  	s7 =	simm.s32 $0x0;
	s20 =	sshll.u32 s5, $0x1;
	s5 =	sadd.s32 s21, s3  }
0x9d: {  	[timem:s7], [sflag:s22] =	dma.local [hbm:s5], s20  }
0x9e: {  	_ =	swait.ge [sflag:s22], s20  }
0x9f: {  	s4 =	ssub.s32 $0x0, s20;
	[sflag:s22] =	ssyncset.done $0x0  }
0xa0: {  	[sflag:s22] =	ssyncadd.s32 s4;
	_ =	sdelay $0x1  }
0xa1: {  	s23 =	simm.s32 $0x1B8B  }
0xa2: {  	_ =	swait.ge [sflag:s23], $0x1  }
0xa3: {  	[sflag:s23] =	ssyncset.done $0x0  }
0xa4: {  	s25 =	simm.s32 $0x1B8E;
	s24 =	sld [smem:$0x3FFE];
	[sflag:s23] =	ssyncadd.s32 $0xFFFFFFFF  }
0xa5: {  	s26 =	simm.s32 $execute0_lowered;
	[smem:$0x3FD2] =	sst s25  }
0xa6: {  	s5 =	sshll.u32 s26, $0x1;
	_ =	strace $0x8000004C;
	[dreg:$0x1] =	wrdreg $0xFFFFFFFF  }
0xa7: {  	s28 =	simm.s32 $_size_execute0_lowered;
	s3 =	sadd.s32 s3, s5;
	[dreg:$0x0] =	wrdreg $0x0  }
0xa8: {  	s5 =	sshll.u32 s28, $0x1;
	[dreg:$0x2] =	wrdreg s3  }
0xa9: {  	[dreg:$0x3] =	wrdreg s5  }
0xaa: {  	[dreg:$0x4] =	wrdreg $0xC0  }
0xab: {  	_ =	task [dreg:s7], $0x5FFFF  }
0xac: {  	[dreg:$0x1] =	wrdreg $0xFFFFFFFF  }
0xad: {  	[dreg:$0x0] =	wrdreg $0x60  }
0xae: {  	[dreg:$0x2] =	wrdreg s2  }
0xaf: {  	[dreg:$0x3] =	wrdreg s24  }
0xb0: {  	[dreg:$0x4] =	wrdreg $0x98000  }
0xb1: {  	[dreg:$0x5] =	wrdreg $0x9  }
0xb2: {  	_ =	task.clear_ibuf [dreg:s7], $0x6FFFF;
	_ =	strace $0x9000004C  }
0xb3: {  	s29 =	simm.s32 $0x9;
	_ =	strace $0x8000004E  }
0xb4: {  	_ =	swait.ge [sflag:s29], $0x1  }
0xb5: {  	[sflag:s29] =	ssyncadd.s32 $0xFFFFFFFF  }
0xb6: {  	_ =	strace $0x9000004E  }
0xb7: {  	_ =	sfence  }
0xb8: {  	s30 =	sld [smem:$0x0];
	_ =	sdelay $0x2  }
0xb9: {  	s31 =	sshll.u32 s1, $0xD;
	s1 =	sshrl.u32 s1, $0x2  }
0xba: {  	s3 =	sand.u32 $0x4000, s31;
	s1 =	sadd.s32 s1, s30  }
0xbb: {  	s0 =	sor.u32 s3, s0;
	s1 =	sshll.u32 s1, $0x11  }
0xbc: {  	s0 =	sor.u32 s1, s0  }
0xbd: {  	s0 =	sadd.s32 $0x8F2B, s0  }
0xbe: {  	[sflag:s0] =	ssyncadd.remote.s32 $0x1  }
0xbf: {  	_ =	sfence.sel $0xFFFF  }
0xc0: {  	[dreg:$0x0] =	wrdreg $0xFFFFFFFF;
	(pc) =	sbr.abs _section_cstart, $3  }
0xc1: {  	[dreg:$0x1] =	wrdreg $0xFFFFFFFF  }
0xc2: {  	_ =	task.clear_ibuf [dreg:s7], $0x2FFFF;
	_ =	strace $0x9FFFFFFF  }
0xc3: {  	(tm) =	ssettm $0x7FFFFFFF  }
tec
execute0_lowered:
.L_overlay_start_1:
0x0: {  	(tag) =	ssettag $0x1  }
0x1: {  	s6 =	rddreg [dreg:$0x0]  }
0x2: {  	s4 =	rddreg [dreg:$0x1]  }
0x3: {  	s1 =	rddreg [dreg:$0x2]  }
0x4: {  	s0 =	rddreg [dreg:$0x3];
	s2 =	simm.s32 $0x0;
	s20 =	stileid.u32  }
0x5: {  	s3 =	srdreg.scid;
	s12 =	simm.s32 $0x1800;
	s13 =	simm.s32 $0x5800  }
0x6: {  	s14 =	simm.s32 $0x1;
	s15 =	simm.s32 $0x2;
	s16 =	simm.s32 $0x3  }
0x7: {  	s17 =	simm.s32 $0x4;
	s18 =	simm.s32 $0x1700;
	s5 =	smul.u32 $0xA80, s20  }
0x8: {  	s19 =	simm.s32 $0x1780;
	[smem:$0x7FF] =	sst s2;
	s11 =	smul.u32 $0x4F000, s20  }
0x9: {  	s3 =	sand.u32 $0x1, s3;
	p0 =	sne.s32 s20, $0x0;
	s23 =	smul.u32 $0x2780, s20  }
0xa: {  	s24 =	sshll.u32 s20, $0x6;
	_ =	strace $0x8000004D;
	s7 =	smul.u32 $0x27800, s3  }
0xb: {  	s8 =	ssub.s32 $0x2, s3;
	s9 =	smul.u32 $0x27100, s3;
	s3 =	sadd.s32 $0x72E00, s4  }
0xc: {  	s5 =	sadd.s32 s5, s4;
	s10 =	sshrl.u32 s8, $0x1;
	s31 =	sshrl.u32 s11, $0x2  }
0xd: {  	s11 =	simm.s32 $0x80;
	s7 =	sadd.s32 s7, s4;
	s8 =	ssub.s32 s8, s10  }
0xe: {  	s4 =	sadd.s32 $0x68600, s5;
	s5 =	sadd.s32 $0x3600, s5;
	s6 =	sadd.s32 s6, s9  }
0xf: {  	s22 =	sadd.s32 s31, s1;
	s9 =	simm.s32 $0x5;
	s10 =	simm.s32 $0xC00  }
0x10: {  	s21 =	sadd.s32 $0x9A600, s7;
	s7 =	smax.u32 s8, $0x1;
	s8 =	sshrl.u32 @!p0 s1, $0x3  }
0x11: {  	s22 =	sshrl.u32 s22, $0x3;
	s20 =	sadd.s32 s23, s21;
	s21 =	sor.u32 $0x1C05, s24  }
.LBB2_1:
0x12: {  	s23 =	simm.s32 @!p0 $0x1C05  }
0x13: {  	[spmem:s8], [sflag:s23] =	dma.local @!p0 [hbm:s3], $0x27800  }
0x14: {  	s23 =	simm.s32 @!p0 $0x5  }
0x15: {  	_ =	swait.ge @!p0 [sflag:s23], $0x27800  }
0x16: {  	[sflag:s23] =	ssyncset.done @!p0 $0x0  }
0x17: {  	[sflag:s23] =	ssyncadd.s32 @!p0 $0xFFFD8800  }
0x18: {  	s23 =	simm.s32 $0x0;
	[bflag:$0x0] =	sbarrier.arrive $0xFFFF  }
.LBB2_2:
0x19: {  	s24 =	smul.u32 $0x180, s23;
	_ =	sdelay $0x1  }
0x1a: {  	s26 =	simm.s32 $0x0;
	s25 =	sadd.s32 s24, s4  }
0x1b: {  	[tilespmem:s26], [sflag:$0x5] =	stream.linear.gather [hbm4b:s25+s26], $0xC00, $0x38;
	[tilespmem:$0x1D400] =	vst v63  }
0x1c: {  	_ =	swait.ge [sflag:s9], $0xC00  }
0x1d: {  	[sflag:s9] =	ssyncset.done $0x0  }
0x1e: {  	s24 =	sadd.s32 s24, s5;
	[sflag:s9] =	ssyncadd.s32 $0xFFFFF400  }
0x1f: {  	[tilespmem:s10], [sflag:$0x5] =	stream.linear.gather [hbm4b:s24+s26], $0xC00, $0x38;
	[tilespmem:$0x1D400] =	vst v63  }
0x20: {  	_ =	swait.ge [sflag:s9], $0xC00  }
0x21: {  	[sflag:s9] =	ssyncset.done $0x0  }
0x22: {  	[sflag:s9] =	ssyncadd.s32 $0xFFFFF400  }
0x23: {  	[tilespmem:s12], [sflag:$0x1] =	stream.indirect.gather [hbm4b:s6+s11], $0x80, s26, s11, $0xb8;
	[tilespmem:$0x1D400] =	vst v63  }
0x24: {  	_ = 	snop  }
0x25: {  	[tilespmem:s13], [sflag:$0x2] =	stream.indirect.gather [hbm4b:s6+s11], $0x80, s11, s11, $0xb8;
	[tilespmem:$0x1D400] =	vst v63  }
0x26: {  	_ =	swait.ge [sflag:s14], $0x4000  }
0x27: {  	[sflag:s14] =	ssyncset.done $0x0  }
0x28: {  	s29 =	simm.s32 $0xC00;
	[sflag:s14] =	ssyncadd.s32 $0xFFFFC000  }
0x29: {  	[spmem:s1] =	stream.indirect.scatter.add.f32 [tilespmem:s12], [sflag:$0x3], $0x80, s29, s11, $0xb8;
	[tilespmem:$0x1D400] =	vst v63  }
0x2a: {  	_ =	swait.ge [sflag:s15], $0x4000  }
0x2b: {  	[sflag:s15] =	ssyncset.done $0x0  }
0x2c: {  	s30 =	simm.s32 $0xC80;
	[sflag:s15] =	ssyncadd.s32 $0xFFFFC000  }
0x2d: {  	[spmem:s1] =	stream.indirect.scatter.add.f32 [tilespmem:s13], [sflag:$0x4], $0x80, s30, s11, $0xb8;
	[tilespmem:$0x1D400] =	vst v63  }
0x2e: {  	_ =	swait.ge [sflag:s16], $0x4000  }
0x2f: {  	[sflag:s16] =	ssyncset.done $0x0  }
0x30: {  	s31 =	simm.s32 $0x100;
	[sflag:s16] =	ssyncadd.s32 $0xFFFFC000  }
0x31: {  	[tilespmem:s12], [sflag:$0x1] =	stream.indirect.gather [hbm4b:s6+s11], $0x80, s31, s11, $0xb8;
	[tilespmem:$0x1D400] =	vst v63  }
0x32: {  	_ =	swait.ge [sflag:s17], $0x4000  }
0x33: {  	[sflag:s17] =	ssyncset.done $0x0  }
0x34: {  	s25 =	simm.s32 $0x180;
	s24 =	simm.s32 $0x400;
	[sflag:s17] =	ssyncadd.s32 $0xFFFFC000  }
.LBB2_3:
0x35: {  	[tilespmem:s13], [sflag:$0x2] =	stream.indirect.gather [hbm4b:s6+s11], $0x80, s25, s11, $0xb8;
	[tilespmem:$0x1D400] =	vst v63  }
0x36: {  	s25 =	smov.u32 s24  }
0x37: {  	p1 =	sne.s32 s24, $0x2800;
	s24 =	sadd.s32 $0x400, s24;
	_ =	swait.ge [sflag:s14], $0x4000  }
0x38: {  	s25 =	sshra.s32 s25, $0x2;
	[sflag:s14] =	ssyncset.done $0x0  }
0x39: {  	s26 =	sadd.s32 $0xC00, s25;
	[sflag:s14] =	ssyncadd.s32 $0xFFFFC000  }
0x3a: {  	[spmem:s1] =	stream.indirect.scatter.add.f32 [tilespmem:s12], [sflag:$0x3], $0x80, s26, s11, $0xb8;
	[tilespmem:$0x1D400] =	vst v63  }
0x3b: {  	_ =	swait.ge [sflag:s15], $0x4000  }
0x3c: {  	[sflag:s15] =	ssyncset.done $0x0  }
0x3d: {  	s26 =	sadd.s32 $0xC80, s25;
	[sflag:s15] =	ssyncadd.s32 $0xFFFFC000  }
0x3e: {  	[spmem:s1] =	stream.indirect.scatter.add.f32 [tilespmem:s13], [sflag:$0x4], $0x80, s26, s11, $0xb8;
	[tilespmem:$0x1D400] =	vst v63  }
0x3f: {  	_ =	swait.ge [sflag:s16], $0x4000  }
0x40: {  	[sflag:s16] =	ssyncset.done $0x0  }
.Ltmp0:
0x41: {  	s26 =	sadd.s32 $0x100, s25;
	[sflag:s16] =	ssyncadd.s32 $0xFFFFC000;
	(pc) =	sbr.rel @p1 .LBB2_3-.Ltmp0, $4  }
0x42: {  	[tilespmem:s12], [sflag:$0x1] =	stream.indirect.gather [hbm4b:s6+s11], $0x80, s26, s11, $0xb8;
	[tilespmem:$0x1D400] =	vst v63  }
0x43: {  	_ =	swait.ge [sflag:s17], $0x4000  }
0x44: {  	[sflag:s17] =	ssyncset.done $0x0  }
0x45: {  	s25 =	sadd.s32 $0x180, s25;
	[sflag:s17] =	ssyncadd.s32 $0xFFFFC000  }
0x46: {  	[tilespmem:s13], [sflag:$0x2] =	stream.indirect.gather [hbm4b:s6+s11], $0x80, s25, s11, $0xb8;
	[tilespmem:$0x1D400] =	vst v63  }
0x47: {  	_ =	swait.ge [sflag:s14], $0x4000  }
0x48: {  	[sflag:s14] =	ssyncset.done $0x0  }
0x49: {  	[sflag:s14] =	ssyncadd.s32 $0xFFFFC000  }
0x4a: {  	[spmem:s1] =	stream.indirect.scatter.add.f32 [tilespmem:s12], [sflag:$0x3], $0x80, s18, s11, $0xb8;
	[tilespmem:$0x1D400] =	vst v63  }
0x4b: {  	_ =	swait.ge [sflag:s15], $0x4000  }
0x4c: {  	[sflag:s15] =	ssyncset.done $0x0  }
0x4d: {  	s23 =	sadd.s32 $0x1, s23;
	[sflag:s15] =	ssyncadd.s32 $0xFFFFC000  }
0x4e: {  	[spmem:s1] =	stream.indirect.scatter.add.f32 [tilespmem:s13], [sflag:$0x4], $0x80, s19, s11, $0xb8;
	[tilespmem:$0x1D400] =	vst v63  }
0x4f: {  	p1 =	sne.s32 s23, $0x7;
	_ =	swait.ge [sflag:s16], $0x4000  }
.Ltmp1:
0x50: {  	[sflag:s16] =	ssyncset.done $0x0;
	(pc) =	sbr.rel @p1 .LBB2_2-.Ltmp1, $4  }
0x51: {  	[sflag:s16] =	ssyncadd.s32 $0xFFFFC000  }
0x52: {  	_ =	swait.ge [sflag:s17], $0x4000  }
0x53: {  	[sflag:s17] =	ssyncset.done $0x0  }
0x54: {  	[sflag:s17] =	ssyncadd.s32 $0xFFFFC000  }
0x55: {  	s2 =	sadd.s32 $0x1, s2  }
0x56: {  	p1 =	sne.s32 s2, s7  }
.Ltmp2:
0x57: {  	[bflag:$0x0] =	sbarrier.arrive $0xFFFF;
	(pc) =	sbr.rel @p1 .LBB2_1-.Ltmp2, $4  }
0x58: {  	[hbm:s20], [sflag:s21] =	dma.local [spmem:s22], $0x2780  }
0x59: {  	_ =	swait.ge [sflag:s9], $0x2780  }
0x5a: {  	[sflag:s9] =	ssyncset.done $0x0  }
0x5b: {  	[sflag:s9] =	ssyncadd.s32 $0xFFFFD880  }
0x5c: {  	_ =	sfence.sel $0x180000  }
0x5d: {  	[bflag:$0x0] =	sbarrier.arrive $0xFFFF  }
0x5e: {  	_ =	strace $0x9000004D  }
0x5f: {  	s0 =	sadd.s32 @!p0 $0x100000, s0;
	[bflag:$0x2] =	sbarrier.arrive $0xFFFF  }
0x60: {  	[sflag:s0] =	ssyncadd.tile.s32 @!p0 $0x1;
	_ =	shalt  }
.Lfunc_end2:
_tile_overlayer_lowered:
.L_overlay_start_2:
0x61: {  	(tag) =	ssettag $0x2  }
0x62: {  	s0 =	rddreg [dreg:$0x0];
	s2 =	stileid.u32  }
0x63: {  	s1 =	rddreg [dreg:$0x1];
	p0 =	sne.s32 s2, $0x0  }
0x64: {  	s3 =	rddreg [dreg:$0x2];
	[bflag:$0x3] =	sbarrier.arrive $0xFFFF;
	s2 =	simm.s32 @!p0 $0x1C05  }
0x65: {  	[timem:s3], [sflag:s2] =	dma.local @!p0 [hbm:s0], s1  }
0x66: {  	s0 =	simm.s32 @!p0 $0x5  }
0x67: {  	_ =	swait.ge @!p0 [sflag:s0], s1  }
0x68: {  	s1 =	ssub.s32 @!p0 $0x0, s1;
	[sflag:s0] =	ssyncset.done @!p0 $0x0  }
0x69: {  	[sflag:s0] =	ssyncadd.s32 @!p0 s1  }
0x6a: {  	[bflag:$0x3] =	sbarrier.arrive $0xFFFF  }
0x6b: {  	_ =	shalt  }

// kernel: kernel.20.cloned.1.call-start
scs
__scs_entry_jumppad:
0x0: {  	(pc) =	sbr.rel $0x88, $3  }
0x1: {  	(tag) =	ssettag $0x0;
	lr =	simm.s32 $0x1  }
0x2: {  	[smem:$0x3F99] =	sst lr;
	_ =	strace $0xD0000000  }
0x3: {  	_ = 	snop  }
0x4: {  	_ = 	snop  }
0x5: {  	_ = 	snop  }
0x6: {  	_ = 	snop  }
0x7: {  	_ = 	snop  }
__scs_overlays_trampoline_lowered:
0x8: {  	[smem:$0x3FA8] =	sst s0  }
0x9: {  	[smem:$0x3FA9] =	sst s1  }
0xa: {  	[smem:$0x3FAA] =	sst s2  }
0xb: {  	[smem:$0x3FAB] =	sst s3  }
0xc: {  	[smem:$0x3FAC] =	sst s4  }
0xd: {  	[smem:$0x3FAD] =	sst s5  }
0xe: {  	[smem:$0x3FAE] =	sst s6  }
0xf: {  	[smem:$0x3FAF] =	sst s7  }
0x10: {  	[smem:$0x3FB0] =	sst s8  }
0x11: {  	[smem:$0x3FB1] =	sst s9;
	s0 =	simm.s32 @!p0 $0x0  }
0x12: {  	s1 =	sld [smem:$0x3F97];
	s0 =	simm.s32 @p0 $0x1  }
0x13: {  	[smem:$0x3FB2] =	sst s0;
	s0 =	simm.s32 @!p1 $0x0  }
0x14: {  	s2 =	sld [smem:$0x3F96];
	s0 =	simm.s32 @p1 $0x1  }
0x15: {  	[smem:$0x3FB3] =	sst s0;
	s0 =	simm.s32 @!p2 $0x0  }
0x16: {  	s3 =	sld [smem:$0x3FDB];
	s0 =	simm.s32 @p2 $0x1  }
0x17: {  	s4 =	simm.s32 $0x1BF5;
	[smem:$0x3FB5] =	sst s0  }
0x18: {  	s0 =	sld [smem:$0x3F98];
	_ =	swait.ge [sflag:s4], $0x0  }
0x19: {  	s7 =	sld [smem:$0x3F99]  }
0x1a: {  	s8 =	sadd.s32 $0xFFFFE003, lr  }
0x1b: {  	s9 =	sadd.s32 $0xFFFFFEF7, lr;
	s5 =	simm.s32 $0xFFFFFFFF;
	p2 =	slt.u32 s8, $0xFFFFF086  }
0x1c: {  	p1 =	slt.u32 s9, $0xF7A;
	s5 =	simm.s32 @!p2 $0x0  }
0x1d: {  	s5 =	simm.s32 @p1 $0x1;
	p0 =	seq.s32 s7, s2  }
0x1e: {  	s7 =	smul.u32 @!p0 $0xF7A, s2;
	p2 =	seq.s32 @!p0 s5, $0x0  }
0x1f: {  	s9 =	smul.u32 $0xF7A, s1;
	s8 =	simm.s32 @!p0 $0x1BF5;
	p2 =	por !p2, p0  }
0x20: {  	[sflag:s8] =	ssyncset.s32 @!p0 $0xFFFFF086;
	s6 =	sadd.s32 @!p0 s3, s7;
	s7 =	simm.s32 @!p0 $0x108  }
0x21: {  	s3 =	sadd.s32 s3, s9;
	s6 =	sadd.s32 @!p0 $0x88, s6;
	s7 =	simm.s32 @p2 $0x1082  }
0x22: {  	[simem:s7], [sflag:s8] =	dma.local @!p0 [hbm:s6], $0xF7A  }
0x23: {  	s9 =	sor.u32 $0xD0000000, s2;
	s6 =	simm.s32 $0x108;
	_ =	swait.ge @!p0 [sflag:s8], $0x0  }
0x24: {  	s3 =	sadd.s32 $0x88, s3;
	s6 =	simm.s32 @!p1 $0x1082;
	[sflag:s4] =	ssyncset.s32 $0xFFFFF086  }
0x25: {  	[simem:s6], [sflag:s4] =	dma.local [hbm:s3], $0xF7A  }
0x26: {  	[smem:$0x3F99] =	sst s1;
	(tag) =	ssettag s2;
	_ =	strace s9  }
0x27: {  	s1 =	sld [smem:$0x3FA9]  }
0x28: {  	s2 =	sld [smem:$0x3FAA]  }
0x29: {  	s4 =	sld [smem:$0x3FAC]  }
0x2a: {  	p0 =	seq.s32 s5, $0x0;
	s5 =	sld [smem:$0x3FAD]  }
0x2b: {  	s6 =	sld [smem:$0x3FAE]  }
0x2c: {  	s7 =	sld [smem:$0x3FAF]  }
0x2d: {  	s3 =	simm.s32 $0x108;
	s8 =	sld [smem:$0x3FB0]  }
0x2e: {  	s3 =	simm.s32 @!p0 $0x1082;
	s9 =	sld [smem:$0x3FB1]  }
0x2f: {  	lr =	sadd.s32 s0, s3;
	s0 =	sld [smem:$0x3FA8]  }
0x30: {  	s3 =	sld [smem:$0x3FAB]  }
0x31: {  	[smem:$0x3FB4] =	sst s10  }
0x32: {  	s10 =	sld [smem:$0x3FB2];
	_ =	sdelay $0x3  }
0x33: {  	p0 =	seq.s32 s10, $0x1;
	s10 =	sld [smem:$0x3FB4];
	_ =	sdelay $0x3  }
0x34: {  	[smem:$0x3FB4] =	sst s10  }
0x35: {  	s10 =	sld [smem:$0x3FB3];
	_ =	sdelay $0x3  }
0x36: {  	p1 =	seq.s32 s10, $0x1;
	s10 =	sld [smem:$0x3FB4];
	_ =	sdelay $0x3  }
0x37: {  	[smem:$0x3FB4] =	sst s10  }
0x38: {  	s10 =	sld [smem:$0x3FB5]  }
0x39: {  	_ = 	snop;
	(pc) =	sbr.ind lr, $3  }
0x3a: {  	_ = 	snop  }
0x3b: {  	_ = 	snop  }
0x3c: {  	p2 =	seq.s32 s10, $0x1;
	s10 =	sld [smem:$0x3FB4]  }
0x3d: {  	_ =	shalt  }
0x3e: {  	_ =	shalt  }
0x3f: {  	_ =	shalt  }
0x40: {  	_ =	shalt  }
0x41: {  	_ =	shalt  }
0x42: {  	_ =	shalt  }
0x43: {  	_ =	shalt  }
0x44: {  	_ =	shalt  }
0x45: {  	_ =	shalt  }
0x46: {  	_ =	shalt  }
0x47: {  	_ =	shalt  }
0x48: {  	_ =	shalt  }
0x49: {  	_ =	shalt  }
0x4a: {  	_ =	shalt  }
0x4b: {  	_ =	shalt  }
0x4c: {  	_ =	shalt  }
0x4d: {  	_ =	shalt  }
0x4e: {  	_ =	shalt  }
0x4f: {  	_ =	shalt  }
0x50: {  	_ =	shalt  }
0x51: {  	_ =	shalt  }
0x52: {  	_ =	shalt  }
0x53: {  	_ =	shalt  }
0x54: {  	_ =	shalt  }
0x55: {  	_ =	shalt  }
0x56: {  	_ =	shalt  }
0x57: {  	_ =	shalt  }
0x58: {  	_ =	shalt  }
0x59: {  	_ =	shalt  }
0x5a: {  	_ =	shalt  }
0x5b: {  	_ =	shalt  }
0x5c: {  	_ =	shalt  }
0x5d: {  	_ =	shalt  }
0x5e: {  	_ =	shalt  }
0x5f: {  	_ =	shalt  }
0x60: {  	_ =	shalt  }
0x61: {  	_ =	shalt  }
0x62: {  	_ =	shalt  }
0x63: {  	_ =	shalt  }
0x64: {  	_ =	shalt  }
0x65: {  	_ =	shalt  }
0x66: {  	_ =	shalt  }
0x67: {  	_ =	shalt  }
0x68: {  	_ =	shalt  }
0x69: {  	_ =	shalt  }
0x6a: {  	_ =	shalt  }
0x6b: {  	_ =	shalt  }
0x6c: {  	_ =	shalt  }
0x6d: {  	_ =	shalt  }
0x6e: {  	_ =	shalt  }
0x6f: {  	_ =	shalt  }
0x70: {  	_ =	shalt  }
0x71: {  	_ =	shalt  }
0x72: {  	_ =	shalt  }
0x73: {  	_ =	shalt  }
0x74: {  	_ =	shalt  }
0x75: {  	_ =	shalt  }
0x76: {  	_ =	shalt  }
0x77: {  	_ =	shalt  }
0x78: {  	_ =	shalt  }
0x79: {  	_ =	shalt  }
0x7a: {  	_ =	shalt  }
0x7b: {  	_ =	shalt  }
0x7c: {  	_ =	shalt  }
0x7d: {  	_ =	shalt  }
0x7e: {  	_ =	shalt  }
0x7f: {  	_ =	shalt  }
0x80: {  	_ =	shalt  }
0x81: {  	_ =	shalt  }
0x82: {  	_ =	shalt  }
0x83: {  	_ =	shalt  }
0x84: {  	_ =	shalt  }
0x85: {  	_ =	shalt  }
0x86: {  	_ =	shalt  }
0x87: {  	_ =	shalt  }
.Lfunc_end0:
.L_simem_size_0:
called_computation.3_lowered:
.L_overlay_start_0:
0x88: {  	s2 =	sld [smem:$0x3FD9]  }
0x89: {  	s3 =	sld [smem:$0x3FFE];
	_ =	sdelay $0x1  }
0x8a: {  	s1 =	srdreg.scid  }
0x8b: {  	s0 =	sand.u32 $0x1, s1  }
0x8c: {  	s17 =	sshll.u32 s0, $0xA;
	s2 =	sadd.s32 s3, s2  }
0x8d: {  	s2 =	sadd.s32 s2, s17  }
0x8e: {  	[smem:$0x3FC0] =	sst s2  }
0x8f: {  	_ = 	snop  }
0x90: {  	s2 =	sld [smem:$0x3FD0];
	(tm) =	ssettm $0x1  }
0x91: {  	s18 =	sld [smem:$0x3FFB];
	_ =	sdelay $0x3  }
0x92: {  	_ =	strace s18  }
0x93: {  	s3 =	sld [smem:$0x3FFC];
	_ =	sdelay $0x3  }
0x94: {  	_ =	strace s3  }
0x95: {  	s3 =	sld [smem:$0x3FFD];
	_ =	sdelay $0x3  }
0x96: {  	_ =	strace s3  }
0x97: {  	_ =	strace $0x8FFFFFFF  }
0x98: {  	s19 =	sld [smem:$0x3FDB];
	_ =	sdelay $0x1  }
0x99: {  	s4 =	simm.s32 $_scs_section_size  }
0x9a: {  	s5 =	simm.s32 $_size__tile_overlayer_lowered;
	s6 =	simm.s32 $_tile_overlayer_lowered  }
0x9b: {  	s22 =	simm.s32 $0x1BFF;
	s21 =	sshll.u32 s6, $0x1;
	s3 =	sadd.s32 s4, s19  }
0x9c: {  	s7 =	simm.s32 $0x0;
	s20 =	sshll.u32 s5, $0x1;
	s5 =	sadd.s32 s21, s3  }
0x9d: {  	[timem:s7], [sflag:s22] =	dma.local [hbm:s5], s20  }
0x9e: {  	_ =	swait.ge [sflag:s22], s20  }
0x9f: {  	s4 =	ssub.s32 $0x0, s20;
	[sflag:s22] =	ssyncset.done $0x0  }
0xa0: {  	[sflag:s22] =	ssyncadd.s32 s4;
	_ =	sdelay $0x1  }
0xa1: {  	s23 =	simm.s32 $0x1B8B  }
0xa2: {  	_ =	swait.ge [sflag:s23], $0x1  }
0xa3: {  	[sflag:s23] =	ssyncset.done $0x0  }
0xa4: {  	s25 =	simm.s32 $0x1B8E;
	s24 =	sld [smem:$0x3FFE];
	[sflag:s23] =	ssyncadd.s32 $0xFFFFFFFF  }
0xa5: {  	s26 =	simm.s32 $execute0_lowered;
	[smem:$0x3FD2] =	sst s25  }
0xa6: {  	s5 =	sshll.u32 s26, $0x1;
	_ =	strace $0x8000004F;
	[dreg:$0x1] =	wrdreg $0xFFFFFFFF  }
0xa7: {  	s28 =	simm.s32 $_size_execute0_lowered;
	s3 =	sadd.s32 s3, s5;
	[dreg:$0x0] =	wrdreg $0x0  }
0xa8: {  	s5 =	sshll.u32 s28, $0x1;
	[dreg:$0x2] =	wrdreg s3  }
0xa9: {  	[dreg:$0x3] =	wrdreg s5  }
0xaa: {  	[dreg:$0x4] =	wrdreg $0xC0  }
0xab: {  	_ =	task [dreg:s7], $0x5FFFF  }
0xac: {  	[dreg:$0x1] =	wrdreg $0xFFFFFFFF  }
0xad: {  	[dreg:$0x0] =	wrdreg $0x60  }
0xae: {  	[dreg:$0x2] =	wrdreg s2  }
0xaf: {  	[dreg:$0x3] =	wrdreg s24  }
0xb0: {  	[dreg:$0x4] =	wrdreg $0x98000  }
0xb1: {  	[dreg:$0x5] =	wrdreg $0x9  }
0xb2: {  	_ =	task.clear_ibuf [dreg:s7], $0x6FFFF;
	_ =	strace $0x9000004F  }
0xb3: {  	s29 =	simm.s32 $0x9;
	_ =	strace $0x80000051  }
0xb4: {  	_ =	swait.ge [sflag:s29], $0x1  }
0xb5: {  	[sflag:s29] =	ssyncadd.s32 $0xFFFFFFFF  }
0xb6: {  	_ =	strace $0x90000051  }
0xb7: {  	_ =	sfence  }
0xb8: {  	s30 =	sld [smem:$0x0];
	_ =	sdelay $0x2  }
0xb9: {  	s31 =	sshll.u32 s1, $0xD;
	s1 =	sshrl.u32 s1, $0x2  }
0xba: {  	s3 =	sand.u32 $0x4000, s31;
	s1 =	sadd.s32 s1, s30  }
0xbb: {  	s0 =	sor.u32 s3, s0;
	s1 =	sshll.u32 s1, $0x11  }
0xbc: {  	s0 =	sor.u32 s1, s0  }
0xbd: {  	s0 =	sadd.s32 $0x8F2B, s0  }
0xbe: {  	[sflag:s0] =	ssyncadd.remote.s32 $0x1  }
0xbf: {  	_ =	sfence.sel $0xFFFF  }
0xc0: {  	[dreg:$0x0] =	wrdreg $0xFFFFFFFF;
	(pc) =	sbr.abs _section_cstart, $3  }
0xc1: {  	[dreg:$0x1] =	wrdreg $0xFFFFFFFF  }
0xc2: {  	_ =	task.clear_ibuf [dreg:s7], $0x2FFFF;
	_ =	strace $0x9FFFFFFF  }
0xc3: {  	(tm) =	ssettm $0x7FFFFFFF  }
tec
execute0_lowered:
.L_overlay_start_1:
0x0: {  	(tag) =	ssettag $0x1  }
0x1: {  	s6 =	rddreg [dreg:$0x0]  }
0x2: {  	s4 =	rddreg [dreg:$0x1]  }
0x3: {  	s1 =	rddreg [dreg:$0x2]  }
0x4: {  	s0 =	rddreg [dreg:$0x3];
	s2 =	simm.s32 $0x0;
	s20 =	stileid.u32  }
0x5: {  	s3 =	srdreg.scid;
	s12 =	simm.s32 $0x1800;
	s13 =	simm.s32 $0x5800  }
0x6: {  	s14 =	simm.s32 $0x1;
	s15 =	simm.s32 $0x2;
	s16 =	simm.s32 $0x3  }
0x7: {  	s17 =	simm.s32 $0x4;
	s18 =	simm.s32 $0x1700;
	s5 =	smul.u32 $0xA80, s20  }
0x8: {  	s19 =	simm.s32 $0x1780;
	[smem:$0x7FF] =	sst s2;
	s11 =	smul.u32 $0x4F000, s20  }
0x9: {  	s3 =	sand.u32 $0x1, s3;
	p0 =	sne.s32 s20, $0x0;
	s23 =	smul.u32 $0x2780, s20  }
0xa: {  	s24 =	sshll.u32 s20, $0x6;
	_ =	strace $0x80000050;
	s7 =	smul.u32 $0x27800, s3  }
0xb: {  	s8 =	ssub.s32 $0x2, s3;
	s9 =	smul.u32 $0x27100, s3;
	s3 =	sadd.s32 $0x72E00, s4  }
0xc: {  	s5 =	sadd.s32 s5, s4;
	s10 =	sshrl.u32 s8, $0x1;
	s31 =	sshrl.u32 s11, $0x2  }
0xd: {  	s11 =	simm.s32 $0x80;
	s7 =	sadd.s32 s7, s4;
	s8 =	ssub.s32 s8, s10  }
0xe: {  	s4 =	sadd.s32 $0x68600, s5;
	s5 =	sadd.s32 $0x3600, s5;
	s6 =	sadd.s32 s6, s9  }
0xf: {  	s22 =	sadd.s32 s31, s1;
	s9 =	simm.s32 $0x5;
	s10 =	simm.s32 $0xC00  }
0x10: {  	s21 =	sadd.s32 $0x9A600, s7;
	s7 =	smax.u32 s8, $0x1;
	s8 =	sshrl.u32 @!p0 s1, $0x3  }
0x11: {  	s22 =	sshrl.u32 s22, $0x3;
	s20 =	sadd.s32 s23, s21;
	s21 =	sor.u32 $0x1C05, s24  }
.LBB2_1:
0x12: {  	s23 =	simm.s32 @!p0 $0x1C05  }
0x13: {  	[spmem:s8], [sflag:s23] =	dma.local @!p0 [hbm:s3], $0x27800  }
0x14: {  	s23 =	simm.s32 @!p0 $0x5  }
0x15: {  	_ =	swait.ge @!p0 [sflag:s23], $0x27800  }
0x16: {  	[sflag:s23] =	ssyncset.done @!p0 $0x0  }
0x17: {  	[sflag:s23] =	ssyncadd.s32 @!p0 $0xFFFD8800  }
0x18: {  	s23 =	simm.s32 $0x0;
	[bflag:$0x0] =	sbarrier.arrive $0xFFFF  }
.LBB2_2:
0x19: {  	s24 =	smul.u32 $0x180, s23;
	_ =	sdelay $0x1  }
0x1a: {  	s26 =	simm.s32 $0x0;
	s25 =	sadd.s32 s24, s4  }
0x1b: {  	[tilespmem:s26], [sflag:$0x5] =	stream.linear.gather [hbm4b:s25+s26], $0xC00, $0x38;
	[tilespmem:$0x1D400] =	vst v63  }
0x1c: {  	_ =	swait.ge [sflag:s9], $0xC00  }
0x1d: {  	[sflag:s9] =	ssyncset.done $0x0  }
0x1e: {  	s24 =	sadd.s32 s24, s5;
	[sflag:s9] =	ssyncadd.s32 $0xFFFFF400  }
0x1f: {  	[tilespmem:s10], [sflag:$0x5] =	stream.linear.gather [hbm4b:s24+s26], $0xC00, $0x38;
	[tilespmem:$0x1D400] =	vst v63  }
0x20: {  	_ =	swait.ge [sflag:s9], $0xC00  }
0x21: {  	[sflag:s9] =	ssyncset.done $0x0  }
0x22: {  	[sflag:s9] =	ssyncadd.s32 $0xFFFFF400  }
0x23: {  	[tilespmem:s12], [sflag:$0x1] =	stream.indirect.gather [hbm4b:s6+s11], $0x80, s26, s11, $0xb8;
	[tilespmem:$0x1D400] =	vst v63  }
0x24: {  	_ = 	snop  }
0x25: {  	[tilespmem:s13], [sflag:$0x2] =	stream.indirect.gather [hbm4b:s6+s11], $0x80, s11, s11, $0xb8;
	[tilespmem:$0x1D400] =	vst v63  }
0x26: {  	_ =	swait.ge [sflag:s14], $0x4000  }
0x27: {  	[sflag:s14] =	ssyncset.done $0x0  }
0x28: {  	s29 =	simm.s32 $0xC00;
	[sflag:s14] =	ssyncadd.s32 $0xFFFFC000  }
0x29: {  	[spmem:s1] =	stream.indirect.scatter.add.f32 [tilespmem:s12], [sflag:$0x3], $0x80, s29, s11, $0xb8;
	[tilespmem:$0x1D400] =	vst v63  }
0x2a: {  	_ =	swait.ge [sflag:s15], $0x4000  }
0x2b: {  	[sflag:s15] =	ssyncset.done $0x0  }
0x2c: {  	s30 =	simm.s32 $0xC80;
	[sflag:s15] =	ssyncadd.s32 $0xFFFFC000  }
0x2d: {  	[spmem:s1] =	stream.indirect.scatter.add.f32 [tilespmem:s13], [sflag:$0x4], $0x80, s30, s11, $0xb8;
	[tilespmem:$0x1D400] =	vst v63  }
0x2e: {  	_ =	swait.ge [sflag:s16], $0x4000  }
0x2f: {  	[sflag:s16] =	ssyncset.done $0x0  }
0x30: {  	s31 =	simm.s32 $0x100;
	[sflag:s16] =	ssyncadd.s32 $0xFFFFC000  }
0x31: {  	[tilespmem:s12], [sflag:$0x1] =	stream.indirect.gather [hbm4b:s6+s11], $0x80, s31, s11, $0xb8;
	[tilespmem:$0x1D400] =	vst v63  }
0x32: {  	_ =	swait.ge [sflag:s17], $0x4000  }
0x33: {  	[sflag:s17] =	ssyncset.done $0x0  }
0x34: {  	s25 =	simm.s32 $0x180;
	s24 =	simm.s32 $0x400;
	[sflag:s17] =	ssyncadd.s32 $0xFFFFC000  }
.LBB2_3:
0x35: {  	[tilespmem:s13], [sflag:$0x2] =	stream.indirect.gather [hbm4b:s6+s11], $0x80, s25, s11, $0xb8;
	[tilespmem:$0x1D400] =	vst v63  }
0x36: {  	s25 =	smov.u32 s24  }
0x37: {  	p1 =	sne.s32 s24, $0x2800;
	s24 =	sadd.s32 $0x400, s24;
	_ =	swait.ge [sflag:s14], $0x4000  }
0x38: {  	s25 =	sshra.s32 s25, $0x2;
	[sflag:s14] =	ssyncset.done $0x0  }
0x39: {  	s26 =	sadd.s32 $0xC00, s25;
	[sflag:s14] =	ssyncadd.s32 $0xFFFFC000  }
0x3a: {  	[spmem:s1] =	stream.indirect.scatter.add.f32 [tilespmem:s12], [sflag:$0x3], $0x80, s26, s11, $0xb8;
	[tilespmem:$0x1D400] =	vst v63  }
0x3b: {  	_ =	swait.ge [sflag:s15], $0x4000  }
0x3c: {  	[sflag:s15] =	ssyncset.done $0x0  }
0x3d: {  	s26 =	sadd.s32 $0xC80, s25;
	[sflag:s15] =	ssyncadd.s32 $0xFFFFC000  }
0x3e: {  	[spmem:s1] =	stream.indirect.scatter.add.f32 [tilespmem:s13], [sflag:$0x4], $0x80, s26, s11, $0xb8;
	[tilespmem:$0x1D400] =	vst v63  }
0x3f: {  	_ =	swait.ge [sflag:s16], $0x4000  }
0x40: {  	[sflag:s16] =	ssyncset.done $0x0  }
.Ltmp0:
0x41: {  	s26 =	sadd.s32 $0x100, s25;
	[sflag:s16] =	ssyncadd.s32 $0xFFFFC000;
	(pc) =	sbr.rel @p1 .LBB2_3-.Ltmp0, $4  }
0x42: {  	[tilespmem:s12], [sflag:$0x1] =	stream.indirect.gather [hbm4b:s6+s11], $0x80, s26, s11, $0xb8;
	[tilespmem:$0x1D400] =	vst v63  }
0x43: {  	_ =	swait.ge [sflag:s17], $0x4000  }
0x44: {  	[sflag:s17] =	ssyncset.done $0x0  }
0x45: {  	s25 =	sadd.s32 $0x180, s25;
	[sflag:s17] =	ssyncadd.s32 $0xFFFFC000  }
0x46: {  	[tilespmem:s13], [sflag:$0x2] =	stream.indirect.gather [hbm4b:s6+s11], $0x80, s25, s11, $0xb8;
	[tilespmem:$0x1D400] =	vst v63  }
0x47: {  	_ =	swait.ge [sflag:s14], $0x4000  }
0x48: {  	[sflag:s14] =	ssyncset.done $0x0  }
0x49: {  	[sflag:s14] =	ssyncadd.s32 $0xFFFFC000  }
0x4a: {  	[spmem:s1] =	stream.indirect.scatter.add.f32 [tilespmem:s12], [sflag:$0x3], $0x80, s18, s11, $0xb8;
	[tilespmem:$0x1D400] =	vst v63  }
0x4b: {  	_ =	swait.ge [sflag:s15], $0x4000  }
0x4c: {  	[sflag:s15] =	ssyncset.done $0x0  }
0x4d: {  	s23 =	sadd.s32 $0x1, s23;
	[sflag:s15] =	ssyncadd.s32 $0xFFFFC000  }
0x4e: {  	[spmem:s1] =	stream.indirect.scatter.add.f32 [tilespmem:s13], [sflag:$0x4], $0x80, s19, s11, $0xb8;
	[tilespmem:$0x1D400] =	vst v63  }
0x4f: {  	p1 =	sne.s32 s23, $0x7;
	_ =	swait.ge [sflag:s16], $0x4000  }
.Ltmp1:
0x50: {  	[sflag:s16] =	ssyncset.done $0x0;
	(pc) =	sbr.rel @p1 .LBB2_2-.Ltmp1, $4  }
0x51: {  	[sflag:s16] =	ssyncadd.s32 $0xFFFFC000  }
0x52: {  	_ =	swait.ge [sflag:s17], $0x4000  }
0x53: {  	[sflag:s17] =	ssyncset.done $0x0  }
0x54: {  	[sflag:s17] =	ssyncadd.s32 $0xFFFFC000  }
0x55: {  	s2 =	sadd.s32 $0x1, s2  }
0x56: {  	p1 =	sne.s32 s2, s7  }
.Ltmp2:
0x57: {  	[bflag:$0x0] =	sbarrier.arrive $0xFFFF;
	(pc) =	sbr.rel @p1 .LBB2_1-.Ltmp2, $4  }
0x58: {  	[hbm:s20], [sflag:s21] =	dma.local [spmem:s22], $0x2780  }
0x59: {  	_ =	swait.ge [sflag:s9], $0x2780  }
0x5a: {  	[sflag:s9] =	ssyncset.done $0x0  }
0x5b: {  	[sflag:s9] =	ssyncadd.s32 $0xFFFFD880  }
0x5c: {  	_ =	sfence.sel $0x180000  }
0x5d: {  	[bflag:$0x0] =	sbarrier.arrive $0xFFFF  }
0x5e: {  	_ =	strace $0x90000050  }
0x5f: {  	s0 =	sadd.s32 @!p0 $0x100000, s0;
	[bflag:$0x2] =	sbarrier.arrive $0xFFFF  }
0x60: {  	[sflag:s0] =	ssyncadd.tile.s32 @!p0 $0x1;
	_ =	shalt  }
.Lfunc_end2:
_tile_overlayer_lowered:
.L_overlay_start_2:
0x61: {  	(tag) =	ssettag $0x2  }
0x62: {  	s0 =	rddreg [dreg:$0x0];
	s2 =	stileid.u32  }
0x63: {  	s1 =	rddreg [dreg:$0x1];
	p0 =	sne.s32 s2, $0x0  }
0x64: {  	s3 =	rddreg [dreg:$0x2];
	[bflag:$0x3] =	sbarrier.arrive $0xFFFF;
	s2 =	simm.s32 @!p0 $0x1C05  }
0x65: {  	[timem:s3], [sflag:s2] =	dma.local @!p0 [hbm:s0], s1  }
0x66: {  	s0 =	simm.s32 @!p0 $0x5  }
0x67: {  	_ =	swait.ge @!p0 [sflag:s0], s1  }
0x68: {  	s1 =	ssub.s32 @!p0 $0x0, s1;
	[sflag:s0] =	ssyncset.done @!p0 $0x0  }
0x69: {  	[sflag:s0] =	ssyncadd.s32 @!p0 s1  }
0x6a: {  	[bflag:$0x3] =	sbarrier.arrive $0xFFFF  }
0x6b: {  	_ =	shalt  }

</sc_bundles>
